<compile_context>
chip_gen: v7x
topology: tpu7x:2x2x1
jax: 0.10.2.dev20260603
libtpu: 0.0.44.dev20260713+nightly
codegen_flags: <defaults>
</compile_context>

<pallas_src>
import functools

import jax
import jax.numpy as jnp
from jax import lax
from jax.experimental import pallas as pl
from jax.experimental.pallas import tpu as pltpu
from jax.experimental.pallas import tpu_sc as plsc

N2 = 10240
D = 128
NC = 2
NS = 16
EROWS = 2500
ROWS_PER_CORE = EROWS // NC
NPT = N2 // NS
BLK = 512
GRID = N2 // BLK


def _dot_t(a, w):
    return lax.dot_general(a, w, (((1,), (1,)), ((), ())),
                           preferred_element_type=jnp.float32)



def _k1_body(x_ref, wl_ref, wr_ref, b_ref, y_ref, r_ref):
    xb = x_ref[...]
    y_ref[...] = _dot_t(xb, wl_ref[...])
    r_ref[...] = _dot_t(xb, wr_ref[...]) + b_ref[...][None, :]


def _k2_body(agg_ref, cnt_ref, r1_ref, wl_ref, wr_ref, b_ref,
             y2_ref, r2_ref, inv_ref):
    cnt = cnt_ref[0] + cnt_ref[1]
    inv = 1.0 / jnp.maximum(cnt, 1.0)
    mean = (agg_ref[0] + agg_ref[1]) * inv[:, None]
    h = jnp.maximum(mean + r1_ref[...], 0.0)
    y2_ref[...] = _dot_t(h, wl_ref[...])
    r2_ref[...] = _dot_t(h, wr_ref[...]) + b_ref[...][None, :]
    inv_ref[...] = inv


def _k3_body(agg_ref, inv_ref, r2_ref, out_ref):
    out_ref[...] = (agg_ref[0] + agg_ref[1]) * inv_ref[...][:, None] \
        + r2_ref[...]


_w_spec = pl.BlockSpec((D, D), lambda i: (0, 0))
_b_spec = pl.BlockSpec((D,), lambda i: (0,))
_row_spec = pl.BlockSpec((BLK, D), lambda i: (i, 0))
_p_spec = pl.BlockSpec((2, BLK, D), lambda i: (0, i, 0))
_c_spec = pl.BlockSpec((2, BLK), lambda i: (0, i))
_v_spec = pl.BlockSpec((BLK,), lambda i: (i,))

_k1 = pl.pallas_call(
    _k1_body,
    grid=(GRID,),
    in_specs=[_row_spec, _w_spec, _w_spec, _b_spec],
    out_specs=[_row_spec, _row_spec],
    out_shape=[jax.ShapeDtypeStruct((N2, D), jnp.float32)] * 2,
)

_k2 = pl.pallas_call(
    _k2_body,
    grid=(GRID,),
    in_specs=[_p_spec, _c_spec, _row_spec, _w_spec, _w_spec, _b_spec],
    out_specs=[_row_spec, _row_spec, _v_spec],
    out_shape=[jax.ShapeDtypeStruct((N2, D), jnp.float32),
               jax.ShapeDtypeStruct((N2, D), jnp.float32),
               jax.ShapeDtypeStruct((N2,), jnp.float32)],
)

_k3 = pl.pallas_call(
    _k3_body,
    grid=(GRID,),
    in_specs=[_p_spec, _v_spec, _row_spec],
    out_specs=_row_spec,
    out_shape=jax.ShapeDtypeStruct((N2, D), jnp.float32),
)



def _agg_body(with_cnt, y_hbm, src_hbm, dst_hbm, z_hbm, *refs):
    if with_cnt:
        agg_out, cnt_out = refs[0], refs[1]
        rest = refs[2:]
    else:
        agg_out = refs[0]
        rest = refs[1:]
    rows0, sidx, didx, ones, cbuf, isem, agg_sh, cnt_sh = rest

    c = lax.axis_index("c")
    t = lax.axis_index("s")

    if with_cnt:
        for k in range(8):
            ones[pl.ds(k * 16, 16)] = jnp.ones((16,), jnp.float32)

    pltpu.sync_copy(z_hbm, rows0)
    for k in range(NPT // 128):
        pltpu.sync_copy(rows0, agg_sh.at[pl.ds(t * NPT + k * 128, 128)])
        if with_cnt:
            pltpu.sync_copy(rows0.at[0],
                            cnt_sh.at[pl.ds(t * NPT + k * 128, 128)])
    plsc.subcore_barrier()

    base = c * ROWS_PER_CORE
    rem = ROWS_PER_CORE % NS
    npairs = (ROWS_PER_CORE // NS) // 2

    def _row(g):
        return base + t + g * NS

    def prefetch(g, b):
        r = _row(g)

        @pl.when(r < base + ROWS_PER_CORE)
        def _():
            pltpu.async_copy(src_hbm.at[r], sidx.at[b], isem)
            pltpu.async_copy(dst_hbm.at[r], didx.at[b], isem)

    def drain(g, b):
        r = _row(g)

        @pl.when(r < base + ROWS_PER_CORE)
        def _():
            pltpu.make_async_copy(src_hbm.at[r], sidx.at[b], isem).wait()
            pltpu.make_async_copy(dst_hbm.at[r], didx.at[b], isem).wait()

    def work(b):
        pltpu.sync_copy(y_hbm.at[sidx.at[b]], rows0)
        pltpu.sync_copy(rows0, agg_sh.at[didx.at[b]], add=True)
        if with_cnt:
            pltpu.sync_copy(ones, cnt_sh.at[didx.at[b]], add=True)

    pltpu.sync_copy(src_hbm.at[_row(0)], sidx.at[0])
    pltpu.sync_copy(dst_hbm.at[_row(0)], didx.at[0])

    def pair_step(p, cc):
        prefetch(2 * p + 1, 1)
        work(0)
        drain(2 * p + 1, 1)
        prefetch(2 * p + 2, 0)
        work(1)
        drain(2 * p + 2, 0)
        return cc

    lax.fori_loop(0, npairs, pair_step, 0)

    @pl.when(t < rem)
    def _():
        work(0)
    plsc.subcore_barrier()

    for k in range(NPT // 128):
        sl = pl.ds(t * NPT + k * 128, 128)
        pltpu.sync_copy(agg_sh.at[sl], rows0)
        pltpu.sync_copy(rows0, agg_out.at[c, sl])
        if with_cnt:
            pltpu.sync_copy(cnt_sh.at[sl], cbuf)
            pltpu.sync_copy(cbuf, cnt_out.at[c, sl])


def _make_agg(with_cnt):
    out_type = [jax.ShapeDtypeStruct((NC, N2, D), jnp.float32)]
    if with_cnt:
        out_type.append(jax.ShapeDtypeStruct((NC, N2), jnp.float32))
    return pl.kernel(
        functools.partial(_agg_body, with_cnt),
        out_type=out_type,
        mesh=plsc.VectorSubcoreMesh(core_axis_name="c", subcore_axis_name="s",
                                    num_cores=NC, num_subcores=NS),
        scratch_types=[
            pltpu.VMEM((128, D), jnp.float32),
            pltpu.VMEM((2, 128), jnp.int32),
            pltpu.VMEM((2, 128), jnp.int32),
            pltpu.VMEM((128,), jnp.float32),
            pltpu.VMEM((128,), jnp.float32),
            pltpu.SemaphoreType.DMA,
            pltpu.VMEM_SHARED((N2, D), jnp.float32),
            pltpu.VMEM_SHARED((N2,), jnp.float32),
        ],
    )


_agg_cnt = _make_agg(True)
_agg = _make_agg(False)



@jax.jit
def kernel(x, edge_index, edge_attr, W1l, b1l, W1r, W2l, b2l, W2r):
    del edge_attr
    n = x.shape[0]
    xp = jnp.pad(x, ((0, N2 - n), (0, 0)))
    src = edge_index[0].astype(jnp.int32).reshape(EROWS, 128)
    dst = edge_index[1].astype(jnp.int32).reshape(EROWS, 128)
    zeros = jnp.zeros((128, D), jnp.float32)

    y1, r1 = _k1(xp, W1l, W1r, b1l)
    p1, cnt = _agg_cnt(y1, src, dst, zeros)
    y2, r2, inv = _k2(p1, cnt, r1, W2l, W2r, b2l)
    p2, = _agg(y2, src, dst, zeros)
    out = _k3(p2, inv, r2)
    return out[:n]

# --- scband reference (transcript-rebuilt; emitter-appended) ---
"""Pipeline reference for scband-graph-sage-34548716929127 (READ-ONLY COPY).

The authoritative reference and input builder live on the scoring server;
editing this copy changes nothing except your own understanding.
"""

import jax, jax.numpy as jnp
import numpy as np

N = 10000
E = 320000
D = 128
H = 128
O = 128


def setup_inputs(seed: int = 0) -> dict:
    key = jax.random.key(seed)
    ks = jax.random.split(key, 10)
    x = jax.random.normal(ks[0], (N, D), dtype=jnp.float32)
    edge_index = jax.random.randint(ks[1], (2, E), 0, N)
    edge_attr = jax.random.normal(ks[2], (E, 16), dtype=jnp.float32)
    s1 = 1.0 / np.sqrt(D)
    s2 = 1.0 / np.sqrt(H)
    W1l = jax.random.normal(ks[3], (H, D), dtype=jnp.float32) * s1
    b1l = jnp.zeros((H,), dtype=jnp.float32)
    W1r = jax.random.normal(ks[4], (H, D), dtype=jnp.float32) * s1
    W2l = jax.random.normal(ks[5], (O, H), dtype=jnp.float32) * s2
    b2l = jnp.zeros((O,), dtype=jnp.float32)
    W2r = jax.random.normal(ks[6], (O, H), dtype=jnp.float32) * s2
    return {"x": x, "edge_index": edge_index, "edge_attr": edge_attr,
            "W1l": W1l, "b1l": b1l, "W1r": W1r,
            "W2l": W2l, "b2l": b2l, "W2r": W2r}


def sage_conv(x, edge_index, Wl, bl, Wr):
    # PyG SAGEConv with mean aggregation:
    # out_i = Wl @ mean_{j in N(i)} x_j + bl + Wr @ x_i
    src = edge_index[0]
    dst = edge_index[1]
    n = x.shape[0]
    msgs = jnp.take(x, src, axis=0)                          # gather (SparseCore)
    agg = jax.ops.segment_sum(msgs, dst, num_segments=n)     # scatter-add
    cnt = jax.ops.segment_sum(jnp.ones((msgs.shape[0],), dtype=x.dtype), dst, num_segments=n)
    mean = agg / jnp.clip(cnt, 1.0)[:, None]
    return mean @ Wl.T + bl + x @ Wr.T


def reference(x, edge_index, edge_attr, W1l, b1l, W1r, W2l, b2l, W2r):
    # edge_attr is accepted by the original forward signature but unused
    h = sage_conv(x, edge_index, W1l, b1l, W1r)
    h = jax.nn.relu(h)
    out = sage_conv(h, edge_index, W2l, b2l, W2r)
    return out

if __name__ == "__main__":
    import jax
    _d = setup_inputs()
    print(jax.jit(kernel)(*tuple(_d.values())))

</pallas_src>

<mosaic_0001>
#map = affine_map<(d0, d1) -> (0, 0)>
#map1 = affine_map<(d0, d1) -> (0, 0, 0)>
module attributes {stable_mosaic.version = 14 : i64} {
  func.func @_agg_body(%arg0: i32, %arg1: i32, %arg2: memref<10240x128xf32, #tpu.memory_space<hbm>>, %arg3: memref<2500x128xi32, #tpu.memory_space<hbm>>, %arg4: memref<2500x128xi32, #tpu.memory_space<hbm>>, %arg5: memref<128x128xf32, #tpu.memory_space<hbm>>, %arg6: memref<2x10240x128xf32, #tpu.memory_space<hbm>>, %arg7: memref<2x10240xf32, #tpu.memory_space<hbm>>, %arg8: memref<128x128xf32, #tpu.memory_space<vmem>>, %arg9: memref<2x128xi32, #tpu.memory_space<vmem>>, %arg10: memref<2x128xi32, #tpu.memory_space<vmem>>, %arg11: memref<128xf32, #tpu.memory_space<vmem>>, %arg12: memref<128xf32, #tpu.memory_space<vmem>>, %arg13: memref<!tpu.dma_semaphore, #tpu.memory_space<semaphore_mem>>, %arg14: memref<10240x128xf32, #tpu.memory_space<vmem_shared>>, %arg15: memref<10240xf32, #tpu.memory_space<vmem_shared>>) attributes {dimension_semantics = [#tpu.dimension_semantics<core_parallel>, #tpu.dimension_semantics<subcore_parallel>], iteration_bounds = array<i64: 2, 16>, scalar_prefetch = 0 : i64, scratch_operands = 8 : i64, tpu.core_type = #tpu.core_type<sc_vector_subcore>, window_params = [{transform_indices = #map}, {transform_indices = #map}, {transform_indices = #map}, {transform_indices = #map}, {transform_indices = #map1}, {transform_indices = #map}]} {
    %broadcast_in_dim3A = arith.constant 1.000000e+00 : f32
    %broadcast_in_dim3A_0 = vector.broadcast %broadcast_in_dim3A : f32 to vector<16xf32>
    %swap3A = arith.constant 0 : index
    %swap3A_1 = tpu.vector_load %arg11[%swap3A] {strides = array<i32>} : memref<128xf32, #tpu.memory_space<vmem>>, vector<16xf32>,
    %swap3A_2 = vector.shape_cast %swap3A_1 : vector<16xf32> to vector<16xf32>
    %swap3A_3 = vector.shape_cast %broadcast_in_dim3A_0 : vector<16xf32> to vector<16xf32>
    tpu.vector_store %arg11[%swap3A], %swap3A_3 {strides = array<i32>} : memref<128xf32, #tpu.memory_space<vmem>>, vector<16xf32>,
    %broadcast_in_dim3A_4 = arith.constant 1.000000e+00 : f32
    %broadcast_in_dim3A_5 = vector.broadcast %broadcast_in_dim3A_4 : f32 to vector<16xf32>
    %swap3A_6 = arith.constant 16 : index
    %swap3A_7 = tpu.vector_load %arg11[%swap3A_6] {strides = array<i32>} : memref<128xf32, #tpu.memory_space<vmem>>, vector<16xf32>,
    %swap3A_8 = vector.shape_cast %swap3A_7 : vector<16xf32> to vector<16xf32>
    %swap3A_9 = vector.shape_cast %broadcast_in_dim3A_5 : vector<16xf32> to vector<16xf32>
    tpu.vector_store %arg11[%swap3A_6], %swap3A_9 {strides = array<i32>} : memref<128xf32, #tpu.memory_space<vmem>>, vector<16xf32>,
    %broadcast_in_dim3A_10 = arith.constant 1.000000e+00 : f32
    %broadcast_in_dim3A_11 = vector.broadcast %broadcast_in_dim3A_10 : f32 to vector<16xf32>
    %swap3A_12 = arith.constant 32 : index
    %swap3A_13 = tpu.vector_load %arg11[%swap3A_12] {strides = array<i32>} : memref<128xf32, #tpu.memory_space<vmem>>, vector<16xf32>,
    %swap3A_14 = vector.shape_cast %swap3A_13 : vector<16xf32> to vector<16xf32>
    %swap3A_15 = vector.shape_cast %broadcast_in_dim3A_11 : vector<16xf32> to vector<16xf32>
    tpu.vector_store %arg11[%swap3A_12], %swap3A_15 {strides = array<i32>} : memref<128xf32, #tpu.memory_space<vmem>>, vector<16xf32>,
    %broadcast_in_dim3A_16 = arith.constant 1.000000e+00 : f32
    %broadcast_in_dim3A_17 = vector.broadcast %broadcast_in_dim3A_16 : f32 to vector<16xf32>
    %swap3A_18 = arith.constant 48 : index
    %swap3A_19 = tpu.vector_load %arg11[%swap3A_18] {strides = array<i32>} : memref<128xf32, #tpu.memory_space<vmem>>, vector<16xf32>,
    %swap3A_20 = vector.shape_cast %swap3A_19 : vector<16xf32> to vector<16xf32>
    %swap3A_21 = vector.shape_cast %broadcast_in_dim3A_17 : vector<16xf32> to vector<16xf32>
    tpu.vector_store %arg11[%swap3A_18], %swap3A_21 {strides = array<i32>} : memref<128xf32, #tpu.memory_space<vmem>>, vector<16xf32>,
    %broadcast_in_dim3A_22 = arith.constant 1.000000e+00 : f32
    %broadcast_in_dim3A_23 = vector.broadcast %broadcast_in_dim3A_22 : f32 to vector<16xf32>
    %swap3A_24 = arith.constant 64 : index
    %swap3A_25 = tpu.vector_load %arg11[%swap3A_24] {strides = array<i32>} : memref<128xf32, #tpu.memory_space<vmem>>, vector<16xf32>,
    %swap3A_26 = vector.shape_cast %swap3A_25 : vector<16xf32> to vector<16xf32>
    %swap3A_27 = vector.shape_cast %broadcast_in_dim3A_23 : vector<16xf32> to vector<16xf32>
    tpu.vector_store %arg11[%swap3A_24], %swap3A_27 {strides = array<i32>} : memref<128xf32, #tpu.memory_space<vmem>>, vector<16xf32>,
    %broadcast_in_dim3A_28 = arith.constant 1.000000e+00 : f32
    %broadcast_in_dim3A_29 = vector.broadcast %broadcast_in_dim3A_28 : f32 to vector<16xf32>
    %swap3A_30 = arith.constant 80 : index
    %swap3A_31 = tpu.vector_load %arg11[%swap3A_30] {strides = array<i32>} : memref<128xf32, #tpu.memory_space<vmem>>, vector<16xf32>,
    %swap3A_32 = vector.shape_cast %swap3A_31 : vector<16xf32> to vector<16xf32>
    %swap3A_33 = vector.shape_cast %broadcast_in_dim3A_29 : vector<16xf32> to vector<16xf32>
    tpu.vector_store %arg11[%swap3A_30], %swap3A_33 {strides = array<i32>} : memref<128xf32, #tpu.memory_space<vmem>>, vector<16xf32>,
    %broadcast_in_dim3A_34 = arith.constant 1.000000e+00 : f32
    %broadcast_in_dim3A_35 = vector.broadcast %broadcast_in_dim3A_34 : f32 to vector<16xf32>
    %swap3A_36 = arith.constant 96 : index
    %swap3A_37 = tpu.vector_load %arg11[%swap3A_36] {strides = array<i32>} : memref<128xf32, #tpu.memory_space<vmem>>, vector<16xf32>,
    %swap3A_38 = vector.shape_cast %swap3A_37 : vector<16xf32> to vector<16xf32>
    %swap3A_39 = vector.shape_cast %broadcast_in_dim3A_35 : vector<16xf32> to vector<16xf32>
    tpu.vector_store %arg11[%swap3A_36], %swap3A_39 {strides = array<i32>} : memref<128xf32, #tpu.memory_space<vmem>>, vector<16xf32>,
    %broadcast_in_dim3A_40 = arith.constant 1.000000e+00 : f32
    %broadcast_in_dim3A_41 = vector.broadcast %broadcast_in_dim3A_40 : f32 to vector<16xf32>
    %swap3A_42 = arith.constant 112 : index
    %swap3A_43 = tpu.vector_load %arg11[%swap3A_42] {strides = array<i32>} : memref<128xf32, #tpu.memory_space<vmem>>, vector<16xf32>,
    %swap3A_44 = vector.shape_cast %swap3A_43 : vector<16xf32> to vector<16xf32>
    %swap3A_45 = vector.shape_cast %broadcast_in_dim3A_41 : vector<16xf32> to vector<16xf32>
    tpu.vector_store %arg11[%swap3A_42], %swap3A_45 {strides = array<i32>} : memref<128xf32, #tpu.memory_space<vmem>>, vector<16xf32>,
    "tpu.region"() ({
      %run_scoped3A_126 = tpu.sem_alloc : memref<!tpu.dma_semaphore, #tpu.memory_space<semaphore_mem>>
      tpu.enqueue_dma source(%arg5 : memref<128x128xf32, #tpu.memory_space<hbm>>) target(%arg8 : memref<128x128xf32, #tpu.memory_space<vmem>>) target_semaphore(%run_scoped3A_126 : memref<!tpu.dma_semaphore, #tpu.memory_space<semaphore_mem>>)
      tpu.wait_dma2 semaphore(%run_scoped3A_126 : memref<!tpu.dma_semaphore, #tpu.memory_space<semaphore_mem>>) src(%arg5 : memref<128x128xf32, #tpu.memory_space<hbm>>) dst(%arg8 : memref<128x128xf32, #tpu.memory_space<vmem>>)
      tpu.yield
    }) : () -> ()
    %mul3A = arith.constant 640 : i32
    %mul3A_46 = arith.muli %arg1, %mul3A : i32
    %add3A = arith.constant 0 : i32
    %add3A_47 = arith.addi %mul3A_46, %add3A : i32
    "tpu.region"() ({
      %run_scoped3A_126 = tpu.sem_alloc : memref<!tpu.dma_semaphore, #tpu.memory_space<semaphore_mem>>
      %dma_start3A = arith.constant 0 : i32
      %dma_start3A_127 = tpu.memref_slice %arg14[%add3A_47, %dma_start3A] : memref<10240x128xf32, #tpu.memory_space<vmem_shared>> -> memref<128x128xf32, #tpu.memory_space<vmem_shared>>
      %dma_start3A_128 = arith.constant 0 : i32
      %dma_start3A_129 = tpu.memref_slice %arg14[%add3A_47, %dma_start3A_128] : memref<10240x128xf32, #tpu.memory_space<vmem_shared>> -> memref<128x128xf32, #tpu.memory_space<vmem_shared>>
      tpu.enqueue_dma source(%arg8 : memref<128x128xf32, #tpu.memory_space<vmem>>) target(%dma_start3A_129 : memref<128x128xf32, #tpu.memory_space<vmem_shared>>) target_semaphore(%run_scoped3A_126 : memref<!tpu.dma_semaphore, #tpu.memory_space<semaphore_mem>>)
      %dma_wait3A = arith.constant 0 : i32
      %dma_wait3A_130 = tpu.memref_slice %arg14[%add3A_47, %dma_wait3A] : memref<10240x128xf32, #tpu.memory_space<vmem_shared>> -> memref<128x128xf32, #tpu.memory_space<vmem_shared>>
      %dma_wait3A_131 = arith.constant 0 : i32
      %dma_wait3A_132 = tpu.memref_slice %arg14[%add3A_47, %dma_wait3A_131] : memref<10240x128xf32, #tpu.memory_space<vmem_shared>> -> memref<128x128xf32, #tpu.memory_space<vmem_shared>>
      tpu.wait_dma2 semaphore(%run_scoped3A_126 : memref<!tpu.dma_semaphore, #tpu.memory_space<semaphore_mem>>) src(%arg8 : memref<128x128xf32, #tpu.memory_space<vmem>>) dst(%dma_wait3A_132 : memref<128x128xf32, #tpu.memory_space<vmem_shared>>)
      tpu.yield
    }) : () -> ()
    %mul3A_48 = arith.constant 640 : i32
    %mul3A_49 = arith.muli %arg1, %mul3A_48 : i32
    %add3A_50 = arith.constant 0 : i32
    %add3A_51 = arith.addi %mul3A_49, %add3A_50 : i32
    %run_scoped3A = arith.constant 0 : i32
    "tpu.region"() ({
      %run_scoped3A_126 = tpu.sem_alloc : memref<!tpu.dma_semaphore, #tpu.memory_space<semaphore_mem>>
      %dma_start3A = arith.constant 0 : i32
      %dma_start3A_127 = tpu.memref_slice %arg8[%run_scoped3A, %dma_start3A] : memref<128x128xf32, #tpu.memory_space<vmem>> -> memref<1x128xf32, #tpu.memory_space<vmem>>
      %dma_start3A_128 = tpu.memref_squeeze %dma_start3A_127 : memref<1x128xf32, #tpu.memory_space<vmem>> -> memref<128xf32, #tpu.memory_space<vmem>>
      %dma_start3A_129 = tpu.memref_slice %arg15[%add3A_51] : memref<10240xf32, #tpu.memory_space<vmem_shared>> -> memref<128xf32, #tpu.memory_space<vmem_shared>>
      %dma_start3A_130 = tpu.memref_slice %arg15[%add3A_51] : memref<10240xf32, #tpu.memory_space<vmem_shared>> -> memref<128xf32, #tpu.memory_space<vmem_shared>>
      %dma_start3A_131 = arith.constant 0 : i32
      %dma_start3A_132 = tpu.memref_slice %arg8[%run_scoped3A, %dma_start3A_131] : memref<128x128xf32, #tpu.memory_space<vmem>> -> memref<1x128xf32, #tpu.memory_space<vmem>>
      %dma_start3A_133 = tpu.memref_squeeze %dma_start3A_132 : memref<1x128xf32, #tpu.memory_space<vmem>> -> memref<128xf32, #tpu.memory_space<vmem>>
      tpu.enqueue_dma source(%dma_start3A_133 : memref<128xf32, #tpu.memory_space<vmem>>) target(%dma_start3A_130 : memref<128xf32, #tpu.memory_space<vmem_shared>>) target_semaphore(%run_scoped3A_126 : memref<!tpu.dma_semaphore, #tpu.memory_space<semaphore_mem>>)
      %dma_wait3A = arith.constant 0 : i32
      %dma_wait3A_134 = tpu.memref_slice %arg8[%run_scoped3A, %dma_wait3A] : memref<128x128xf32, #tpu.memory_space<vmem>> -> memref<1x128xf32, #tpu.memory_space<vmem>>
      %dma_wait3A_135 = tpu.memref_squeeze %dma_wait3A_134 : memref<1x128xf32, #tpu.memory_space<vmem>> -> memref<128xf32, #tpu.memory_space<vmem>>
      %dma_wait3A_136 = tpu.memref_slice %arg15[%add3A_51] : memref<10240xf32, #tpu.memory_space<vmem_shared>> -> memref<128xf32, #tpu.memory_space<vmem_shared>>
      %dma_wait3A_137 = tpu.memref_slice %arg15[%add3A_51] : memref<10240xf32, #tpu.memory_space<vmem_shared>> -> memref<128xf32, #tpu.memory_space<vmem_shared>>
      %dma_wait3A_138 = arith.constant 0 : i32
      %dma_wait3A_139 = tpu.memref_slice %arg8[%run_scoped3A, %dma_wait3A_138] : memref<128x128xf32, #tpu.memory_space<vmem>> -> memref<1x128xf32, #tpu.memory_space<vmem>>
      %dma_wait3A_140 = tpu.memref_squeeze %dma_wait3A_139 : memref<1x128xf32, #tpu.memory_space<vmem>> -> memref<128xf32, #tpu.memory_space<vmem>>
      tpu.wait_dma2 semaphore(%run_scoped3A_126 : memref<!tpu.dma_semaphore, #tpu.memory_space<semaphore_mem>>) src(%dma_wait3A_140 : memref<128xf32, #tpu.memory_space<vmem>>) dst(%dma_wait3A_137 : memref<128xf32, #tpu.memory_space<vmem_shared>>)
      tpu.yield
    }) : () -> ()
    %mul3A_52 = arith.constant 640 : i32
    %mul3A_53 = arith.muli %arg1, %mul3A_52 : i32
    %add3A_54 = arith.constant 128 : i32
    %add3A_55 = arith.addi %mul3A_53, %add3A_54 : i32
    "tpu.region"() ({
      %run_scoped3A_126 = tpu.sem_alloc : memref<!tpu.dma_semaphore, #tpu.memory_space<semaphore_mem>>
      %dma_start3A = arith.constant 0 : i32
      %dma_start3A_127 = tpu.memref_slice %arg14[%add3A_55, %dma_start3A] : memref<10240x128xf32, #tpu.memory_space<vmem_shared>> -> memref<128x128xf32, #tpu.memory_space<vmem_shared>>
      %dma_start3A_128 = arith.constant 0 : i32
      %dma_start3A_129 = tpu.memref_slice %arg14[%add3A_55, %dma_start3A_128] : memref<10240x128xf32, #tpu.memory_space<vmem_shared>> -> memref<128x128xf32, #tpu.memory_space<vmem_shared>>
      tpu.enqueue_dma source(%arg8 : memref<128x128xf32, #tpu.memory_space<vmem>>) target(%dma_start3A_129 : memref<128x128xf32, #tpu.memory_space<vmem_shared>>) target_semaphore(%run_scoped3A_126 : memref<!tpu.dma_semaphore, #tpu.memory_space<semaphore_mem>>)
      %dma_wait3A = arith.constant 0 : i32
      %dma_wait3A_130 = tpu.memref_slice %arg14[%add3A_55, %dma_wait3A] : memref<10240x128xf32, #tpu.memory_space<vmem_shared>> -> memref<128x128xf32, #tpu.memory_space<vmem_shared>>
      %dma_wait3A_131 = arith.constant 0 : i32
      %dma_wait3A_132 = tpu.memref_slice %arg14[%add3A_55, %dma_wait3A_131] : memref<10240x128xf32, #tpu.memory_space<vmem_shared>> -> memref<128x128xf32, #tpu.memory_space<vmem_shared>>
      tpu.wait_dma2 semaphore(%run_scoped3A_126 : memref<!tpu.dma_semaphore, #tpu.memory_space<semaphore_mem>>) src(%arg8 : memref<128x128xf32, #tpu.memory_space<vmem>>) dst(%dma_wait3A_132 : memref<128x128xf32, #tpu.memory_space<vmem_shared>>)
      tpu.yield
    }) : () -> ()
    %mul3A_56 = arith.constant 640 : i32
    %mul3A_57 = arith.muli %arg1, %mul3A_56 : i32
    %add3A_58 = arith.constant 128 : i32
    %add3A_59 = arith.addi %mul3A_57, %add3A_58 : i32
    %run_scoped3A_60 = arith.constant 0 : i32
    "tpu.region"() ({
      %run_scoped3A_126 = tpu.sem_alloc : memref<!tpu.dma_semaphore, #tpu.memory_space<semaphore_mem>>
      %dma_start3A = arith.constant 0 : i32
      %dma_start3A_127 = tpu.memref_slice %arg8[%run_scoped3A_60, %dma_start3A] : memref<128x128xf32, #tpu.memory_space<vmem>> -> memref<1x128xf32, #tpu.memory_space<vmem>>
      %dma_start3A_128 = tpu.memref_squeeze %dma_start3A_127 : memref<1x128xf32, #tpu.memory_space<vmem>> -> memref<128xf32, #tpu.memory_space<vmem>>
      %dma_start3A_129 = tpu.memref_slice %arg15[%add3A_59] : memref<10240xf32, #tpu.memory_space<vmem_shared>> -> memref<128xf32, #tpu.memory_space<vmem_shared>>
      %dma_start3A_130 = tpu.memref_slice %arg15[%add3A_59] : memref<10240xf32, #tpu.memory_space<vmem_shared>> -> memref<128xf32, #tpu.memory_space<vmem_shared>>
      %dma_start3A_131 = arith.constant 0 : i32
      %dma_start3A_132 = tpu.memref_slice %arg8[%run_scoped3A_60, %dma_start3A_131] : memref<128x128xf32, #tpu.memory_space<vmem>> -> memref<1x128xf32, #tpu.memory_space<vmem>>
      %dma_start3A_133 = tpu.memref_squeeze %dma_start3A_132 : memref<1x128xf32, #tpu.memory_space<vmem>> -> memref<128xf32, #tpu.memory_space<vmem>>
      tpu.enqueue_dma source(%dma_start3A_133 : memref<128xf32, #tpu.memory_space<vmem>>) target(%dma_start3A_130 : memref<128xf32, #tpu.memory_space<vmem_shared>>) target_semaphore(%run_scoped3A_126 : memref<!tpu.dma_semaphore, #tpu.memory_space<semaphore_mem>>)
      %dma_wait3A = arith.constant 0 : i32
      %dma_wait3A_134 = tpu.memref_slice %arg8[%run_scoped3A_60, %dma_wait3A] : memref<128x128xf32, #tpu.memory_space<vmem>> -> memref<1x128xf32, #tpu.memory_space<vmem>>
      %dma_wait3A_135 = tpu.memref_squeeze %dma_wait3A_134 : memref<1x128xf32, #tpu.memory_space<vmem>> -> memref<128xf32, #tpu.memory_space<vmem>>
      %dma_wait3A_136 = tpu.memref_slice %arg15[%add3A_59] : memref<10240xf32, #tpu.memory_space<vmem_shared>> -> memref<128xf32, #tpu.memory_space<vmem_shared>>
      %dma_wait3A_137 = tpu.memref_slice %arg15[%add3A_59] : memref<10240xf32, #tpu.memory_space<vmem_shared>> -> memref<128xf32, #tpu.memory_space<vmem_shared>>
      %dma_wait3A_138 = arith.constant 0 : i32
      %dma_wait3A_139 = tpu.memref_slice %arg8[%run_scoped3A_60, %dma_wait3A_138] : memref<128x128xf32, #tpu.memory_space<vmem>> -> memref<1x128xf32, #tpu.memory_space<vmem>>
      %dma_wait3A_140 = tpu.memref_squeeze %dma_wait3A_139 : memref<1x128xf32, #tpu.memory_space<vmem>> -> memref<128xf32, #tpu.memory_space<vmem>>
      tpu.wait_dma2 semaphore(%run_scoped3A_126 : memref<!tpu.dma_semaphore, #tpu.memory_space<semaphore_mem>>) src(%dma_wait3A_140 : memref<128xf32, #tpu.memory_space<vmem>>) dst(%dma_wait3A_137 : memref<128xf32, #tpu.memory_space<vmem_shared>>)
      tpu.yield
    }) : () -> ()
    %mul3A_61 = arith.constant 640 : i32
    %mul3A_62 = arith.muli %arg1, %mul3A_61 : i32
    %add3A_63 = arith.constant 256 : i32
    %add3A_64 = arith.addi %mul3A_62, %add3A_63 : i32
    "tpu.region"() ({
      %run_scoped3A_126 = tpu.sem_alloc : memref<!tpu.dma_semaphore, #tpu.memory_space<semaphore_mem>>
      %dma_start3A = arith.constant 0 : i32
      %dma_start3A_127 = tpu.memref_slice %arg14[%add3A_64, %dma_start3A] : memref<10240x128xf32, #tpu.memory_space<vmem_shared>> -> memref<128x128xf32, #tpu.memory_space<vmem_shared>>
      %dma_start3A_128 = arith.constant 0 : i32
      %dma_start3A_129 = tpu.memref_slice %arg14[%add3A_64, %dma_start3A_128] : memref<10240x128xf32, #tpu.memory_space<vmem_shared>> -> memref<128x128xf32, #tpu.memory_space<vmem_shared>>
      tpu.enqueue_dma source(%arg8 : memref<128x128xf32, #tpu.memory_space<vmem>>) target(%dma_start3A_129 : memref<128x128xf32, #tpu.memory_space<vmem_shared>>) target_semaphore(%run_scoped3A_126 : memref<!tpu.dma_semaphore, #tpu.memory_space<semaphore_mem>>)
      %dma_wait3A = arith.constant 0 : i32
      %dma_wait3A_130 = tpu.memref_slice %arg14[%add3A_64, %dma_wait3A] : memref<10240x128xf32, #tpu.memory_space<vmem_shared>> -> memref<128x128xf32, #tpu.memory_space<vmem_shared>>
      %dma_wait3A_131 = arith.constant 0 : i32
      %dma_wait3A_132 = tpu.memref_slice %arg14[%add3A_64, %dma_wait3A_131] : memref<10240x128xf32, #tpu.memory_space<vmem_shared>> -> memref<128x128xf32, #tpu.memory_space<vmem_shared>>
      tpu.wait_dma2 semaphore(%run_scoped3A_126 : memref<!tpu.dma_semaphore, #tpu.memory_space<semaphore_mem>>) src(%arg8 : memref<128x128xf32, #tpu.memory_space<vmem>>) dst(%dma_wait3A_132 : memref<128x128xf32, #tpu.memory_space<vmem_shared>>)
      tpu.yield
    }) : () -> ()
    %mul3A_65 = arith.constant 640 : i32
    %mul3A_66 = arith.muli %arg1, %mul3A_65 : i32
    %add3A_67 = arith.constant 256 : i32
    %add3A_68 = arith.addi %mul3A_66, %add3A_67 : i32
    %run_scoped3A_69 = arith.constant 0 : i32
    "tpu.region"() ({
      %run_scoped3A_126 = tpu.sem_alloc : memref<!tpu.dma_semaphore, #tpu.memory_space<semaphore_mem>>
      %dma_start3A = arith.constant 0 : i32
      %dma_start3A_127 = tpu.memref_slice %arg8[%run_scoped3A_69, %dma_start3A] : memref<128x128xf32, #tpu.memory_space<vmem>> -> memref<1x128xf32, #tpu.memory_space<vmem>>
      %dma_start3A_128 = tpu.memref_squeeze %dma_start3A_127 : memref<1x128xf32, #tpu.memory_space<vmem>> -> memref<128xf32, #tpu.memory_space<vmem>>
      %dma_start3A_129 = tpu.memref_slice %arg15[%add3A_68] : memref<10240xf32, #tpu.memory_space<vmem_shared>> -> memref<128xf32, #tpu.memory_space<vmem_shared>>
      %dma_start3A_130 = tpu.memref_slice %arg15[%add3A_68] : memref<10240xf32, #tpu.memory_space<vmem_shared>> -> memref<128xf32, #tpu.memory_space<vmem_shared>>
      %dma_start3A_131 = arith.constant 0 : i32
      %dma_start3A_132 = tpu.memref_slice %arg8[%run_scoped3A_69, %dma_start3A_131] : memref<128x128xf32, #tpu.memory_space<vmem>> -> memref<1x128xf32, #tpu.memory_space<vmem>>
      %dma_start3A_133 = tpu.memref_squeeze %dma_start3A_132 : memref<1x128xf32, #tpu.memory_space<vmem>> -> memref<128xf32, #tpu.memory_space<vmem>>
      tpu.enqueue_dma source(%dma_start3A_133 : memref<128xf32, #tpu.memory_space<vmem>>) target(%dma_start3A_130 : memref<128xf32, #tpu.memory_space<vmem_shared>>) target_semaphore(%run_scoped3A_126 : memref<!tpu.dma_semaphore, #tpu.memory_space<semaphore_mem>>)
      %dma_wait3A = arith.constant 0 : i32
      %dma_wait3A_134 = tpu.memref_slice %arg8[%run_scoped3A_69, %dma_wait3A] : memref<128x128xf32, #tpu.memory_space<vmem>> -> memref<1x128xf32, #tpu.memory_space<vmem>>
      %dma_wait3A_135 = tpu.memref_squeeze %dma_wait3A_134 : memref<1x128xf32, #tpu.memory_space<vmem>> -> memref<128xf32, #tpu.memory_space<vmem>>
      %dma_wait3A_136 = tpu.memref_slice %arg15[%add3A_68] : memref<10240xf32, #tpu.memory_space<vmem_shared>> -> memref<128xf32, #tpu.memory_space<vmem_shared>>
      %dma_wait3A_137 = tpu.memref_slice %arg15[%add3A_68] : memref<10240xf32, #tpu.memory_space<vmem_shared>> -> memref<128xf32, #tpu.memory_space<vmem_shared>>
      %dma_wait3A_138 = arith.constant 0 : i32
      %dma_wait3A_139 = tpu.memref_slice %arg8[%run_scoped3A_69, %dma_wait3A_138] : memref<128x128xf32, #tpu.memory_space<vmem>> -> memref<1x128xf32, #tpu.memory_space<vmem>>
      %dma_wait3A_140 = tpu.memref_squeeze %dma_wait3A_139 : memref<1x128xf32, #tpu.memory_space<vmem>> -> memref<128xf32, #tpu.memory_space<vmem>>
      tpu.wait_dma2 semaphore(%run_scoped3A_126 : memref<!tpu.dma_semaphore, #tpu.memory_space<semaphore_mem>>) src(%dma_wait3A_140 : memref<128xf32, #tpu.memory_space<vmem>>) dst(%dma_wait3A_137 : memref<128xf32, #tpu.memory_space<vmem_shared>>)
      tpu.yield
    }) : () -> ()
    %mul3A_70 = arith.constant 640 : i32
    %mul3A_71 = arith.muli %arg1, %mul3A_70 : i32
    %add3A_72 = arith.constant 384 : i32
    %add3A_73 = arith.addi %mul3A_71, %add3A_72 : i32
    "tpu.region"() ({
      %run_scoped3A_126 = tpu.sem_alloc : memref<!tpu.dma_semaphore, #tpu.memory_space<semaphore_mem>>
      %dma_start3A = arith.constant 0 : i32
      %dma_start3A_127 = tpu.memref_slice %arg14[%add3A_73, %dma_start3A] : memref<10240x128xf32, #tpu.memory_space<vmem_shared>> -> memref<128x128xf32, #tpu.memory_space<vmem_shared>>
      %dma_start3A_128 = arith.constant 0 : i32
      %dma_start3A_129 = tpu.memref_slice %arg14[%add3A_73, %dma_start3A_128] : memref<10240x128xf32, #tpu.memory_space<vmem_shared>> -> memref<128x128xf32, #tpu.memory_space<vmem_shared>>
      tpu.enqueue_dma source(%arg8 : memref<128x128xf32, #tpu.memory_space<vmem>>) target(%dma_start3A_129 : memref<128x128xf32, #tpu.memory_space<vmem_shared>>) target_semaphore(%run_scoped3A_126 : memref<!tpu.dma_semaphore, #tpu.memory_space<semaphore_mem>>)
      %dma_wait3A = arith.constant 0 : i32
      %dma_wait3A_130 = tpu.memref_slice %arg14[%add3A_73, %dma_wait3A] : memref<10240x128xf32, #tpu.memory_space<vmem_shared>> -> memref<128x128xf32, #tpu.memory_space<vmem_shared>>
      %dma_wait3A_131 = arith.constant 0 : i32
      %dma_wait3A_132 = tpu.memref_slice %arg14[%add3A_73, %dma_wait3A_131] : memref<10240x128xf32, #tpu.memory_space<vmem_shared>> -> memref<128x128xf32, #tpu.memory_space<vmem_shared>>
      tpu.wait_dma2 semaphore(%run_scoped3A_126 : memref<!tpu.dma_semaphore, #tpu.memory_space<semaphore_mem>>) src(%arg8 : memref<128x128xf32, #tpu.memory_space<vmem>>) dst(%dma_wait3A_132 : memref<128x128xf32, #tpu.memory_space<vmem_shared>>)
      tpu.yield
    }) : () -> ()
    %mul3A_74 = arith.constant 640 : i32
    %mul3A_75 = arith.muli %arg1, %mul3A_74 : i32
    %add3A_76 = arith.constant 384 : i32
    %add3A_77 = arith.addi %mul3A_75, %add3A_76 : i32
    %run_scoped3A_78 = arith.constant 0 : i32
    "tpu.region"() ({
      %run_scoped3A_126 = tpu.sem_alloc : memref<!tpu.dma_semaphore, #tpu.memory_space<semaphore_mem>>
      %dma_start3A = arith.constant 0 : i32
      %dma_start3A_127 = tpu.memref_slice %arg8[%run_scoped3A_78, %dma_start3A] : memref<128x128xf32, #tpu.memory_space<vmem>> -> memref<1x128xf32, #tpu.memory_space<vmem>>
      %dma_start3A_128 = tpu.memref_squeeze %dma_start3A_127 : memref<1x128xf32, #tpu.memory_space<vmem>> -> memref<128xf32, #tpu.memory_space<vmem>>
      %dma_start3A_129 = tpu.memref_slice %arg15[%add3A_77] : memref<10240xf32, #tpu.memory_space<vmem_shared>> -> memref<128xf32, #tpu.memory_space<vmem_shared>>
      %dma_start3A_130 = tpu.memref_slice %arg15[%add3A_77] : memref<10240xf32, #tpu.memory_space<vmem_shared>> -> memref<128xf32, #tpu.memory_space<vmem_shared>>
      %dma_start3A_131 = arith.constant 0 : i32
      %dma_start3A_132 = tpu.memref_slice %arg8[%run_scoped3A_78, %dma_start3A_131] : memref<128x128xf32, #tpu.memory_space<vmem>> -> memref<1x128xf32, #tpu.memory_space<vmem>>
      %dma_start3A_133 = tpu.memref_squeeze %dma_start3A_132 : memref<1x128xf32, #tpu.memory_space<vmem>> -> memref<128xf32, #tpu.memory_space<vmem>>
      tpu.enqueue_dma source(%dma_start3A_133 : memref<128xf32, #tpu.memory_space<vmem>>) target(%dma_start3A_130 : memref<128xf32, #tpu.memory_space<vmem_shared>>) target_semaphore(%run_scoped3A_126 : memref<!tpu.dma_semaphore, #tpu.memory_space<semaphore_mem>>)
      %dma_wait3A = arith.constant 0 : i32
      %dma_wait3A_134 = tpu.memref_slice %arg8[%run_scoped3A_78, %dma_wait3A] : memref<128x128xf32, #tpu.memory_space<vmem>> -> memref<1x128xf32, #tpu.memory_space<vmem>>
      %dma_wait3A_135 = tpu.memref_squeeze %dma_wait3A_134 : memref<1x128xf32, #tpu.memory_space<vmem>> -> memref<128xf32, #tpu.memory_space<vmem>>
      %dma_wait3A_136 = tpu.memref_slice %arg15[%add3A_77] : memref<10240xf32, #tpu.memory_space<vmem_shared>> -> memref<128xf32, #tpu.memory_space<vmem_shared>>
      %dma_wait3A_137 = tpu.memref_slice %arg15[%add3A_77] : memref<10240xf32, #tpu.memory_space<vmem_shared>> -> memref<128xf32, #tpu.memory_space<vmem_shared>>
      %dma_wait3A_138 = arith.constant 0 : i32
      %dma_wait3A_139 = tpu.memref_slice %arg8[%run_scoped3A_78, %dma_wait3A_138] : memref<128x128xf32, #tpu.memory_space<vmem>> -> memref<1x128xf32, #tpu.memory_space<vmem>>
      %dma_wait3A_140 = tpu.memref_squeeze %dma_wait3A_139 : memref<1x128xf32, #tpu.memory_space<vmem>> -> memref<128xf32, #tpu.memory_space<vmem>>
      tpu.wait_dma2 semaphore(%run_scoped3A_126 : memref<!tpu.dma_semaphore, #tpu.memory_space<semaphore_mem>>) src(%dma_wait3A_140 : memref<128xf32, #tpu.memory_space<vmem>>) dst(%dma_wait3A_137 : memref<128xf32, #tpu.memory_space<vmem_shared>>)
      tpu.yield
    }) : () -> ()
    %mul3A_79 = arith.constant 640 : i32
    %mul3A_80 = arith.muli %arg1, %mul3A_79 : i32
    %add3A_81 = arith.constant 512 : i32
    %add3A_82 = arith.addi %mul3A_80, %add3A_81 : i32
    "tpu.region"() ({
      %run_scoped3A_126 = tpu.sem_alloc : memref<!tpu.dma_semaphore, #tpu.memory_space<semaphore_mem>>
      %dma_start3A = arith.constant 0 : i32
      %dma_start3A_127 = tpu.memref_slice %arg14[%add3A_82, %dma_start3A] : memref<10240x128xf32, #tpu.memory_space<vmem_shared>> -> memref<128x128xf32, #tpu.memory_space<vmem_shared>>
      %dma_start3A_128 = arith.constant 0 : i32
      %dma_start3A_129 = tpu.memref_slice %arg14[%add3A_82, %dma_start3A_128] : memref<10240x128xf32, #tpu.memory_space<vmem_shared>> -> memref<128x128xf32, #tpu.memory_space<vmem_shared>>
      tpu.enqueue_dma source(%arg8 : memref<128x128xf32, #tpu.memory_space<vmem>>) target(%dma_start3A_129 : memref<128x128xf32, #tpu.memory_space<vmem_shared>>) target_semaphore(%run_scoped3A_126 : memref<!tpu.dma_semaphore, #tpu.memory_space<semaphore_mem>>)
      %dma_wait3A = arith.constant 0 : i32
      %dma_wait3A_130 = tpu.memref_slice %arg14[%add3A_82, %dma_wait3A] : memref<10240x128xf32, #tpu.memory_space<vmem_shared>> -> memref<128x128xf32, #tpu.memory_space<vmem_shared>>
      %dma_wait3A_131 = arith.constant 0 : i32
      %dma_wait3A_132 = tpu.memref_slice %arg14[%add3A_82, %dma_wait3A_131] : memref<10240x128xf32, #tpu.memory_space<vmem_shared>> -> memref<128x128xf32, #tpu.memory_space<vmem_shared>>
      tpu.wait_dma2 semaphore(%run_scoped3A_126 : memref<!tpu.dma_semaphore, #tpu.memory_space<semaphore_mem>>) src(%arg8 : memref<128x128xf32, #tpu.memory_space<vmem>>) dst(%dma_wait3A_132 : memref<128x128xf32, #tpu.memory_space<vmem_shared>>)
      tpu.yield
    }) : () -> ()
    %mul3A_83 = arith.constant 640 : i32
    %mul3A_84 = arith.muli %arg1, %mul3A_83 : i32
    %add3A_85 = arith.constant 512 : i32
    %add3A_86 = arith.addi %mul3A_84, %add3A_85 : i32
    %run_scoped3A_87 = arith.constant 0 : i32
    "tpu.region"() ({
      %run_scoped3A_126 = tpu.sem_alloc : memref<!tpu.dma_semaphore, #tpu.memory_space<semaphore_mem>>
      %dma_start3A = arith.constant 0 : i32
      %dma_start3A_127 = tpu.memref_slice %arg8[%run_scoped3A_87, %dma_start3A] : memref<128x128xf32, #tpu.memory_space<vmem>> -> memref<1x128xf32, #tpu.memory_space<vmem>>
      %dma_start3A_128 = tpu.memref_squeeze %dma_start3A_127 : memref<1x128xf32, #tpu.memory_space<vmem>> -> memref<128xf32, #tpu.memory_space<vmem>>
      %dma_start3A_129 = tpu.memref_slice %arg15[%add3A_86] : memref<10240xf32, #tpu.memory_space<vmem_shared>> -> memref<128xf32, #tpu.memory_space<vmem_shared>>
      %dma_start3A_130 = tpu.memref_slice %arg15[%add3A_86] : memref<10240xf32, #tpu.memory_space<vmem_shared>> -> memref<128xf32, #tpu.memory_space<vmem_shared>>
      %dma_start3A_131 = arith.constant 0 : i32
      %dma_start3A_132 = tpu.memref_slice %arg8[%run_scoped3A_87, %dma_start3A_131] : memref<128x128xf32, #tpu.memory_space<vmem>> -> memref<1x128xf32, #tpu.memory_space<vmem>>
      %dma_start3A_133 = tpu.memref_squeeze %dma_start3A_132 : memref<1x128xf32, #tpu.memory_space<vmem>> -> memref<128xf32, #tpu.memory_space<vmem>>
      tpu.enqueue_dma source(%dma_start3A_133 : memref<128xf32, #tpu.memory_space<vmem>>) target(%dma_start3A_130 : memref<128xf32, #tpu.memory_space<vmem_shared>>) target_semaphore(%run_scoped3A_126 : memref<!tpu.dma_semaphore, #tpu.memory_space<semaphore_mem>>)
      %dma_wait3A = arith.constant 0 : i32
      %dma_wait3A_134 = tpu.memref_slice %arg8[%run_scoped3A_87, %dma_wait3A] : memref<128x128xf32, #tpu.memory_space<vmem>> -> memref<1x128xf32, #tpu.memory_space<vmem>>
      %dma_wait3A_135 = tpu.memref_squeeze %dma_wait3A_134 : memref<1x128xf32, #tpu.memory_space<vmem>> -> memref<128xf32, #tpu.memory_space<vmem>>
      %dma_wait3A_136 = tpu.memref_slice %arg15[%add3A_86] : memref<10240xf32, #tpu.memory_space<vmem_shared>> -> memref<128xf32, #tpu.memory_space<vmem_shared>>
      %dma_wait3A_137 = tpu.memref_slice %arg15[%add3A_86] : memref<10240xf32, #tpu.memory_space<vmem_shared>> -> memref<128xf32, #tpu.memory_space<vmem_shared>>
      %dma_wait3A_138 = arith.constant 0 : i32
      %dma_wait3A_139 = tpu.memref_slice %arg8[%run_scoped3A_87, %dma_wait3A_138] : memref<128x128xf32, #tpu.memory_space<vmem>> -> memref<1x128xf32, #tpu.memory_space<vmem>>
      %dma_wait3A_140 = tpu.memref_squeeze %dma_wait3A_139 : memref<1x128xf32, #tpu.memory_space<vmem>> -> memref<128xf32, #tpu.memory_space<vmem>>
      tpu.wait_dma2 semaphore(%run_scoped3A_126 : memref<!tpu.dma_semaphore, #tpu.memory_space<semaphore_mem>>) src(%dma_wait3A_140 : memref<128xf32, #tpu.memory_space<vmem>>) dst(%dma_wait3A_137 : memref<128xf32, #tpu.memory_space<vmem_shared>>)
      tpu.yield
    }) : () -> ()
    %barrier3A = arith.constant 0 : index
    tpu.barrier barrier_id(%barrier3A)
    %mul3A_88 = arith.constant 1250 : i32
    %mul3A_89 = arith.muli %arg0, %mul3A_88 : i32
    %add3A_90 = arith.addi %mul3A_89, %arg1 : i32
    %add3A_91 = arith.constant 0 : i32
    %add3A_92 = arith.addi %add3A_90, %add3A_91 : i32
    %run_scoped3A_93 = arith.constant 0 : i32
    "tpu.region"() ({
      %run_scoped3A_126 = tpu.sem_alloc : memref<!tpu.dma_semaphore, #tpu.memory_space<semaphore_mem>>
      %dma_start3A = arith.constant 0 : i32
      %dma_start3A_127 = tpu.memref_slice %arg9[%run_scoped3A_93, %dma_start3A] : memref<2x128xi32, #tpu.memory_space<vmem>> -> memref<1x128xi32, #tpu.memory_space<vmem>>
      %dma_start3A_128 = tpu.memref_squeeze %dma_start3A_127 : memref<1x128xi32, #tpu.memory_space<vmem>> -> memref<128xi32, #tpu.memory_space<vmem>>
      %dma_start3A_129 = arith.constant 0 : i32
      %dma_start3A_130 = tpu.memref_slice %arg3[%add3A_92, %dma_start3A_129] : memref<2500x128xi32, #tpu.memory_space<hbm>> -> memref<1x128xi32, #tpu.memory_space<hbm>>
      %dma_start3A_131 = tpu.memref_squeeze %dma_start3A_130 : memref<1x128xi32, #tpu.memory_space<hbm>> -> memref<128xi32, #tpu.memory_space<hbm>>
      %dma_start3A_132 = arith.constant 0 : i32
      %dma_start3A_133 = tpu.memref_slice %arg9[%run_scoped3A_93, %dma_start3A_132] : memref<2x128xi32, #tpu.memory_space<vmem>> -> memref<1x128xi32, #tpu.memory_space<vmem>>
      %dma_start3A_134 = tpu.memref_squeeze %dma_start3A_133 : memref<1x128xi32, #tpu.memory_space<vmem>> -> memref<128xi32, #tpu.memory_space<vmem>>
      %dma_start3A_135 = arith.constant 0 : i32
      %dma_start3A_136 = tpu.memref_slice %arg3[%add3A_92, %dma_start3A_135] : memref<2500x128xi32, #tpu.memory_space<hbm>> -> memref<1x128xi32, #tpu.memory_space<hbm>>
      %dma_start3A_137 = tpu.memref_squeeze %dma_start3A_136 : memref<1x128xi32, #tpu.memory_space<hbm>> -> memref<128xi32, #tpu.memory_space<hbm>>
      tpu.enqueue_dma source(%dma_start3A_137 : memref<128xi32, #tpu.memory_space<hbm>>) target(%dma_start3A_134 : memref<128xi32, #tpu.memory_space<vmem>>) target_semaphore(%run_scoped3A_126 : memref<!tpu.dma_semaphore, #tpu.memory_space<semaphore_mem>>)
      %dma_wait3A = arith.constant 0 : i32
      %dma_wait3A_138 = tpu.memref_slice %arg9[%run_scoped3A_93, %dma_wait3A] : memref<2x128xi32, #tpu.memory_space<vmem>> -> memref<1x128xi32, #tpu.memory_space<vmem>>
      %dma_wait3A_139 = tpu.memref_squeeze %dma_wait3A_138 : memref<1x128xi32, #tpu.memory_space<vmem>> -> memref<128xi32, #tpu.memory_space<vmem>>
      %dma_wait3A_140 = arith.constant 0 : i32
      %dma_wait3A_141 = tpu.memref_slice %arg3[%add3A_92, %dma_wait3A_140] : memref<2500x128xi32, #tpu.memory_space<hbm>> -> memref<1x128xi32, #tpu.memory_space<hbm>>
      %dma_wait3A_142 = tpu.memref_squeeze %dma_wait3A_141 : memref<1x128xi32, #tpu.memory_space<hbm>> -> memref<128xi32, #tpu.memory_space<hbm>>
      %dma_wait3A_143 = arith.constant 0 : i32
      %dma_wait3A_144 = tpu.memref_slice %arg9[%run_scoped3A_93, %dma_wait3A_143] : memref<2x128xi32, #tpu.memory_space<vmem>> -> memref<1x128xi32, #tpu.memory_space<vmem>>
      %dma_wait3A_145 = tpu.memref_squeeze %dma_wait3A_144 : memref<1x128xi32, #tpu.memory_space<vmem>> -> memref<128xi32, #tpu.memory_space<vmem>>
      %dma_wait3A_146 = arith.constant 0 : i32
      %dma_wait3A_147 = tpu.memref_slice %arg3[%add3A_92, %dma_wait3A_146] : memref<2500x128xi32, #tpu.memory_space<hbm>> -> memref<1x128xi32, #tpu.memory_space<hbm>>
      %dma_wait3A_148 = tpu.memref_squeeze %dma_wait3A_147 : memref<1x128xi32, #tpu.memory_space<hbm>> -> memref<128xi32, #tpu.memory_space<hbm>>
      tpu.wait_dma2 semaphore(%run_scoped3A_126 : memref<!tpu.dma_semaphore, #tpu.memory_space<semaphore_mem>>) src(%dma_wait3A_148 : memref<128xi32, #tpu.memory_space<hbm>>) dst(%dma_wait3A_145 : memref<128xi32, #tpu.memory_space<vmem>>)
      tpu.yield
    }) : () -> ()
    %add3A_94 = arith.addi %mul3A_89, %arg1 : i32
    %add3A_95 = arith.constant 0 : i32
    %add3A_96 = arith.addi %add3A_94, %add3A_95 : i32
    %run_scoped3A_97 = arith.constant 0 : i32
    "tpu.region"() ({
      %run_scoped3A_126 = tpu.sem_alloc : memref<!tpu.dma_semaphore, #tpu.memory_space<semaphore_mem>>
      %dma_start3A = arith.constant 0 : i32
      %dma_start3A_127 = tpu.memref_slice %arg10[%run_scoped3A_97, %dma_start3A] : memref<2x128xi32, #tpu.memory_space<vmem>> -> memref<1x128xi32, #tpu.memory_space<vmem>>
      %dma_start3A_128 = tpu.memref_squeeze %dma_start3A_127 : memref<1x128xi32, #tpu.memory_space<vmem>> -> memref<128xi32, #tpu.memory_space<vmem>>
      %dma_start3A_129 = arith.constant 0 : i32
      %dma_start3A_130 = tpu.memref_slice %arg4[%add3A_96, %dma_start3A_129] : memref<2500x128xi32, #tpu.memory_space<hbm>> -> memref<1x128xi32, #tpu.memory_space<hbm>>
      %dma_start3A_131 = tpu.memref_squeeze %dma_start3A_130 : memref<1x128xi32, #tpu.memory_space<hbm>> -> memref<128xi32, #tpu.memory_space<hbm>>
      %dma_start3A_132 = arith.constant 0 : i32
      %dma_start3A_133 = tpu.memref_slice %arg10[%run_scoped3A_97, %dma_start3A_132] : memref<2x128xi32, #tpu.memory_space<vmem>> -> memref<1x128xi32, #tpu.memory_space<vmem>>
      %dma_start3A_134 = tpu.memref_squeeze %dma_start3A_133 : memref<1x128xi32, #tpu.memory_space<vmem>> -> memref<128xi32, #tpu.memory_space<vmem>>
      %dma_start3A_135 = arith.constant 0 : i32
      %dma_start3A_136 = tpu.memref_slice %arg4[%add3A_96, %dma_start3A_135] : memref<2500x128xi32, #tpu.memory_space<hbm>> -> memref<1x128xi32, #tpu.memory_space<hbm>>
      %dma_start3A_137 = tpu.memref_squeeze %dma_start3A_136 : memref<1x128xi32, #tpu.memory_space<hbm>> -> memref<128xi32, #tpu.memory_space<hbm>>
      tpu.enqueue_dma source(%dma_start3A_137 : memref<128xi32, #tpu.memory_space<hbm>>) target(%dma_start3A_134 : memref<128xi32, #tpu.memory_space<vmem>>) target_semaphore(%run_scoped3A_126 : memref<!tpu.dma_semaphore, #tpu.memory_space<semaphore_mem>>)
      %dma_wait3A = arith.constant 0 : i32
      %dma_wait3A_138 = tpu.memref_slice %arg10[%run_scoped3A_97, %dma_wait3A] : memref<2x128xi32, #tpu.memory_space<vmem>> -> memref<1x128xi32, #tpu.memory_space<vmem>>
      %dma_wait3A_139 = tpu.memref_squeeze %dma_wait3A_138 : memref<1x128xi32, #tpu.memory_space<vmem>> -> memref<128xi32, #tpu.memory_space<vmem>>
      %dma_wait3A_140 = arith.constant 0 : i32
      %dma_wait3A_141 = tpu.memref_slice %arg4[%add3A_96, %dma_wait3A_140] : memref<2500x128xi32, #tpu.memory_space<hbm>> -> memref<1x128xi32, #tpu.memory_space<hbm>>
      %dma_wait3A_142 = tpu.memref_squeeze %dma_wait3A_141 : memref<1x128xi32, #tpu.memory_space<hbm>> -> memref<128xi32, #tpu.memory_space<hbm>>
      %dma_wait3A_143 = arith.constant 0 : i32
      %dma_wait3A_144 = tpu.memref_slice %arg10[%run_scoped3A_97, %dma_wait3A_143] : memref<2x128xi32, #tpu.memory_space<vmem>> -> memref<1x128xi32, #tpu.memory_space<vmem>>
      %dma_wait3A_145 = tpu.memref_squeeze %dma_wait3A_144 : memref<1x128xi32, #tpu.memory_space<vmem>> -> memref<128xi32, #tpu.memory_space<vmem>>
      %dma_wait3A_146 = arith.constant 0 : i32
      %dma_wait3A_147 = tpu.memref_slice %arg4[%add3A_96, %dma_wait3A_146] : memref<2500x128xi32, #tpu.memory_space<hbm>> -> memref<1x128xi32, #tpu.memory_space<hbm>>
      %dma_wait3A_148 = tpu.memref_squeeze %dma_wait3A_147 : memref<1x128xi32, #tpu.memory_space<hbm>> -> memref<128xi32, #tpu.memory_space<hbm>>
      tpu.wait_dma2 semaphore(%run_scoped3A_126 : memref<!tpu.dma_semaphore, #tpu.memory_space<semaphore_mem>>) src(%dma_wait3A_148 : memref<128xi32, #tpu.memory_space<hbm>>) dst(%dma_wait3A_145 : memref<128xi32, #tpu.memory_space<vmem>>)
      tpu.yield
    }) : () -> ()
    %scan3A = arith.constant 0 : i32
    %scan3A_98 = arith.constant 0 : i32
    %scan3A_99 = arith.constant 39 : i32
    %scan3A_100 = arith.addi %scan3A_98, %scan3A_99 : i32
    %scan3A_101 = arith.constant 1 : i32
    scf.for %scan3A_126 = %scan3A_98 to %scan3A_100 step %scan3A_101  : i32 {
      %mul3A_127 = arith.constant 2 : i32
      %mul3A_128 = arith.muli %mul3A_127, %scan3A_126 : i32
      %add3A_129 = arith.constant 1 : i32
      %add3A_130 = arith.addi %mul3A_128, %add3A_129 : i32
      %add3A_131 = arith.addi %mul3A_89, %arg1 : i32
      %mul3A_132 = arith.constant 16 : i32
      %mul3A_133 = arith.muli %add3A_130, %mul3A_132 : i32
      %add3A_134 = arith.addi %add3A_131, %mul3A_133 : i32
      %add3A_135 = arith.constant 1250 : i32
      %add3A_136 = arith.addi %mul3A_89, %add3A_135 : i32
      %lt3A_137 = arith.cmpi slt, %add3A_134, %add3A_136 : i32
      %convert_element_type3A_138 = arith.extui %lt3A_137 : i1 to i32
      %cond3A_139 = arith.constant 0 : i32
      %cond3A_140 = arith.cmpi ne, %convert_element_type3A_138, %cond3A_139 : i32
      scf.if %cond3A_140 {
        %dma_start3A = arith.constant 1 : i32
        %dma_start3A_189 = arith.constant 0 : i32
        %dma_start3A_190 = tpu.memref_slice %arg9[%dma_start3A, %dma_start3A_189] : memref<2x128xi32, #tpu.memory_space<vmem>> -> memref<1x128xi32, #tpu.memory_space<vmem>>
        %dma_start3A_191 = tpu.memref_squeeze %dma_start3A_190 : memref<1x128xi32, #tpu.memory_space<vmem>> -> memref<128xi32, #tpu.memory_space<vmem>>
        %dma_start3A_192 = arith.constant 0 : i32
        %dma_start3A_193 = tpu.memref_slice %arg3[%add3A_134, %dma_start3A_192] : memref<2500x128xi32, #tpu.memory_space<hbm>> -> memref<1x128xi32, #tpu.memory_space<hbm>>
        %dma_start3A_194 = tpu.memref_squeeze %dma_start3A_193 : memref<1x128xi32, #tpu.memory_space<hbm>> -> memref<128xi32, #tpu.memory_space<hbm>>
        %dma_start3A_195 = arith.constant 0 : i32
        %dma_start3A_196 = tpu.memref_slice %arg9[%dma_start3A, %dma_start3A_195] : memref<2x128xi32, #tpu.memory_space<vmem>> -> memref<1x128xi32, #tpu.memory_space<vmem>>
        %dma_start3A_197 = tpu.memref_squeeze %dma_start3A_196 : memref<1x128xi32, #tpu.memory_space<vmem>> -> memref<128xi32, #tpu.memory_space<vmem>>
        %dma_start3A_198 = arith.constant 0 : i32
        %dma_start3A_199 = tpu.memref_slice %arg3[%add3A_134, %dma_start3A_198] : memref<2500x128xi32, #tpu.memory_space<hbm>> -> memref<1x128xi32, #tpu.memory_space<hbm>>
        %dma_start3A_200 = tpu.memref_squeeze %dma_start3A_199 : memref<1x128xi32, #tpu.memory_space<hbm>> -> memref<128xi32, #tpu.memory_space<hbm>>
        tpu.enqueue_dma source(%dma_start3A_200 : memref<128xi32, #tpu.memory_space<hbm>>) target(%dma_start3A_197 : memref<128xi32, #tpu.memory_space<vmem>>) target_semaphore(%arg13 : memref<!tpu.dma_semaphore, #tpu.memory_space<semaphore_mem>>)
        %dma_start3A_201 = arith.constant 1 : i32
        %dma_start3A_202 = arith.constant 0 : i32
        %dma_start3A_203 = tpu.memref_slice %arg10[%dma_start3A_201, %dma_start3A_202] : memref<2x128xi32, #tpu.memory_space<vmem>> -> memref<1x128xi32, #tpu.memory_space<vmem>>
        %dma_start3A_204 = tpu.memref_squeeze %dma_start3A_203 : memref<1x128xi32, #tpu.memory_space<vmem>> -> memref<128xi32, #tpu.memory_space<vmem>>
        %dma_start3A_205 = arith.constant 0 : i32
        %dma_start3A_206 = tpu.memref_slice %arg4[%add3A_134, %dma_start3A_205] : memref<2500x128xi32, #tpu.memory_space<hbm>> -> memref<1x128xi32, #tpu.memory_space<hbm>>
        %dma_start3A_207 = tpu.memref_squeeze %dma_start3A_206 : memref<1x128xi32, #tpu.memory_space<hbm>> -> memref<128xi32, #tpu.memory_space<hbm>>
        %dma_start3A_208 = arith.constant 0 : i32
        %dma_start3A_209 = tpu.memref_slice %arg10[%dma_start3A_201, %dma_start3A_208] : memref<2x128xi32, #tpu.memory_space<vmem>> -> memref<1x128xi32, #tpu.memory_space<vmem>>
        %dma_start3A_210 = tpu.memref_squeeze %dma_start3A_209 : memref<1x128xi32, #tpu.memory_space<vmem>> -> memref<128xi32, #tpu.memory_space<vmem>>
        %dma_start3A_211 = arith.constant 0 : i32
        %dma_start3A_212 = tpu.memref_slice %arg4[%add3A_134, %dma_start3A_211] : memref<2500x128xi32, #tpu.memory_space<hbm>> -> memref<1x128xi32, #tpu.memory_space<hbm>>
        %dma_start3A_213 = tpu.memref_squeeze %dma_start3A_212 : memref<1x128xi32, #tpu.memory_space<hbm>> -> memref<128xi32, #tpu.memory_space<hbm>>
        tpu.enqueue_dma source(%dma_start3A_213 : memref<128xi32, #tpu.memory_space<hbm>>) target(%dma_start3A_210 : memref<128xi32, #tpu.memory_space<vmem>>) target_semaphore(%arg13 : memref<!tpu.dma_semaphore, #tpu.memory_space<semaphore_mem>>)
      } else {
      }
      %run_scoped3A_141 = arith.constant 0 : i32
      "tpu.region"() ({
        %run_scoped3A_189 = tpu.sem_alloc : memref<!tpu.dma_semaphore, #tpu.memory_space<semaphore_mem>>
        %dma_start3A = arith.constant 0 : i32
        %dma_start3A_190 = tpu.memref_slice %arg9[%run_scoped3A_141, %dma_start3A] : memref<2x128xi32, #tpu.memory_space<vmem>> -> memref<1x128xi32, #tpu.memory_space<vmem>>
        %dma_start3A_191 = tpu.memref_squeeze %dma_start3A_190 : memref<1x128xi32, #tpu.memory_space<vmem>> -> memref<128xi32, #tpu.memory_space<vmem>>
        %dma_start3A_192 = arith.constant 0 : i32
        %dma_start3A_193 = arith.constant 0 : i32
        %dma_start3A_194 = tpu.memref_slice %arg2[%dma_start3A_192, %dma_start3A_193] : memref<10240x128xf32, #tpu.memory_space<hbm>> -> memref<10240x128xf32, #tpu.memory_space<hbm>>
        tpu.enqueue_indirect_dma source(%dma_start3A_194 : memref<10240x128xf32, #tpu.memory_space<hbm>>) target(%arg8 : memref<128x128xf32, #tpu.memory_space<vmem>>) offsets(%dma_start3A_191 : memref<128xi32, #tpu.memory_space<vmem>>) semaphore(%run_scoped3A_189 : memref<!tpu.dma_semaphore, #tpu.memory_space<semaphore_mem>>)
        %dma_wait3A = arith.constant 0 : i32
        %dma_wait3A_195 = tpu.memref_slice %arg9[%run_scoped3A_141, %dma_wait3A] : memref<2x128xi32, #tpu.memory_space<vmem>> -> memref<1x128xi32, #tpu.memory_space<vmem>>
        %dma_wait3A_196 = tpu.memref_squeeze %dma_wait3A_195 : memref<1x128xi32, #tpu.memory_space<vmem>> -> memref<128xi32, #tpu.memory_space<vmem>>
        %dma_wait3A_197 = arith.constant 0 : i32
        %dma_wait3A_198 = arith.constant 0 : i32
        %dma_wait3A_199 = tpu.memref_slice %arg2[%dma_wait3A_197, %dma_wait3A_198] : memref<10240x128xf32, #tpu.memory_space<hbm>> -> memref<10240x128xf32, #tpu.memory_space<hbm>>
        tpu.wait_indirect_dma semaphore(%run_scoped3A_189 : memref<!tpu.dma_semaphore, #tpu.memory_space<semaphore_mem>>) src(%dma_wait3A_199 : memref<10240x128xf32, #tpu.memory_space<hbm>>) dst(%arg8 : memref<128x128xf32, #tpu.memory_space<vmem>>)
        tpu.yield
      }) : () -> ()
      %run_scoped3A_142 = arith.constant 0 : i32
      "tpu.region"() ({
        %run_scoped3A_189 = tpu.sem_alloc : memref<!tpu.dma_semaphore, #tpu.memory_space<semaphore_mem>>
        %dma_start3A = arith.constant 0 : i32
        %dma_start3A_190 = tpu.memref_slice %arg10[%run_scoped3A_142, %dma_start3A] : memref<2x128xi32, #tpu.memory_space<vmem>> -> memref<1x128xi32, #tpu.memory_space<vmem>>
        %dma_start3A_191 = tpu.memref_squeeze %dma_start3A_190 : memref<1x128xi32, #tpu.memory_space<vmem>> -> memref<128xi32, #tpu.memory_space<vmem>>
        %dma_start3A_192 = arith.constant 0 : i32
        %dma_start3A_193 = arith.constant 0 : i32
        %dma_start3A_194 = tpu.memref_slice %arg14[%dma_start3A_192, %dma_start3A_193] : memref<10240x128xf32, #tpu.memory_space<vmem_shared>> -> memref<10240x128xf32, #tpu.memory_space<vmem_shared>>
        tpu.enqueue_indirect_dma source(%arg8 : memref<128x128xf32, #tpu.memory_space<vmem>>) target(%dma_start3A_194 : memref<10240x128xf32, #tpu.memory_space<vmem_shared>>) offsets(%dma_start3A_191 : memref<128xi32, #tpu.memory_space<vmem>>) semaphore(%run_scoped3A_189 : memref<!tpu.dma_semaphore, #tpu.memory_space<semaphore_mem>>) {add = true}
        %dma_wait3A = arith.constant 0 : i32
        %dma_wait3A_195 = tpu.memref_slice %arg10[%run_scoped3A_142, %dma_wait3A] : memref<2x128xi32, #tpu.memory_space<vmem>> -> memref<1x128xi32, #tpu.memory_space<vmem>>
        %dma_wait3A_196 = tpu.memref_squeeze %dma_wait3A_195 : memref<1x128xi32, #tpu.memory_space<vmem>> -> memref<128xi32, #tpu.memory_space<vmem>>
        %dma_wait3A_197 = arith.constant 0 : i32
        %dma_wait3A_198 = arith.constant 0 : i32
        %dma_wait3A_199 = tpu.memref_slice %arg14[%dma_wait3A_197, %dma_wait3A_198] : memref<10240x128xf32, #tpu.memory_space<vmem_shared>> -> memref<10240x128xf32, #tpu.memory_space<vmem_shared>>
        tpu.wait_indirect_dma semaphore(%run_scoped3A_189 : memref<!tpu.dma_semaphore, #tpu.memory_space<semaphore_mem>>) src(%arg8 : memref<128x128xf32, #tpu.memory_space<vmem>>) dst(%dma_wait3A_199 : memref<10240x128xf32, #tpu.memory_space<vmem_shared>>)
        tpu.yield
      }) : () -> ()
      %run_scoped3A_143 = arith.constant 0 : i32
      "tpu.region"() ({
        %run_scoped3A_189 = tpu.sem_alloc : memref<!tpu.dma_semaphore, #tpu.memory_space<semaphore_mem>>
        %dma_start3A = arith.constant 0 : i32
        %dma_start3A_190 = tpu.memref_slice %arg10[%run_scoped3A_143, %dma_start3A] : memref<2x128xi32, #tpu.memory_space<vmem>> -> memref<1x128xi32, #tpu.memory_space<vmem>>
        %dma_start3A_191 = tpu.memref_squeeze %dma_start3A_190 : memref<1x128xi32, #tpu.memory_space<vmem>> -> memref<128xi32, #tpu.memory_space<vmem>>
        %dma_start3A_192 = arith.constant 0 : i32
        %dma_start3A_193 = tpu.memref_slice %arg15[%dma_start3A_192] : memref<10240xf32, #tpu.memory_space<vmem_shared>> -> memref<10240xf32, #tpu.memory_space<vmem_shared>>
        tpu.enqueue_indirect_dma source(%arg11 : memref<128xf32, #tpu.memory_space<vmem>>) target(%dma_start3A_193 : memref<10240xf32, #tpu.memory_space<vmem_shared>>) offsets(%dma_start3A_191 : memref<128xi32, #tpu.memory_space<vmem>>) semaphore(%run_scoped3A_189 : memref<!tpu.dma_semaphore, #tpu.memory_space<semaphore_mem>>) {add = true}
        %dma_wait3A = arith.constant 0 : i32
        %dma_wait3A_194 = tpu.memref_slice %arg10[%run_scoped3A_143, %dma_wait3A] : memref<2x128xi32, #tpu.memory_space<vmem>> -> memref<1x128xi32, #tpu.memory_space<vmem>>
        %dma_wait3A_195 = tpu.memref_squeeze %dma_wait3A_194 : memref<1x128xi32, #tpu.memory_space<vmem>> -> memref<128xi32, #tpu.memory_space<vmem>>
        %dma_wait3A_196 = arith.constant 0 : i32
        %dma_wait3A_197 = tpu.memref_slice %arg15[%dma_wait3A_196] : memref<10240xf32, #tpu.memory_space<vmem_shared>> -> memref<10240xf32, #tpu.memory_space<vmem_shared>>
        tpu.wait_indirect_dma semaphore(%run_scoped3A_189 : memref<!tpu.dma_semaphore, #tpu.memory_space<semaphore_mem>>) src(%arg11 : memref<128xf32, #tpu.memory_space<vmem>>) dst(%dma_wait3A_197 : memref<10240xf32, #tpu.memory_space<vmem_shared>>)
        tpu.yield
      }) : () -> ()
      %mul3A_144 = arith.constant 2 : i32
      %mul3A_145 = arith.muli %mul3A_144, %scan3A_126 : i32
      %add3A_146 = arith.constant 1 : i32
      %add3A_147 = arith.addi %mul3A_145, %add3A_146 : i32
      %add3A_148 = arith.addi %mul3A_89, %arg1 : i32
      %mul3A_149 = arith.constant 16 : i32
      %mul3A_150 = arith.muli %add3A_147, %mul3A_149 : i32
      %add3A_151 = arith.addi %add3A_148, %mul3A_150 : i32
      %add3A_152 = arith.constant 1250 : i32
      %add3A_153 = arith.addi %mul3A_89, %add3A_152 : i32
      %lt3A_154 = arith.cmpi slt, %add3A_151, %add3A_153 : i32
      %convert_element_type3A_155 = arith.extui %lt3A_154 : i1 to i32
      %cond3A_156 = arith.constant 0 : i32
      %cond3A_157 = arith.cmpi ne, %convert_element_type3A_155, %cond3A_156 : i32
      scf.if %cond3A_157 {
        %dma_wait3A = arith.constant 1 : i32
        %dma_wait3A_189 = arith.constant 0 : i32
        %dma_wait3A_190 = tpu.memref_slice %arg9[%dma_wait3A, %dma_wait3A_189] : memref<2x128xi32, #tpu.memory_space<vmem>> -> memref<1x128xi32, #tpu.memory_space<vmem>>
        %dma_wait3A_191 = tpu.memref_squeeze %dma_wait3A_190 : memref<1x128xi32, #tpu.memory_space<vmem>> -> memref<128xi32, #tpu.memory_space<vmem>>
        %dma_wait3A_192 = arith.constant 0 : i32
        %dma_wait3A_193 = tpu.memref_slice %arg3[%add3A_151, %dma_wait3A_192] : memref<2500x128xi32, #tpu.memory_space<hbm>> -> memref<1x128xi32, #tpu.memory_space<hbm>>
        %dma_wait3A_194 = tpu.memref_squeeze %dma_wait3A_193 : memref<1x128xi32, #tpu.memory_space<hbm>> -> memref<128xi32, #tpu.memory_space<hbm>>
        %dma_wait3A_195 = arith.constant 0 : i32
        %dma_wait3A_196 = tpu.memref_slice %arg9[%dma_wait3A, %dma_wait3A_195] : memref<2x128xi32, #tpu.memory_space<vmem>> -> memref<1x128xi32, #tpu.memory_space<vmem>>
        %dma_wait3A_197 = tpu.memref_squeeze %dma_wait3A_196 : memref<1x128xi32, #tpu.memory_space<vmem>> -> memref<128xi32, #tpu.memory_space<vmem>>
        %dma_wait3A_198 = arith.constant 0 : i32
        %dma_wait3A_199 = tpu.memref_slice %arg3[%add3A_151, %dma_wait3A_198] : memref<2500x128xi32, #tpu.memory_space<hbm>> -> memref<1x128xi32, #tpu.memory_space<hbm>>
        %dma_wait3A_200 = tpu.memref_squeeze %dma_wait3A_199 : memref<1x128xi32, #tpu.memory_space<hbm>> -> memref<128xi32, #tpu.memory_space<hbm>>
        tpu.wait_dma2 semaphore(%arg13 : memref<!tpu.dma_semaphore, #tpu.memory_space<semaphore_mem>>) src(%dma_wait3A_200 : memref<128xi32, #tpu.memory_space<hbm>>) dst(%dma_wait3A_197 : memref<128xi32, #tpu.memory_space<vmem>>)
        %dma_wait3A_201 = arith.constant 1 : i32
        %dma_wait3A_202 = arith.constant 0 : i32
        %dma_wait3A_203 = tpu.memref_slice %arg10[%dma_wait3A_201, %dma_wait3A_202] : memref<2x128xi32, #tpu.memory_space<vmem>> -> memref<1x128xi32, #tpu.memory_space<vmem>>
        %dma_wait3A_204 = tpu.memref_squeeze %dma_wait3A_203 : memref<1x128xi32, #tpu.memory_space<vmem>> -> memref<128xi32, #tpu.memory_space<vmem>>
        %dma_wait3A_205 = arith.constant 0 : i32
        %dma_wait3A_206 = tpu.memref_slice %arg4[%add3A_151, %dma_wait3A_205] : memref<2500x128xi32, #tpu.memory_space<hbm>> -> memref<1x128xi32, #tpu.memory_space<hbm>>
        %dma_wait3A_207 = tpu.memref_squeeze %dma_wait3A_206 : memref<1x128xi32, #tpu.memory_space<hbm>> -> memref<128xi32, #tpu.memory_space<hbm>>
        %dma_wait3A_208 = arith.constant 0 : i32
        %dma_wait3A_209 = tpu.memref_slice %arg10[%dma_wait3A_201, %dma_wait3A_208] : memref<2x128xi32, #tpu.memory_space<vmem>> -> memref<1x128xi32, #tpu.memory_space<vmem>>
        %dma_wait3A_210 = tpu.memref_squeeze %dma_wait3A_209 : memref<1x128xi32, #tpu.memory_space<vmem>> -> memref<128xi32, #tpu.memory_space<vmem>>
        %dma_wait3A_211 = arith.constant 0 : i32
        %dma_wait3A_212 = tpu.memref_slice %arg4[%add3A_151, %dma_wait3A_211] : memref<2500x128xi32, #tpu.memory_space<hbm>> -> memref<1x128xi32, #tpu.memory_space<hbm>>
        %dma_wait3A_213 = tpu.memref_squeeze %dma_wait3A_212 : memref<1x128xi32, #tpu.memory_space<hbm>> -> memref<128xi32, #tpu.memory_space<hbm>>
        tpu.wait_dma2 semaphore(%arg13 : memref<!tpu.dma_semaphore, #tpu.memory_space<semaphore_mem>>) src(%dma_wait3A_213 : memref<128xi32, #tpu.memory_space<hbm>>) dst(%dma_wait3A_210 : memref<128xi32, #tpu.memory_space<vmem>>)
      } else {
      }
      %mul3A_158 = arith.constant 2 : i32
      %mul3A_159 = arith.muli %mul3A_158, %scan3A_126 : i32
      %add3A_160 = arith.constant 2 : i32
      %add3A_161 = arith.addi %mul3A_159, %add3A_160 : i32
      %add3A_162 = arith.addi %mul3A_89, %arg1 : i32
      %mul3A_163 = arith.constant 16 : i32
      %mul3A_164 = arith.muli %add3A_161, %mul3A_163 : i32
      %add3A_165 = arith.addi %add3A_162, %mul3A_164 : i32
      %add3A_166 = arith.constant 1250 : i32
      %add3A_167 = arith.addi %mul3A_89, %add3A_166 : i32
      %lt3A_168 = arith.cmpi slt, %add3A_165, %add3A_167 : i32
      %convert_element_type3A_169 = arith.extui %lt3A_168 : i1 to i32
      %cond3A_170 = arith.constant 0 : i32
      %cond3A_171 = arith.cmpi ne, %convert_element_type3A_169, %cond3A_170 : i32
      scf.if %cond3A_171 {
        %dma_start3A = arith.constant 0 : i32
        %dma_start3A_189 = arith.constant 0 : i32
        %dma_start3A_190 = tpu.memref_slice %arg9[%dma_start3A, %dma_start3A_189] : memref<2x128xi32, #tpu.memory_space<vmem>> -> memref<1x128xi32, #tpu.memory_space<vmem>>
        %dma_start3A_191 = tpu.memref_squeeze %dma_start3A_190 : memref<1x128xi32, #tpu.memory_space<vmem>> -> memref<128xi32, #tpu.memory_space<vmem>>
        %dma_start3A_192 = arith.constant 0 : i32
        %dma_start3A_193 = tpu.memref_slice %arg3[%add3A_165, %dma_start3A_192] : memref<2500x128xi32, #tpu.memory_space<hbm>> -> memref<1x128xi32, #tpu.memory_space<hbm>>
        %dma_start3A_194 = tpu.memref_squeeze %dma_start3A_193 : memref<1x128xi32, #tpu.memory_space<hbm>> -> memref<128xi32, #tpu.memory_space<hbm>>
        %dma_start3A_195 = arith.constant 0 : i32
        %dma_start3A_196 = tpu.memref_slice %arg9[%dma_start3A, %dma_start3A_195] : memref<2x128xi32, #tpu.memory_space<vmem>> -> memref<1x128xi32, #tpu.memory_space<vmem>>
        %dma_start3A_197 = tpu.memref_squeeze %dma_start3A_196 : memref<1x128xi32, #tpu.memory_space<vmem>> -> memref<128xi32, #tpu.memory_space<vmem>>
        %dma_start3A_198 = arith.constant 0 : i32
        %dma_start3A_199 = tpu.memref_slice %arg3[%add3A_165, %dma_start3A_198] : memref<2500x128xi32, #tpu.memory_space<hbm>> -> memref<1x128xi32, #tpu.memory_space<hbm>>
        %dma_start3A_200 = tpu.memref_squeeze %dma_start3A_199 : memref<1x128xi32, #tpu.memory_space<hbm>> -> memref<128xi32, #tpu.memory_space<hbm>>
        tpu.enqueue_dma source(%dma_start3A_200 : memref<128xi32, #tpu.memory_space<hbm>>) target(%dma_start3A_197 : memref<128xi32, #tpu.memory_space<vmem>>) target_semaphore(%arg13 : memref<!tpu.dma_semaphore, #tpu.memory_space<semaphore_mem>>)
        %dma_start3A_201 = arith.constant 0 : i32
        %dma_start3A_202 = arith.constant 0 : i32
        %dma_start3A_203 = tpu.memref_slice %arg10[%dma_start3A_201, %dma_start3A_202] : memref<2x128xi32, #tpu.memory_space<vmem>> -> memref<1x128xi32, #tpu.memory_space<vmem>>
        %dma_start3A_204 = tpu.memref_squeeze %dma_start3A_203 : memref<1x128xi32, #tpu.memory_space<vmem>> -> memref<128xi32, #tpu.memory_space<vmem>>
        %dma_start3A_205 = arith.constant 0 : i32
        %dma_start3A_206 = tpu.memref_slice %arg4[%add3A_165, %dma_start3A_205] : memref<2500x128xi32, #tpu.memory_space<hbm>> -> memref<1x128xi32, #tpu.memory_space<hbm>>
        %dma_start3A_207 = tpu.memref_squeeze %dma_start3A_206 : memref<1x128xi32, #tpu.memory_space<hbm>> -> memref<128xi32, #tpu.memory_space<hbm>>
        %dma_start3A_208 = arith.constant 0 : i32
        %dma_start3A_209 = tpu.memref_slice %arg10[%dma_start3A_201, %dma_start3A_208] : memref<2x128xi32, #tpu.memory_space<vmem>> -> memref<1x128xi32, #tpu.memory_space<vmem>>
        %dma_start3A_210 = tpu.memref_squeeze %dma_start3A_209 : memref<1x128xi32, #tpu.memory_space<vmem>> -> memref<128xi32, #tpu.memory_space<vmem>>
        %dma_start3A_211 = arith.constant 0 : i32
        %dma_start3A_212 = tpu.memref_slice %arg4[%add3A_165, %dma_start3A_211] : memref<2500x128xi32, #tpu.memory_space<hbm>> -> memref<1x128xi32, #tpu.memory_space<hbm>>
        %dma_start3A_213 = tpu.memref_squeeze %dma_start3A_212 : memref<1x128xi32, #tpu.memory_space<hbm>> -> memref<128xi32, #tpu.memory_space<hbm>>
        tpu.enqueue_dma source(%dma_start3A_213 : memref<128xi32, #tpu.memory_space<hbm>>) target(%dma_start3A_210 : memref<128xi32, #tpu.memory_space<vmem>>) target_semaphore(%arg13 : memref<!tpu.dma_semaphore, #tpu.memory_space<semaphore_mem>>)
      } else {
      }
      %run_scoped3A_172 = arith.constant 1 : i32
      "tpu.region"() ({
        %run_scoped3A_189 = tpu.sem_alloc : memref<!tpu.dma_semaphore, #tpu.memory_space<semaphore_mem>>
        %dma_start3A = arith.constant 0 : i32
        %dma_start3A_190 = tpu.memref_slice %arg9[%run_scoped3A_172, %dma_start3A] : memref<2x128xi32, #tpu.memory_space<vmem>> -> memref<1x128xi32, #tpu.memory_space<vmem>>
        %dma_start3A_191 = tpu.memref_squeeze %dma_start3A_190 : memref<1x128xi32, #tpu.memory_space<vmem>> -> memref<128xi32, #tpu.memory_space<vmem>>
        %dma_start3A_192 = arith.constant 0 : i32
        %dma_start3A_193 = arith.constant 0 : i32
        %dma_start3A_194 = tpu.memref_slice %arg2[%dma_start3A_192, %dma_start3A_193] : memref<10240x128xf32, #tpu.memory_space<hbm>> -> memref<10240x128xf32, #tpu.memory_space<hbm>>
        tpu.enqueue_indirect_dma source(%dma_start3A_194 : memref<10240x128xf32, #tpu.memory_space<hbm>>) target(%arg8 : memref<128x128xf32, #tpu.memory_space<vmem>>) offsets(%dma_start3A_191 : memref<128xi32, #tpu.memory_space<vmem>>) semaphore(%run_scoped3A_189 : memref<!tpu.dma_semaphore, #tpu.memory_space<semaphore_mem>>)
        %dma_wait3A = arith.constant 0 : i32
        %dma_wait3A_195 = tpu.memref_slice %arg9[%run_scoped3A_172, %dma_wait3A] : memref<2x128xi32, #tpu.memory_space<vmem>> -> memref<1x128xi32, #tpu.memory_space<vmem>>
        %dma_wait3A_196 = tpu.memref_squeeze %dma_wait3A_195 : memref<1x128xi32, #tpu.memory_space<vmem>> -> memref<128xi32, #tpu.memory_space<vmem>>
        %dma_wait3A_197 = arith.constant 0 : i32
        %dma_wait3A_198 = arith.constant 0 : i32
        %dma_wait3A_199 = tpu.memref_slice %arg2[%dma_wait3A_197, %dma_wait3A_198] : memref<10240x128xf32, #tpu.memory_space<hbm>> -> memref<10240x128xf32, #tpu.memory_space<hbm>>
        tpu.wait_indirect_dma semaphore(%run_scoped3A_189 : memref<!tpu.dma_semaphore, #tpu.memory_space<semaphore_mem>>) src(%dma_wait3A_199 : memref<10240x128xf32, #tpu.memory_space<hbm>>) dst(%arg8 : memref<128x128xf32, #tpu.memory_space<vmem>>)
        tpu.yield
      }) : () -> ()
      %run_scoped3A_173 = arith.constant 1 : i32
      "tpu.region"() ({
        %run_scoped3A_189 = tpu.sem_alloc : memref<!tpu.dma_semaphore, #tpu.memory_space<semaphore_mem>>
        %dma_start3A = arith.constant 0 : i32
        %dma_start3A_190 = tpu.memref_slice %arg10[%run_scoped3A_173, %dma_start3A] : memref<2x128xi32, #tpu.memory_space<vmem>> -> memref<1x128xi32, #tpu.memory_space<vmem>>
        %dma_start3A_191 = tpu.memref_squeeze %dma_start3A_190 : memref<1x128xi32, #tpu.memory_space<vmem>> -> memref<128xi32, #tpu.memory_space<vmem>>
        %dma_start3A_192 = arith.constant 0 : i32
        %dma_start3A_193 = arith.constant 0 : i32
        %dma_start3A_194 = tpu.memref_slice %arg14[%dma_start3A_192, %dma_start3A_193] : memref<10240x128xf32, #tpu.memory_space<vmem_shared>> -> memref<10240x128xf32, #tpu.memory_space<vmem_shared>>
        tpu.enqueue_indirect_dma source(%arg8 : memref<128x128xf32, #tpu.memory_space<vmem>>) target(%dma_start3A_194 : memref<10240x128xf32, #tpu.memory_space<vmem_shared>>) offsets(%dma_start3A_191 : memref<128xi32, #tpu.memory_space<vmem>>) semaphore(%run_scoped3A_189 : memref<!tpu.dma_semaphore, #tpu.memory_space<semaphore_mem>>) {add = true}
        %dma_wait3A = arith.constant 0 : i32
        %dma_wait3A_195 = tpu.memref_slice %arg10[%run_scoped3A_173, %dma_wait3A] : memref<2x128xi32, #tpu.memory_space<vmem>> -> memref<1x128xi32, #tpu.memory_space<vmem>>
        %dma_wait3A_196 = tpu.memref_squeeze %dma_wait3A_195 : memref<1x128xi32, #tpu.memory_space<vmem>> -> memref<128xi32, #tpu.memory_space<vmem>>
        %dma_wait3A_197 = arith.constant 0 : i32
        %dma_wait3A_198 = arith.constant 0 : i32
        %dma_wait3A_199 = tpu.memref_slice %arg14[%dma_wait3A_197, %dma_wait3A_198] : memref<10240x128xf32, #tpu.memory_space<vmem_shared>> -> memref<10240x128xf32, #tpu.memory_space<vmem_shared>>
        tpu.wait_indirect_dma semaphore(%run_scoped3A_189 : memref<!tpu.dma_semaphore, #tpu.memory_space<semaphore_mem>>) src(%arg8 : memref<128x128xf32, #tpu.memory_space<vmem>>) dst(%dma_wait3A_199 : memref<10240x128xf32, #tpu.memory_space<vmem_shared>>)
        tpu.yield
      }) : () -> ()
      %run_scoped3A_174 = arith.constant 1 : i32
      "tpu.region"() ({
        %run_scoped3A_189 = tpu.sem_alloc : memref<!tpu.dma_semaphore, #tpu.memory_space<semaphore_mem>>
        %dma_start3A = arith.constant 0 : i32
        %dma_start3A_190 = tpu.memref_slice %arg10[%run_scoped3A_174, %dma_start3A] : memref<2x128xi32, #tpu.memory_space<vmem>> -> memref<1x128xi32, #tpu.memory_space<vmem>>
        %dma_start3A_191 = tpu.memref_squeeze %dma_start3A_190 : memref<1x128xi32, #tpu.memory_space<vmem>> -> memref<128xi32, #tpu.memory_space<vmem>>
        %dma_start3A_192 = arith.constant 0 : i32
        %dma_start3A_193 = tpu.memref_slice %arg15[%dma_start3A_192] : memref<10240xf32, #tpu.memory_space<vmem_shared>> -> memref<10240xf32, #tpu.memory_space<vmem_shared>>
        tpu.enqueue_indirect_dma source(%arg11 : memref<128xf32, #tpu.memory_space<vmem>>) target(%dma_start3A_193 : memref<10240xf32, #tpu.memory_space<vmem_shared>>) offsets(%dma_start3A_191 : memref<128xi32, #tpu.memory_space<vmem>>) semaphore(%run_scoped3A_189 : memref<!tpu.dma_semaphore, #tpu.memory_space<semaphore_mem>>) {add = true}
        %dma_wait3A = arith.constant 0 : i32
        %dma_wait3A_194 = tpu.memref_slice %arg10[%run_scoped3A_174, %dma_wait3A] : memref<2x128xi32, #tpu.memory_space<vmem>> -> memref<1x128xi32, #tpu.memory_space<vmem>>
        %dma_wait3A_195 = tpu.memref_squeeze %dma_wait3A_194 : memref<1x128xi32, #tpu.memory_space<vmem>> -> memref<128xi32, #tpu.memory_space<vmem>>
        %dma_wait3A_196 = arith.constant 0 : i32
        %dma_wait3A_197 = tpu.memref_slice %arg15[%dma_wait3A_196] : memref<10240xf32, #tpu.memory_space<vmem_shared>> -> memref<10240xf32, #tpu.memory_space<vmem_shared>>
        tpu.wait_indirect_dma semaphore(%run_scoped3A_189 : memref<!tpu.dma_semaphore, #tpu.memory_space<semaphore_mem>>) src(%arg11 : memref<128xf32, #tpu.memory_space<vmem>>) dst(%dma_wait3A_197 : memref<10240xf32, #tpu.memory_space<vmem_shared>>)
        tpu.yield
      }) : () -> ()
      %mul3A_175 = arith.constant 2 : i32
      %mul3A_176 = arith.muli %mul3A_175, %scan3A_126 : i32
      %add3A_177 = arith.constant 2 : i32
      %add3A_178 = arith.addi %mul3A_176, %add3A_177 : i32
      %add3A_179 = arith.addi %mul3A_89, %arg1 : i32
      %mul3A_180 = arith.constant 16 : i32
      %mul3A_181 = arith.muli %add3A_178, %mul3A_180 : i32
      %add3A_182 = arith.addi %add3A_179, %mul3A_181 : i32
      %add3A_183 = arith.constant 1250 : i32
      %add3A_184 = arith.addi %mul3A_89, %add3A_183 : i32
      %lt3A_185 = arith.cmpi slt, %add3A_182, %add3A_184 : i32
      %convert_element_type3A_186 = arith.extui %lt3A_185 : i1 to i32
      %cond3A_187 = arith.constant 0 : i32
      %cond3A_188 = arith.cmpi ne, %convert_element_type3A_186, %cond3A_187 : i32
      scf.if %cond3A_188 {
        %dma_wait3A = arith.constant 0 : i32
        %dma_wait3A_189 = arith.constant 0 : i32
        %dma_wait3A_190 = tpu.memref_slice %arg9[%dma_wait3A, %dma_wait3A_189] : memref<2x128xi32, #tpu.memory_space<vmem>> -> memref<1x128xi32, #tpu.memory_space<vmem>>
        %dma_wait3A_191 = tpu.memref_squeeze %dma_wait3A_190 : memref<1x128xi32, #tpu.memory_space<vmem>> -> memref<128xi32, #tpu.memory_space<vmem>>
        %dma_wait3A_192 = arith.constant 0 : i32
        %dma_wait3A_193 = tpu.memref_slice %arg3[%add3A_182, %dma_wait3A_192] : memref<2500x128xi32, #tpu.memory_space<hbm>> -> memref<1x128xi32, #tpu.memory_space<hbm>>
        %dma_wait3A_194 = tpu.memref_squeeze %dma_wait3A_193 : memref<1x128xi32, #tpu.memory_space<hbm>> -> memref<128xi32, #tpu.memory_space<hbm>>
        %dma_wait3A_195 = arith.constant 0 : i32
        %dma_wait3A_196 = tpu.memref_slice %arg9[%dma_wait3A, %dma_wait3A_195] : memref<2x128xi32, #tpu.memory_space<vmem>> -> memref<1x128xi32, #tpu.memory_space<vmem>>
        %dma_wait3A_197 = tpu.memref_squeeze %dma_wait3A_196 : memref<1x128xi32, #tpu.memory_space<vmem>> -> memref<128xi32, #tpu.memory_space<vmem>>
        %dma_wait3A_198 = arith.constant 0 : i32
        %dma_wait3A_199 = tpu.memref_slice %arg3[%add3A_182, %dma_wait3A_198] : memref<2500x128xi32, #tpu.memory_space<hbm>> -> memref<1x128xi32, #tpu.memory_space<hbm>>
        %dma_wait3A_200 = tpu.memref_squeeze %dma_wait3A_199 : memref<1x128xi32, #tpu.memory_space<hbm>> -> memref<128xi32, #tpu.memory_space<hbm>>
        tpu.wait_dma2 semaphore(%arg13 : memref<!tpu.dma_semaphore, #tpu.memory_space<semaphore_mem>>) src(%dma_wait3A_200 : memref<128xi32, #tpu.memory_space<hbm>>) dst(%dma_wait3A_197 : memref<128xi32, #tpu.memory_space<vmem>>)
        %dma_wait3A_201 = arith.constant 0 : i32
        %dma_wait3A_202 = arith.constant 0 : i32
        %dma_wait3A_203 = tpu.memref_slice %arg10[%dma_wait3A_201, %dma_wait3A_202] : memref<2x128xi32, #tpu.memory_space<vmem>> -> memref<1x128xi32, #tpu.memory_space<vmem>>
        %dma_wait3A_204 = tpu.memref_squeeze %dma_wait3A_203 : memref<1x128xi32, #tpu.memory_space<vmem>> -> memref<128xi32, #tpu.memory_space<vmem>>
        %dma_wait3A_205 = arith.constant 0 : i32
        %dma_wait3A_206 = tpu.memref_slice %arg4[%add3A_182, %dma_wait3A_205] : memref<2500x128xi32, #tpu.memory_space<hbm>> -> memref<1x128xi32, #tpu.memory_space<hbm>>
        %dma_wait3A_207 = tpu.memref_squeeze %dma_wait3A_206 : memref<1x128xi32, #tpu.memory_space<hbm>> -> memref<128xi32, #tpu.memory_space<hbm>>
        %dma_wait3A_208 = arith.constant 0 : i32
        %dma_wait3A_209 = tpu.memref_slice %arg10[%dma_wait3A_201, %dma_wait3A_208] : memref<2x128xi32, #tpu.memory_space<vmem>> -> memref<1x128xi32, #tpu.memory_space<vmem>>
        %dma_wait3A_210 = tpu.memref_squeeze %dma_wait3A_209 : memref<1x128xi32, #tpu.memory_space<vmem>> -> memref<128xi32, #tpu.memory_space<vmem>>
        %dma_wait3A_211 = arith.constant 0 : i32
        %dma_wait3A_212 = tpu.memref_slice %arg4[%add3A_182, %dma_wait3A_211] : memref<2500x128xi32, #tpu.memory_space<hbm>> -> memref<1x128xi32, #tpu.memory_space<hbm>>
        %dma_wait3A_213 = tpu.memref_squeeze %dma_wait3A_212 : memref<1x128xi32, #tpu.memory_space<hbm>> -> memref<128xi32, #tpu.memory_space<hbm>>
        tpu.wait_dma2 semaphore(%arg13 : memref<!tpu.dma_semaphore, #tpu.memory_space<semaphore_mem>>) src(%dma_wait3A_213 : memref<128xi32, #tpu.memory_space<hbm>>) dst(%dma_wait3A_210 : memref<128xi32, #tpu.memory_space<vmem>>)
      } else {
      }
    }
    %scan3A_102 = arith.constant 39 : i32
    %lt3A = arith.constant 2 : i32
    %lt3A_103 = arith.cmpi slt, %arg1, %lt3A : i32
    %convert_element_type3A = arith.extui %lt3A_103 : i1 to i32
    %cond3A = arith.constant 0 : i32
    %cond3A_104 = arith.cmpi ne, %convert_element_type3A, %cond3A : i32
    scf.if %cond3A_104 {
      %run_scoped3A_126 = arith.constant 0 : i32
      "tpu.region"() ({
        %run_scoped3A_129 = tpu.sem_alloc : memref<!tpu.dma_semaphore, #tpu.memory_space<semaphore_mem>>
        %dma_start3A = arith.constant 0 : i32
        %dma_start3A_130 = tpu.memref_slice %arg9[%run_scoped3A_126, %dma_start3A] : memref<2x128xi32, #tpu.memory_space<vmem>> -> memref<1x128xi32, #tpu.memory_space<vmem>>
        %dma_start3A_131 = tpu.memref_squeeze %dma_start3A_130 : memref<1x128xi32, #tpu.memory_space<vmem>> -> memref<128xi32, #tpu.memory_space<vmem>>
        %dma_start3A_132 = arith.constant 0 : i32
        %dma_start3A_133 = arith.constant 0 : i32
        %dma_start3A_134 = tpu.memref_slice %arg2[%dma_start3A_132, %dma_start3A_133] : memref<10240x128xf32, #tpu.memory_space<hbm>> -> memref<10240x128xf32, #tpu.memory_space<hbm>>
        tpu.enqueue_indirect_dma source(%dma_start3A_134 : memref<10240x128xf32, #tpu.memory_space<hbm>>) target(%arg8 : memref<128x128xf32, #tpu.memory_space<vmem>>) offsets(%dma_start3A_131 : memref<128xi32, #tpu.memory_space<vmem>>) semaphore(%run_scoped3A_129 : memref<!tpu.dma_semaphore, #tpu.memory_space<semaphore_mem>>)
        %dma_wait3A = arith.constant 0 : i32
        %dma_wait3A_135 = tpu.memref_slice %arg9[%run_scoped3A_126, %dma_wait3A] : memref<2x128xi32, #tpu.memory_space<vmem>> -> memref<1x128xi32, #tpu.memory_space<vmem>>
        %dma_wait3A_136 = tpu.memref_squeeze %dma_wait3A_135 : memref<1x128xi32, #tpu.memory_space<vmem>> -> memref<128xi32, #tpu.memory_space<vmem>>
        %dma_wait3A_137 = arith.constant 0 : i32
        %dma_wait3A_138 = arith.constant 0 : i32
        %dma_wait3A_139 = tpu.memref_slice %arg2[%dma_wait3A_137, %dma_wait3A_138] : memref<10240x128xf32, #tpu.memory_space<hbm>> -> memref<10240x128xf32, #tpu.memory_space<hbm>>
        tpu.wait_indirect_dma semaphore(%run_scoped3A_129 : memref<!tpu.dma_semaphore, #tpu.memory_space<semaphore_mem>>) src(%dma_wait3A_139 : memref<10240x128xf32, #tpu.memory_space<hbm>>) dst(%arg8 : memref<128x128xf32, #tpu.memory_space<vmem>>)
        tpu.yield
      }) : () -> ()
      %run_scoped3A_127 = arith.constant 0 : i32
      "tpu.region"() ({
        %run_scoped3A_129 = tpu.sem_alloc : memref<!tpu.dma_semaphore, #tpu.memory_space<semaphore_mem>>
        %dma_start3A = arith.constant 0 : i32
        %dma_start3A_130 = tpu.memref_slice %arg10[%run_scoped3A_127, %dma_start3A] : memref<2x128xi32, #tpu.memory_space<vmem>> -> memref<1x128xi32, #tpu.memory_space<vmem>>
        %dma_start3A_131 = tpu.memref_squeeze %dma_start3A_130 : memref<1x128xi32, #tpu.memory_space<vmem>> -> memref<128xi32, #tpu.memory_space<vmem>>
        %dma_start3A_132 = arith.constant 0 : i32
        %dma_start3A_133 = arith.constant 0 : i32
        %dma_start3A_134 = tpu.memref_slice %arg14[%dma_start3A_132, %dma_start3A_133] : memref<10240x128xf32, #tpu.memory_space<vmem_shared>> -> memref<10240x128xf32, #tpu.memory_space<vmem_shared>>
        tpu.enqueue_indirect_dma source(%arg8 : memref<128x128xf32, #tpu.memory_space<vmem>>) target(%dma_start3A_134 : memref<10240x128xf32, #tpu.memory_space<vmem_shared>>) offsets(%dma_start3A_131 : memref<128xi32, #tpu.memory_space<vmem>>) semaphore(%run_scoped3A_129 : memref<!tpu.dma_semaphore, #tpu.memory_space<semaphore_mem>>) {add = true}
        %dma_wait3A = arith.constant 0 : i32
        %dma_wait3A_135 = tpu.memref_slice %arg10[%run_scoped3A_127, %dma_wait3A] : memref<2x128xi32, #tpu.memory_space<vmem>> -> memref<1x128xi32, #tpu.memory_space<vmem>>
        %dma_wait3A_136 = tpu.memref_squeeze %dma_wait3A_135 : memref<1x128xi32, #tpu.memory_space<vmem>> -> memref<128xi32, #tpu.memory_space<vmem>>
        %dma_wait3A_137 = arith.constant 0 : i32
        %dma_wait3A_138 = arith.constant 0 : i32
        %dma_wait3A_139 = tpu.memref_slice %arg14[%dma_wait3A_137, %dma_wait3A_138] : memref<10240x128xf32, #tpu.memory_space<vmem_shared>> -> memref<10240x128xf32, #tpu.memory_space<vmem_shared>>
        tpu.wait_indirect_dma semaphore(%run_scoped3A_129 : memref<!tpu.dma_semaphore, #tpu.memory_space<semaphore_mem>>) src(%arg8 : memref<128x128xf32, #tpu.memory_space<vmem>>) dst(%dma_wait3A_139 : memref<10240x128xf32, #tpu.memory_space<vmem_shared>>)
        tpu.yield
      }) : () -> ()
      %run_scoped3A_128 = arith.constant 0 : i32
      "tpu.region"() ({
        %run_scoped3A_129 = tpu.sem_alloc : memref<!tpu.dma_semaphore, #tpu.memory_space<semaphore_mem>>
        %dma_start3A = arith.constant 0 : i32
        %dma_start3A_130 = tpu.memref_slice %arg10[%run_scoped3A_128, %dma_start3A] : memref<2x128xi32, #tpu.memory_space<vmem>> -> memref<1x128xi32, #tpu.memory_space<vmem>>
        %dma_start3A_131 = tpu.memref_squeeze %dma_start3A_130 : memref<1x128xi32, #tpu.memory_space<vmem>> -> memref<128xi32, #tpu.memory_space<vmem>>
        %dma_start3A_132 = arith.constant 0 : i32
        %dma_start3A_133 = tpu.memref_slice %arg15[%dma_start3A_132] : memref<10240xf32, #tpu.memory_space<vmem_shared>> -> memref<10240xf32, #tpu.memory_space<vmem_shared>>
        tpu.enqueue_indirect_dma source(%arg11 : memref<128xf32, #tpu.memory_space<vmem>>) target(%dma_start3A_133 : memref<10240xf32, #tpu.memory_space<vmem_shared>>) offsets(%dma_start3A_131 : memref<128xi32, #tpu.memory_space<vmem>>) semaphore(%run_scoped3A_129 : memref<!tpu.dma_semaphore, #tpu.memory_space<semaphore_mem>>) {add = true}
        %dma_wait3A = arith.constant 0 : i32
        %dma_wait3A_134 = tpu.memref_slice %arg10[%run_scoped3A_128, %dma_wait3A] : memref<2x128xi32, #tpu.memory_space<vmem>> -> memref<1x128xi32, #tpu.memory_space<vmem>>
        %dma_wait3A_135 = tpu.memref_squeeze %dma_wait3A_134 : memref<1x128xi32, #tpu.memory_space<vmem>> -> memref<128xi32, #tpu.memory_space<vmem>>
        %dma_wait3A_136 = arith.constant 0 : i32
        %dma_wait3A_137 = tpu.memref_slice %arg15[%dma_wait3A_136] : memref<10240xf32, #tpu.memory_space<vmem_shared>> -> memref<10240xf32, #tpu.memory_space<vmem_shared>>
        tpu.wait_indirect_dma semaphore(%run_scoped3A_129 : memref<!tpu.dma_semaphore, #tpu.memory_space<semaphore_mem>>) src(%arg11 : memref<128xf32, #tpu.memory_space<vmem>>) dst(%dma_wait3A_137 : memref<10240xf32, #tpu.memory_space<vmem_shared>>)
        tpu.yield
      }) : () -> ()
    } else {
    }
    %barrier3A_105 = arith.constant 0 : index
    tpu.barrier barrier_id(%barrier3A_105)
    %mul3A_106 = arith.constant 640 : i32
    %mul3A_107 = arith.muli %arg1, %mul3A_106 : i32
    %add3A_108 = arith.constant 0 : i32
    %add3A_109 = arith.addi %mul3A_107, %add3A_108 : i32
    "tpu.region"() ({
      %run_scoped3A_126 = tpu.sem_alloc : memref<!tpu.dma_semaphore, #tpu.memory_space<semaphore_mem>>
      %dma_start3A = arith.constant 0 : i32
      %dma_start3A_127 = tpu.memref_slice %arg14[%add3A_109, %dma_start3A] : memref<10240x128xf32, #tpu.memory_space<vmem_shared>> -> memref<128x128xf32, #tpu.memory_space<vmem_shared>>
      %dma_start3A_128 = arith.constant 0 : i32
      %dma_start3A_129 = tpu.memref_slice %arg14[%add3A_109, %dma_start3A_128] : memref<10240x128xf32, #tpu.memory_space<vmem_shared>> -> memref<128x128xf32, #tpu.memory_space<vmem_shared>>
      tpu.enqueue_dma source(%dma_start3A_129 : memref<128x128xf32, #tpu.memory_space<vmem_shared>>) target(%arg8 : memref<128x128xf32, #tpu.memory_space<vmem>>) target_semaphore(%run_scoped3A_126 : memref<!tpu.dma_semaphore, #tpu.memory_space<semaphore_mem>>)
      %dma_wait3A = arith.constant 0 : i32
      %dma_wait3A_130 = tpu.memref_slice %arg14[%add3A_109, %dma_wait3A] : memref<10240x128xf32, #tpu.memory_space<vmem_shared>> -> memref<128x128xf32, #tpu.memory_space<vmem_shared>>
      %dma_wait3A_131 = arith.constant 0 : i32
      %dma_wait3A_132 = tpu.memref_slice %arg14[%add3A_109, %dma_wait3A_131] : memref<10240x128xf32, #tpu.memory_space<vmem_shared>> -> memref<128x128xf32, #tpu.memory_space<vmem_shared>>
      tpu.wait_dma2 semaphore(%run_scoped3A_126 : memref<!tpu.dma_semaphore, #tpu.memory_space<semaphore_mem>>) src(%dma_wait3A_132 : memref<128x128xf32, #tpu.memory_space<vmem_shared>>) dst(%arg8 : memref<128x128xf32, #tpu.memory_space<vmem>>)
      tpu.yield
    }) : () -> ()
    "tpu.region"() ({
      %run_scoped3A_126 = tpu.sem_alloc : memref<!tpu.dma_semaphore, #tpu.memory_space<semaphore_mem>>
      %dma_start3A = arith.constant 0 : i32
      %dma_start3A_127 = tpu.memref_slice %arg6[%arg0, %add3A_109, %dma_start3A] : memref<2x10240x128xf32, #tpu.memory_space<hbm>> -> memref<1x128x128xf32, #tpu.memory_space<hbm>>
      %dma_start3A_128 = tpu.memref_squeeze %dma_start3A_127 : memref<1x128x128xf32, #tpu.memory_space<hbm>> -> memref<128x128xf32, #tpu.memory_space<hbm>>
      %dma_start3A_129 = arith.constant 0 : i32
      %dma_start3A_130 = tpu.memref_slice %arg6[%arg0, %add3A_109, %dma_start3A_129] : memref<2x10240x128xf32, #tpu.memory_space<hbm>> -> memref<1x128x128xf32, #tpu.memory_space<hbm>>
      %dma_start3A_131 = tpu.memref_squeeze %dma_start3A_130 : memref<1x128x128xf32, #tpu.memory_space<hbm>> -> memref<128x128xf32, #tpu.memory_space<hbm>>
      tpu.enqueue_dma source(%arg8 : memref<128x128xf32, #tpu.memory_space<vmem>>) target(%dma_start3A_131 : memref<128x128xf32, #tpu.memory_space<hbm>>) target_semaphore(%run_scoped3A_126 : memref<!tpu.dma_semaphore, #tpu.memory_space<semaphore_mem>>)
      %dma_wait3A = arith.constant 0 : i32
      %dma_wait3A_132 = tpu.memref_slice %arg6[%arg0, %add3A_109, %dma_wait3A] : memref<2x10240x128xf32, #tpu.memory_space<hbm>> -> memref<1x128x128xf32, #tpu.memory_space<hbm>>
      %dma_wait3A_133 = tpu.memref_squeeze %dma_wait3A_132 : memref<1x128x128xf32, #tpu.memory_space<hbm>> -> memref<128x128xf32, #tpu.memory_space<hbm>>
      %dma_wait3A_134 = arith.constant 0 : i32
      %dma_wait3A_135 = tpu.memref_slice %arg6[%arg0, %add3A_109, %dma_wait3A_134] : memref<2x10240x128xf32, #tpu.memory_space<hbm>> -> memref<1x128x128xf32, #tpu.memory_space<hbm>>
      %dma_wait3A_136 = tpu.memref_squeeze %dma_wait3A_135 : memref<1x128x128xf32, #tpu.memory_space<hbm>> -> memref<128x128xf32, #tpu.memory_space<hbm>>
      tpu.wait_dma2 semaphore(%run_scoped3A_126 : memref<!tpu.dma_semaphore, #tpu.memory_space<semaphore_mem>>) src(%arg8 : memref<128x128xf32, #tpu.memory_space<vmem>>) dst(%dma_wait3A_136 : memref<128x128xf32, #tpu.memory_space<hbm>>)
      tpu.yield
    }) : () -> ()
    "tpu.region"() ({
      %run_scoped3A_126 = tpu.sem_alloc : memref<!tpu.dma_semaphore, #tpu.memory_space<semaphore_mem>>
      %dma_start3A = tpu.memref_slice %arg15[%add3A_109] : memref<10240xf32, #tpu.memory_space<vmem_shared>> -> memref<128xf32, #tpu.memory_space<vmem_shared>>
      %dma_start3A_127 = tpu.memref_slice %arg15[%add3A_109] : memref<10240xf32, #tpu.memory_space<vmem_shared>> -> memref<128xf32, #tpu.memory_space<vmem_shared>>
      tpu.enqueue_dma source(%dma_start3A_127 : memref<128xf32, #tpu.memory_space<vmem_shared>>) target(%arg12 : memref<128xf32, #tpu.memory_space<vmem>>) target_semaphore(%run_scoped3A_126 : memref<!tpu.dma_semaphore, #tpu.memory_space<semaphore_mem>>)
      %dma_wait3A = tpu.memref_slice %arg15[%add3A_109] : memref<10240xf32, #tpu.memory_space<vmem_shared>> -> memref<128xf32, #tpu.memory_space<vmem_shared>>
      %dma_wait3A_128 = tpu.memref_slice %arg15[%add3A_109] : memref<10240xf32, #tpu.memory_space<vmem_shared>> -> memref<128xf32, #tpu.memory_space<vmem_shared>>
      tpu.wait_dma2 semaphore(%run_scoped3A_126 : memref<!tpu.dma_semaphore, #tpu.memory_space<semaphore_mem>>) src(%dma_wait3A_128 : memref<128xf32, #tpu.memory_space<vmem_shared>>) dst(%arg12 : memref<128xf32, #tpu.memory_space<vmem>>)
      tpu.yield
    }) : () -> ()
    "tpu.region"() ({
      %run_scoped3A_126 = tpu.sem_alloc : memref<!tpu.dma_semaphore, #tpu.memory_space<semaphore_mem>>
      %dma_start3A = tpu.memref_slice %arg7[%arg0, %add3A_109] : memref<2x10240xf32, #tpu.memory_space<hbm>> -> memref<1x128xf32, #tpu.memory_space<hbm>>
      %dma_start3A_127 = tpu.memref_squeeze %dma_start3A : memref<1x128xf32, #tpu.memory_space<hbm>> -> memref<128xf32, #tpu.memory_space<hbm>>
      %dma_start3A_128 = tpu.memref_slice %arg7[%arg0, %add3A_109] : memref<2x10240xf32, #tpu.memory_space<hbm>> -> memref<1x128xf32, #tpu.memory_space<hbm>>
      %dma_start3A_129 = tpu.memref_squeeze %dma_start3A_128 : memref<1x128xf32, #tpu.memory_space<hbm>> -> memref<128xf32, #tpu.memory_space<hbm>>
      tpu.enqueue_dma source(%arg12 : memref<128xf32, #tpu.memory_space<vmem>>) target(%dma_start3A_129 : memref<128xf32, #tpu.memory_space<hbm>>) target_semaphore(%run_scoped3A_126 : memref<!tpu.dma_semaphore, #tpu.memory_space<semaphore_mem>>)
      %dma_wait3A = tpu.memref_slice %arg7[%arg0, %add3A_109] : memref<2x10240xf32, #tpu.memory_space<hbm>> -> memref<1x128xf32, #tpu.memory_space<hbm>>
      %dma_wait3A_130 = tpu.memref_squeeze %dma_wait3A : memref<1x128xf32, #tpu.memory_space<hbm>> -> memref<128xf32, #tpu.memory_space<hbm>>
      %dma_wait3A_131 = tpu.memref_slice %arg7[%arg0, %add3A_109] : memref<2x10240xf32, #tpu.memory_space<hbm>> -> memref<1x128xf32, #tpu.memory_space<hbm>>
      %dma_wait3A_132 = tpu.memref_squeeze %dma_wait3A_131 : memref<1x128xf32, #tpu.memory_space<hbm>> -> memref<128xf32, #tpu.memory_space<hbm>>
      tpu.wait_dma2 semaphore(%run_scoped3A_126 : memref<!tpu.dma_semaphore, #tpu.memory_space<semaphore_mem>>) src(%arg12 : memref<128xf32, #tpu.memory_space<vmem>>) dst(%dma_wait3A_132 : memref<128xf32, #tpu.memory_space<hbm>>)
      tpu.yield
    }) : () -> ()
    %mul3A_110 = arith.constant 640 : i32
    %mul3A_111 = arith.muli %arg1, %mul3A_110 : i32
    %add3A_112 = arith.constant 128 : i32
    %add3A_113 = arith.addi %mul3A_111, %add3A_112 : i32
    "tpu.region"() ({
      %run_scoped3A_126 = tpu.sem_alloc : memref<!tpu.dma_semaphore, #tpu.memory_space<semaphore_mem>>
      %dma_start3A = arith.constant 0 : i32
      %dma_start3A_127 = tpu.memref_slice %arg14[%add3A_113, %dma_start3A] : memref<10240x128xf32, #tpu.memory_space<vmem_shared>> -> memref<128x128xf32, #tpu.memory_space<vmem_shared>>
      %dma_start3A_128 = arith.constant 0 : i32
      %dma_start3A_129 = tpu.memref_slice %arg14[%add3A_113, %dma_start3A_128] : memref<10240x128xf32, #tpu.memory_space<vmem_shared>> -> memref<128x128xf32, #tpu.memory_space<vmem_shared>>
      tpu.enqueue_dma source(%dma_start3A_129 : memref<128x128xf32, #tpu.memory_space<vmem_shared>>) target(%arg8 : memref<128x128xf32, #tpu.memory_space<vmem>>) target_semaphore(%run_scoped3A_126 : memref<!tpu.dma_semaphore, #tpu.memory_space<semaphore_mem>>)
      %dma_wait3A = arith.constant 0 : i32
      %dma_wait3A_130 = tpu.memref_slice %arg14[%add3A_113, %dma_wait3A] : memref<10240x128xf32, #tpu.memory_space<vmem_shared>> -> memref<128x128xf32, #tpu.memory_space<vmem_shared>>
      %dma_wait3A_131 = arith.constant 0 : i32
      %dma_wait3A_132 = tpu.memref_slice %arg14[%add3A_113, %dma_wait3A_131] : memref<10240x128xf32, #tpu.memory_space<vmem_shared>> -> memref<128x128xf32, #tpu.memory_space<vmem_shared>>
      tpu.wait_dma2 semaphore(%run_scoped3A_126 : memref<!tpu.dma_semaphore, #tpu.memory_space<semaphore_mem>>) src(%dma_wait3A_132 : memref<128x128xf32, #tpu.memory_space<vmem_shared>>) dst(%arg8 : memref<128x128xf32, #tpu.memory_space<vmem>>)
      tpu.yield
    }) : () -> ()
    "tpu.region"() ({
      %run_scoped3A_126 = tpu.sem_alloc : memref<!tpu.dma_semaphore, #tpu.memory_space<semaphore_mem>>
      %dma_start3A = arith.constant 0 : i32
      %dma_start3A_127 = tpu.memref_slice %arg6[%arg0, %add3A_113, %dma_start3A] : memref<2x10240x128xf32, #tpu.memory_space<hbm>> -> memref<1x128x128xf32, #tpu.memory_space<hbm>>
      %dma_start3A_128 = tpu.memref_squeeze %dma_start3A_127 : memref<1x128x128xf32, #tpu.memory_space<hbm>> -> memref<128x128xf32, #tpu.memory_space<hbm>>
      %dma_start3A_129 = arith.constant 0 : i32
      %dma_start3A_130 = tpu.memref_slice %arg6[%arg0, %add3A_113, %dma_start3A_129] : memref<2x10240x128xf32, #tpu.memory_space<hbm>> -> memref<1x128x128xf32, #tpu.memory_space<hbm>>
      %dma_start3A_131 = tpu.memref_squeeze %dma_start3A_130 : memref<1x128x128xf32, #tpu.memory_space<hbm>> -> memref<128x128xf32, #tpu.memory_space<hbm>>
      tpu.enqueue_dma source(%arg8 : memref<128x128xf32, #tpu.memory_space<vmem>>) target(%dma_start3A_131 : memref<128x128xf32, #tpu.memory_space<hbm>>) target_semaphore(%run_scoped3A_126 : memref<!tpu.dma_semaphore, #tpu.memory_space<semaphore_mem>>)
      %dma_wait3A = arith.constant 0 : i32
      %dma_wait3A_132 = tpu.memref_slice %arg6[%arg0, %add3A_113, %dma_wait3A] : memref<2x10240x128xf32, #tpu.memory_space<hbm>> -> memref<1x128x128xf32, #tpu.memory_space<hbm>>
      %dma_wait3A_133 = tpu.memref_squeeze %dma_wait3A_132 : memref<1x128x128xf32, #tpu.memory_space<hbm>> -> memref<128x128xf32, #tpu.memory_space<hbm>>
      %dma_wait3A_134 = arith.constant 0 : i32
      %dma_wait3A_135 = tpu.memref_slice %arg6[%arg0, %add3A_113, %dma_wait3A_134] : memref<2x10240x128xf32, #tpu.memory_space<hbm>> -> memref<1x128x128xf32, #tpu.memory_space<hbm>>
      %dma_wait3A_136 = tpu.memref_squeeze %dma_wait3A_135 : memref<1x128x128xf32, #tpu.memory_space<hbm>> -> memref<128x128xf32, #tpu.memory_space<hbm>>
      tpu.wait_dma2 semaphore(%run_scoped3A_126 : memref<!tpu.dma_semaphore, #tpu.memory_space<semaphore_mem>>) src(%arg8 : memref<128x128xf32, #tpu.memory_space<vmem>>) dst(%dma_wait3A_136 : memref<128x128xf32, #tpu.memory_space<hbm>>)
      tpu.yield
    }) : () -> ()
    "tpu.region"() ({
      %run_scoped3A_126 = tpu.sem_alloc : memref<!tpu.dma_semaphore, #tpu.memory_space<semaphore_mem>>
      %dma_start3A = tpu.memref_slice %arg15[%add3A_113] : memref<10240xf32, #tpu.memory_space<vmem_shared>> -> memref<128xf32, #tpu.memory_space<vmem_shared>>
      %dma_start3A_127 = tpu.memref_slice %arg15[%add3A_113] : memref<10240xf32, #tpu.memory_space<vmem_shared>> -> memref<128xf32, #tpu.memory_space<vmem_shared>>
      tpu.enqueue_dma source(%dma_start3A_127 : memref<128xf32, #tpu.memory_space<vmem_shared>>) target(%arg12 : memref<128xf32, #tpu.memory_space<vmem>>) target_semaphore(%run_scoped3A_126 : memref<!tpu.dma_semaphore, #tpu.memory_space<semaphore_mem>>)
      %dma_wait3A = tpu.memref_slice %arg15[%add3A_113] : memref<10240xf32, #tpu.memory_space<vmem_shared>> -> memref<128xf32, #tpu.memory_space<vmem_shared>>
      %dma_wait3A_128 = tpu.memref_slice %arg15[%add3A_113] : memref<10240xf32, #tpu.memory_space<vmem_shared>> -> memref<128xf32, #tpu.memory_space<vmem_shared>>
      tpu.wait_dma2 semaphore(%run_scoped3A_126 : memref<!tpu.dma_semaphore, #tpu.memory_space<semaphore_mem>>) src(%dma_wait3A_128 : memref<128xf32, #tpu.memory_space<vmem_shared>>) dst(%arg12 : memref<128xf32, #tpu.memory_space<vmem>>)
      tpu.yield
    }) : () -> ()
    "tpu.region"() ({
      %run_scoped3A_126 = tpu.sem_alloc : memref<!tpu.dma_semaphore, #tpu.memory_space<semaphore_mem>>
      %dma_start3A = tpu.memref_slice %arg7[%arg0, %add3A_113] : memref<2x10240xf32, #tpu.memory_space<hbm>> -> memref<1x128xf32, #tpu.memory_space<hbm>>
      %dma_start3A_127 = tpu.memref_squeeze %dma_start3A : memref<1x128xf32, #tpu.memory_space<hbm>> -> memref<128xf32, #tpu.memory_space<hbm>>
      %dma_start3A_128 = tpu.memref_slice %arg7[%arg0, %add3A_113] : memref<2x10240xf32, #tpu.memory_space<hbm>> -> memref<1x128xf32, #tpu.memory_space<hbm>>
      %dma_start3A_129 = tpu.memref_squeeze %dma_start3A_128 : memref<1x128xf32, #tpu.memory_space<hbm>> -> memref<128xf32, #tpu.memory_space<hbm>>
      tpu.enqueue_dma source(%arg12 : memref<128xf32, #tpu.memory_space<vmem>>) target(%dma_start3A_129 : memref<128xf32, #tpu.memory_space<hbm>>) target_semaphore(%run_scoped3A_126 : memref<!tpu.dma_semaphore, #tpu.memory_space<semaphore_mem>>)
      %dma_wait3A = tpu.memref_slice %arg7[%arg0, %add3A_113] : memref<2x10240xf32, #tpu.memory_space<hbm>> -> memref<1x128xf32, #tpu.memory_space<hbm>>
      %dma_wait3A_130 = tpu.memref_squeeze %dma_wait3A : memref<1x128xf32, #tpu.memory_space<hbm>> -> memref<128xf32, #tpu.memory_space<hbm>>
      %dma_wait3A_131 = tpu.memref_slice %arg7[%arg0, %add3A_113] : memref<2x10240xf32, #tpu.memory_space<hbm>> -> memref<1x128xf32, #tpu.memory_space<hbm>>
      %dma_wait3A_132 = tpu.memref_squeeze %dma_wait3A_131 : memref<1x128xf32, #tpu.memory_space<hbm>> -> memref<128xf32, #tpu.memory_space<hbm>>
      tpu.wait_dma2 semaphore(%run_scoped3A_126 : memref<!tpu.dma_semaphore, #tpu.memory_space<semaphore_mem>>) src(%arg12 : memref<128xf32, #tpu.memory_space<vmem>>) dst(%dma_wait3A_132 : memref<128xf32, #tpu.memory_space<hbm>>)
      tpu.yield
    }) : () -> ()
    %mul3A_114 = arith.constant 640 : i32
    %mul3A_115 = arith.muli %arg1, %mul3A_114 : i32
    %add3A_116 = arith.constant 256 : i32
    %add3A_117 = arith.addi %mul3A_115, %add3A_116 : i32
    "tpu.region"() ({
      %run_scoped3A_126 = tpu.sem_alloc : memref<!tpu.dma_semaphore, #tpu.memory_space<semaphore_mem>>
      %dma_start3A = arith.constant 0 : i32
      %dma_start3A_127 = tpu.memref_slice %arg14[%add3A_117, %dma_start3A] : memref<10240x128xf32, #tpu.memory_space<vmem_shared>> -> memref<128x128xf32, #tpu.memory_space<vmem_shared>>
      %dma_start3A_128 = arith.constant 0 : i32
      %dma_start3A_129 = tpu.memref_slice %arg14[%add3A_117, %dma_start3A_128] : memref<10240x128xf32, #tpu.memory_space<vmem_shared>> -> memref<128x128xf32, #tpu.memory_space<vmem_shared>>
      tpu.enqueue_dma source(%dma_start3A_129 : memref<128x128xf32, #tpu.memory_space<vmem_shared>>) target(%arg8 : memref<128x128xf32, #tpu.memory_space<vmem>>) target_semaphore(%run_scoped3A_126 : memref<!tpu.dma_semaphore, #tpu.memory_space<semaphore_mem>>)
      %dma_wait3A = arith.constant 0 : i32
      %dma_wait3A_130 = tpu.memref_slice %arg14[%add3A_117, %dma_wait3A] : memref<10240x128xf32, #tpu.memory_space<vmem_shared>> -> memref<128x128xf32, #tpu.memory_space<vmem_shared>>
      %dma_wait3A_131 = arith.constant 0 : i32
      %dma_wait3A_132 = tpu.memref_slice %arg14[%add3A_117, %dma_wait3A_131] : memref<10240x128xf32, #tpu.memory_space<vmem_shared>> -> memref<128x128xf32, #tpu.memory_space<vmem_shared>>
      tpu.wait_dma2 semaphore(%run_scoped3A_126 : memref<!tpu.dma_semaphore, #tpu.memory_space<semaphore_mem>>) src(%dma_wait3A_132 : memref<128x128xf32, #tpu.memory_space<vmem_shared>>) dst(%arg8 : memref<128x128xf32, #tpu.memory_space<vmem>>)
      tpu.yield
    }) : () -> ()
    "tpu.region"() ({
      %run_scoped3A_126 = tpu.sem_alloc : memref<!tpu.dma_semaphore, #tpu.memory_space<semaphore_mem>>
      %dma_start3A = arith.constant 0 : i32
      %dma_start3A_127 = tpu.memref_slice %arg6[%arg0, %add3A_117, %dma_start3A] : memref<2x10240x128xf32, #tpu.memory_space<hbm>> -> memref<1x128x128xf32, #tpu.memory_space<hbm>>
      %dma_start3A_128 = tpu.memref_squeeze %dma_start3A_127 : memref<1x128x128xf32, #tpu.memory_space<hbm>> -> memref<128x128xf32, #tpu.memory_space<hbm>>
      %dma_start3A_129 = arith.constant 0 : i32
      %dma_start3A_130 = tpu.memref_slice %arg6[%arg0, %add3A_117, %dma_start3A_129] : memref<2x10240x128xf32, #tpu.memory_space<hbm>> -> memref<1x128x128xf32, #tpu.memory_space<hbm>>
      %dma_start3A_131 = tpu.memref_squeeze %dma_start3A_130 : memref<1x128x128xf32, #tpu.memory_space<hbm>> -> memref<128x128xf32, #tpu.memory_space<hbm>>
      tpu.enqueue_dma source(%arg8 : memref<128x128xf32, #tpu.memory_space<vmem>>) target(%dma_start3A_131 : memref<128x128xf32, #tpu.memory_space<hbm>>) target_semaphore(%run_scoped3A_126 : memref<!tpu.dma_semaphore, #tpu.memory_space<semaphore_mem>>)
      %dma_wait3A = arith.constant 0 : i32
      %dma_wait3A_132 = tpu.memref_slice %arg6[%arg0, %add3A_117, %dma_wait3A] : memref<2x10240x128xf32, #tpu.memory_space<hbm>> -> memref<1x128x128xf32, #tpu.memory_space<hbm>>
      %dma_wait3A_133 = tpu.memref_squeeze %dma_wait3A_132 : memref<1x128x128xf32, #tpu.memory_space<hbm>> -> memref<128x128xf32, #tpu.memory_space<hbm>>
      %dma_wait3A_134 = arith.constant 0 : i32
      %dma_wait3A_135 = tpu.memref_slice %arg6[%arg0, %add3A_117, %dma_wait3A_134] : memref<2x10240x128xf32, #tpu.memory_space<hbm>> -> memref<1x128x128xf32, #tpu.memory_space<hbm>>
      %dma_wait3A_136 = tpu.memref_squeeze %dma_wait3A_135 : memref<1x128x128xf32, #tpu.memory_space<hbm>> -> memref<128x128xf32, #tpu.memory_space<hbm>>
      tpu.wait_dma2 semaphore(%run_scoped3A_126 : memref<!tpu.dma_semaphore, #tpu.memory_space<semaphore_mem>>) src(%arg8 : memref<128x128xf32, #tpu.memory_space<vmem>>) dst(%dma_wait3A_136 : memref<128x128xf32, #tpu.memory_space<hbm>>)
      tpu.yield
    }) : () -> ()
    "tpu.region"() ({
      %run_scoped3A_126 = tpu.sem_alloc : memref<!tpu.dma_semaphore, #tpu.memory_space<semaphore_mem>>
      %dma_start3A = tpu.memref_slice %arg15[%add3A_117] : memref<10240xf32, #tpu.memory_space<vmem_shared>> -> memref<128xf32, #tpu.memory_space<vmem_shared>>
      %dma_start3A_127 = tpu.memref_slice %arg15[%add3A_117] : memref<10240xf32, #tpu.memory_space<vmem_shared>> -> memref<128xf32, #tpu.memory_space<vmem_shared>>
      tpu.enqueue_dma source(%dma_start3A_127 : memref<128xf32, #tpu.memory_space<vmem_shared>>) target(%arg12 : memref<128xf32, #tpu.memory_space<vmem>>) target_semaphore(%run_scoped3A_126 : memref<!tpu.dma_semaphore, #tpu.memory_space<semaphore_mem>>)
      %dma_wait3A = tpu.memref_slice %arg15[%add3A_117] : memref<10240xf32, #tpu.memory_space<vmem_shared>> -> memref<128xf32, #tpu.memory_space<vmem_shared>>
      %dma_wait3A_128 = tpu.memref_slice %arg15[%add3A_117] : memref<10240xf32, #tpu.memory_space<vmem_shared>> -> memref<128xf32, #tpu.memory_space<vmem_shared>>
      tpu.wait_dma2 semaphore(%run_scoped3A_126 : memref<!tpu.dma_semaphore, #tpu.memory_space<semaphore_mem>>) src(%dma_wait3A_128 : memref<128xf32, #tpu.memory_space<vmem_shared>>) dst(%arg12 : memref<128xf32, #tpu.memory_space<vmem>>)
      tpu.yield
    }) : () -> ()
    "tpu.region"() ({
      %run_scoped3A_126 = tpu.sem_alloc : memref<!tpu.dma_semaphore, #tpu.memory_space<semaphore_mem>>
      %dma_start3A = tpu.memref_slice %arg7[%arg0, %add3A_117] : memref<2x10240xf32, #tpu.memory_space<hbm>> -> memref<1x128xf32, #tpu.memory_space<hbm>>
      %dma_start3A_127 = tpu.memref_squeeze %dma_start3A : memref<1x128xf32, #tpu.memory_space<hbm>> -> memref<128xf32, #tpu.memory_space<hbm>>
      %dma_start3A_128 = tpu.memref_slice %arg7[%arg0, %add3A_117] : memref<2x10240xf32, #tpu.memory_space<hbm>> -> memref<1x128xf32, #tpu.memory_space<hbm>>
      %dma_start3A_129 = tpu.memref_squeeze %dma_start3A_128 : memref<1x128xf32, #tpu.memory_space<hbm>> -> memref<128xf32, #tpu.memory_space<hbm>>
      tpu.enqueue_dma source(%arg12 : memref<128xf32, #tpu.memory_space<vmem>>) target(%dma_start3A_129 : memref<128xf32, #tpu.memory_space<hbm>>) target_semaphore(%run_scoped3A_126 : memref<!tpu.dma_semaphore, #tpu.memory_space<semaphore_mem>>)
      %dma_wait3A = tpu.memref_slice %arg7[%arg0, %add3A_117] : memref<2x10240xf32, #tpu.memory_space<hbm>> -> memref<1x128xf32, #tpu.memory_space<hbm>>
      %dma_wait3A_130 = tpu.memref_squeeze %dma_wait3A : memref<1x128xf32, #tpu.memory_space<hbm>> -> memref<128xf32, #tpu.memory_space<hbm>>
      %dma_wait3A_131 = tpu.memref_slice %arg7[%arg0, %add3A_117] : memref<2x10240xf32, #tpu.memory_space<hbm>> -> memref<1x128xf32, #tpu.memory_space<hbm>>
      %dma_wait3A_132 = tpu.memref_squeeze %dma_wait3A_131 : memref<1x128xf32, #tpu.memory_space<hbm>> -> memref<128xf32, #tpu.memory_space<hbm>>
      tpu.wait_dma2 semaphore(%run_scoped3A_126 : memref<!tpu.dma_semaphore, #tpu.memory_space<semaphore_mem>>) src(%arg12 : memref<128xf32, #tpu.memory_space<vmem>>) dst(%dma_wait3A_132 : memref<128xf32, #tpu.memory_space<hbm>>)
      tpu.yield
    }) : () -> ()
    %mul3A_118 = arith.constant 640 : i32
    %mul3A_119 = arith.muli %arg1, %mul3A_118 : i32
    %add3A_120 = arith.constant 384 : i32
    %add3A_121 = arith.addi %mul3A_119, %add3A_120 : i32
    "tpu.region"() ({
      %run_scoped3A_126 = tpu.sem_alloc : memref<!tpu.dma_semaphore, #tpu.memory_space<semaphore_mem>>
      %dma_start3A = arith.constant 0 : i32
      %dma_start3A_127 = tpu.memref_slice %arg14[%add3A_121, %dma_start3A] : memref<10240x128xf32, #tpu.memory_space<vmem_shared>> -> memref<128x128xf32, #tpu.memory_space<vmem_shared>>
      %dma_start3A_128 = arith.constant 0 : i32
      %dma_start3A_129 = tpu.memref_slice %arg14[%add3A_121, %dma_start3A_128] : memref<10240x128xf32, #tpu.memory_space<vmem_shared>> -> memref<128x128xf32, #tpu.memory_space<vmem_shared>>
      tpu.enqueue_dma source(%dma_start3A_129 : memref<128x128xf32, #tpu.memory_space<vmem_shared>>) target(%arg8 : memref<128x128xf32, #tpu.memory_space<vmem>>) target_semaphore(%run_scoped3A_126 : memref<!tpu.dma_semaphore, #tpu.memory_space<semaphore_mem>>)
      %dma_wait3A = arith.constant 0 : i32
      %dma_wait3A_130 = tpu.memref_slice %arg14[%add3A_121, %dma_wait3A] : memref<10240x128xf32, #tpu.memory_space<vmem_shared>> -> memref<128x128xf32, #tpu.memory_space<vmem_shared>>
      %dma_wait3A_131 = arith.constant 0 : i32
      %dma_wait3A_132 = tpu.memref_slice %arg14[%add3A_121, %dma_wait3A_131] : memref<10240x128xf32, #tpu.memory_space<vmem_shared>> -> memref<128x128xf32, #tpu.memory_space<vmem_shared>>
      tpu.wait_dma2 semaphore(%run_scoped3A_126 : memref<!tpu.dma_semaphore, #tpu.memory_space<semaphore_mem>>) src(%dma_wait3A_132 : memref<128x128xf32, #tpu.memory_space<vmem_shared>>) dst(%arg8 : memref<128x128xf32, #tpu.memory_space<vmem>>)
      tpu.yield
    }) : () -> ()
    "tpu.region"() ({
      %run_scoped3A_126 = tpu.sem_alloc : memref<!tpu.dma_semaphore, #tpu.memory_space<semaphore_mem>>
      %dma_start3A = arith.constant 0 : i32
      %dma_start3A_127 = tpu.memref_slice %arg6[%arg0, %add3A_121, %dma_start3A] : memref<2x10240x128xf32, #tpu.memory_space<hbm>> -> memref<1x128x128xf32, #tpu.memory_space<hbm>>
      %dma_start3A_128 = tpu.memref_squeeze %dma_start3A_127 : memref<1x128x128xf32, #tpu.memory_space<hbm>> -> memref<128x128xf32, #tpu.memory_space<hbm>>
      %dma_start3A_129 = arith.constant 0 : i32
      %dma_start3A_130 = tpu.memref_slice %arg6[%arg0, %add3A_121, %dma_start3A_129] : memref<2x10240x128xf32, #tpu.memory_space<hbm>> -> memref<1x128x128xf32, #tpu.memory_space<hbm>>
      %dma_start3A_131 = tpu.memref_squeeze %dma_start3A_130 : memref<1x128x128xf32, #tpu.memory_space<hbm>> -> memref<128x128xf32, #tpu.memory_space<hbm>>
      tpu.enqueue_dma source(%arg8 : memref<128x128xf32, #tpu.memory_space<vmem>>) target(%dma_start3A_131 : memref<128x128xf32, #tpu.memory_space<hbm>>) target_semaphore(%run_scoped3A_126 : memref<!tpu.dma_semaphore, #tpu.memory_space<semaphore_mem>>)
      %dma_wait3A = arith.constant 0 : i32
      %dma_wait3A_132 = tpu.memref_slice %arg6[%arg0, %add3A_121, %dma_wait3A] : memref<2x10240x128xf32, #tpu.memory_space<hbm>> -> memref<1x128x128xf32, #tpu.memory_space<hbm>>
      %dma_wait3A_133 = tpu.memref_squeeze %dma_wait3A_132 : memref<1x128x128xf32, #tpu.memory_space<hbm>> -> memref<128x128xf32, #tpu.memory_space<hbm>>
      %dma_wait3A_134 = arith.constant 0 : i32
      %dma_wait3A_135 = tpu.memref_slice %arg6[%arg0, %add3A_121, %dma_wait3A_134] : memref<2x10240x128xf32, #tpu.memory_space<hbm>> -> memref<1x128x128xf32, #tpu.memory_space<hbm>>
      %dma_wait3A_136 = tpu.memref_squeeze %dma_wait3A_135 : memref<1x128x128xf32, #tpu.memory_space<hbm>> -> memref<128x128xf32, #tpu.memory_space<hbm>>
      tpu.wait_dma2 semaphore(%run_scoped3A_126 : memref<!tpu.dma_semaphore, #tpu.memory_space<semaphore_mem>>) src(%arg8 : memref<128x128xf32, #tpu.memory_space<vmem>>) dst(%dma_wait3A_136 : memref<128x128xf32, #tpu.memory_space<hbm>>)
      tpu.yield
    }) : () -> ()
    "tpu.region"() ({
      %run_scoped3A_126 = tpu.sem_alloc : memref<!tpu.dma_semaphore, #tpu.memory_space<semaphore_mem>>
      %dma_start3A = tpu.memref_slice %arg15[%add3A_121] : memref<10240xf32, #tpu.memory_space<vmem_shared>> -> memref<128xf32, #tpu.memory_space<vmem_shared>>
      %dma_start3A_127 = tpu.memref_slice %arg15[%add3A_121] : memref<10240xf32, #tpu.memory_space<vmem_shared>> -> memref<128xf32, #tpu.memory_space<vmem_shared>>
      tpu.enqueue_dma source(%dma_start3A_127 : memref<128xf32, #tpu.memory_space<vmem_shared>>) target(%arg12 : memref<128xf32, #tpu.memory_space<vmem>>) target_semaphore(%run_scoped3A_126 : memref<!tpu.dma_semaphore, #tpu.memory_space<semaphore_mem>>)
      %dma_wait3A = tpu.memref_slice %arg15[%add3A_121] : memref<10240xf32, #tpu.memory_space<vmem_shared>> -> memref<128xf32, #tpu.memory_space<vmem_shared>>
      %dma_wait3A_128 = tpu.memref_slice %arg15[%add3A_121] : memref<10240xf32, #tpu.memory_space<vmem_shared>> -> memref<128xf32, #tpu.memory_space<vmem_shared>>
      tpu.wait_dma2 semaphore(%run_scoped3A_126 : memref<!tpu.dma_semaphore, #tpu.memory_space<semaphore_mem>>) src(%dma_wait3A_128 : memref<128xf32, #tpu.memory_space<vmem_shared>>) dst(%arg12 : memref<128xf32, #tpu.memory_space<vmem>>)
      tpu.yield
    }) : () -> ()
    "tpu.region"() ({
      %run_scoped3A_126 = tpu.sem_alloc : memref<!tpu.dma_semaphore, #tpu.memory_space<semaphore_mem>>
      %dma_start3A = tpu.memref_slice %arg7[%arg0, %add3A_121] : memref<2x10240xf32, #tpu.memory_space<hbm>> -> memref<1x128xf32, #tpu.memory_space<hbm>>
      %dma_start3A_127 = tpu.memref_squeeze %dma_start3A : memref<1x128xf32, #tpu.memory_space<hbm>> -> memref<128xf32, #tpu.memory_space<hbm>>
      %dma_start3A_128 = tpu.memref_slice %arg7[%arg0, %add3A_121] : memref<2x10240xf32, #tpu.memory_space<hbm>> -> memref<1x128xf32, #tpu.memory_space<hbm>>
      %dma_start3A_129 = tpu.memref_squeeze %dma_start3A_128 : memref<1x128xf32, #tpu.memory_space<hbm>> -> memref<128xf32, #tpu.memory_space<hbm>>
      tpu.enqueue_dma source(%arg12 : memref<128xf32, #tpu.memory_space<vmem>>) target(%dma_start3A_129 : memref<128xf32, #tpu.memory_space<hbm>>) target_semaphore(%run_scoped3A_126 : memref<!tpu.dma_semaphore, #tpu.memory_space<semaphore_mem>>)
      %dma_wait3A = tpu.memref_slice %arg7[%arg0, %add3A_121] : memref<2x10240xf32, #tpu.memory_space<hbm>> -> memref<1x128xf32, #tpu.memory_space<hbm>>
      %dma_wait3A_130 = tpu.memref_squeeze %dma_wait3A : memref<1x128xf32, #tpu.memory_space<hbm>> -> memref<128xf32, #tpu.memory_space<hbm>>
      %dma_wait3A_131 = tpu.memref_slice %arg7[%arg0, %add3A_121] : memref<2x10240xf32, #tpu.memory_space<hbm>> -> memref<1x128xf32, #tpu.memory_space<hbm>>
      %dma_wait3A_132 = tpu.memref_squeeze %dma_wait3A_131 : memref<1x128xf32, #tpu.memory_space<hbm>> -> memref<128xf32, #tpu.memory_space<hbm>>
      tpu.wait_dma2 semaphore(%run_scoped3A_126 : memref<!tpu.dma_semaphore, #tpu.memory_space<semaphore_mem>>) src(%arg12 : memref<128xf32, #tpu.memory_space<vmem>>) dst(%dma_wait3A_132 : memref<128xf32, #tpu.memory_space<hbm>>)
      tpu.yield
    }) : () -> ()
    %mul3A_122 = arith.constant 640 : i32
    %mul3A_123 = arith.muli %arg1, %mul3A_122 : i32
    %add3A_124 = arith.constant 512 : i32
    %add3A_125 = arith.addi %mul3A_123, %add3A_124 : i32
    "tpu.region"() ({
      %run_scoped3A_126 = tpu.sem_alloc : memref<!tpu.dma_semaphore, #tpu.memory_space<semaphore_mem>>
      %dma_start3A = arith.constant 0 : i32
      %dma_start3A_127 = tpu.memref_slice %arg14[%add3A_125, %dma_start3A] : memref<10240x128xf32, #tpu.memory_space<vmem_shared>> -> memref<128x128xf32, #tpu.memory_space<vmem_shared>>
      %dma_start3A_128 = arith.constant 0 : i32
      %dma_start3A_129 = tpu.memref_slice %arg14[%add3A_125, %dma_start3A_128] : memref<10240x128xf32, #tpu.memory_space<vmem_shared>> -> memref<128x128xf32, #tpu.memory_space<vmem_shared>>
      tpu.enqueue_dma source(%dma_start3A_129 : memref<128x128xf32, #tpu.memory_space<vmem_shared>>) target(%arg8 : memref<128x128xf32, #tpu.memory_space<vmem>>) target_semaphore(%run_scoped3A_126 : memref<!tpu.dma_semaphore, #tpu.memory_space<semaphore_mem>>)
      %dma_wait3A = arith.constant 0 : i32
      %dma_wait3A_130 = tpu.memref_slice %arg14[%add3A_125, %dma_wait3A] : memref<10240x128xf32, #tpu.memory_space<vmem_shared>> -> memref<128x128xf32, #tpu.memory_space<vmem_shared>>
      %dma_wait3A_131 = arith.constant 0 : i32
      %dma_wait3A_132 = tpu.memref_slice %arg14[%add3A_125, %dma_wait3A_131] : memref<10240x128xf32, #tpu.memory_space<vmem_shared>> -> memref<128x128xf32, #tpu.memory_space<vmem_shared>>
      tpu.wait_dma2 semaphore(%run_scoped3A_126 : memref<!tpu.dma_semaphore, #tpu.memory_space<semaphore_mem>>) src(%dma_wait3A_132 : memref<128x128xf32, #tpu.memory_space<vmem_shared>>) dst(%arg8 : memref<128x128xf32, #tpu.memory_space<vmem>>)
      tpu.yield
    }) : () -> ()
    "tpu.region"() ({
      %run_scoped3A_126 = tpu.sem_alloc : memref<!tpu.dma_semaphore, #tpu.memory_space<semaphore_mem>>
      %dma_start3A = arith.constant 0 : i32
      %dma_start3A_127 = tpu.memref_slice %arg6[%arg0, %add3A_125, %dma_start3A] : memref<2x10240x128xf32, #tpu.memory_space<hbm>> -> memref<1x128x128xf32, #tpu.memory_space<hbm>>
      %dma_start3A_128 = tpu.memref_squeeze %dma_start3A_127 : memref<1x128x128xf32, #tpu.memory_space<hbm>> -> memref<128x128xf32, #tpu.memory_space<hbm>>
      %dma_start3A_129 = arith.constant 0 : i32
      %dma_start3A_130 = tpu.memref_slice %arg6[%arg0, %add3A_125, %dma_start3A_129] : memref<2x10240x128xf32, #tpu.memory_space<hbm>> -> memref<1x128x128xf32, #tpu.memory_space<hbm>>
      %dma_start3A_131 = tpu.memref_squeeze %dma_start3A_130 : memref<1x128x128xf32, #tpu.memory_space<hbm>> -> memref<128x128xf32, #tpu.memory_space<hbm>>
      tpu.enqueue_dma source(%arg8 : memref<128x128xf32, #tpu.memory_space<vmem>>) target(%dma_start3A_131 : memref<128x128xf32, #tpu.memory_space<hbm>>) target_semaphore(%run_scoped3A_126 : memref<!tpu.dma_semaphore, #tpu.memory_space<semaphore_mem>>)
      %dma_wait3A = arith.constant 0 : i32
      %dma_wait3A_132 = tpu.memref_slice %arg6[%arg0, %add3A_125, %dma_wait3A] : memref<2x10240x128xf32, #tpu.memory_space<hbm>> -> memref<1x128x128xf32, #tpu.memory_space<hbm>>
      %dma_wait3A_133 = tpu.memref_squeeze %dma_wait3A_132 : memref<1x128x128xf32, #tpu.memory_space<hbm>> -> memref<128x128xf32, #tpu.memory_space<hbm>>
      %dma_wait3A_134 = arith.constant 0 : i32
      %dma_wait3A_135 = tpu.memref_slice %arg6[%arg0, %add3A_125, %dma_wait3A_134] : memref<2x10240x128xf32, #tpu.memory_space<hbm>> -> memref<1x128x128xf32, #tpu.memory_space<hbm>>
      %dma_wait3A_136 = tpu.memref_squeeze %dma_wait3A_135 : memref<1x128x128xf32, #tpu.memory_space<hbm>> -> memref<128x128xf32, #tpu.memory_space<hbm>>
      tpu.wait_dma2 semaphore(%run_scoped3A_126 : memref<!tpu.dma_semaphore, #tpu.memory_space<semaphore_mem>>) src(%arg8 : memref<128x128xf32, #tpu.memory_space<vmem>>) dst(%dma_wait3A_136 : memref<128x128xf32, #tpu.memory_space<hbm>>)
      tpu.yield
    }) : () -> ()
    "tpu.region"() ({
      %run_scoped3A_126 = tpu.sem_alloc : memref<!tpu.dma_semaphore, #tpu.memory_space<semaphore_mem>>
      %dma_start3A = tpu.memref_slice %arg15[%add3A_125] : memref<10240xf32, #tpu.memory_space<vmem_shared>> -> memref<128xf32, #tpu.memory_space<vmem_shared>>
      %dma_start3A_127 = tpu.memref_slice %arg15[%add3A_125] : memref<10240xf32, #tpu.memory_space<vmem_shared>> -> memref<128xf32, #tpu.memory_space<vmem_shared>>
      tpu.enqueue_dma source(%dma_start3A_127 : memref<128xf32, #tpu.memory_space<vmem_shared>>) target(%arg12 : memref<128xf32, #tpu.memory_space<vmem>>) target_semaphore(%run_scoped3A_126 : memref<!tpu.dma_semaphore, #tpu.memory_space<semaphore_mem>>)
      %dma_wait3A = tpu.memref_slice %arg15[%add3A_125] : memref<10240xf32, #tpu.memory_space<vmem_shared>> -> memref<128xf32, #tpu.memory_space<vmem_shared>>
      %dma_wait3A_128 = tpu.memref_slice %arg15[%add3A_125] : memref<10240xf32, #tpu.memory_space<vmem_shared>> -> memref<128xf32, #tpu.memory_space<vmem_shared>>
      tpu.wait_dma2 semaphore(%run_scoped3A_126 : memref<!tpu.dma_semaphore, #tpu.memory_space<semaphore_mem>>) src(%dma_wait3A_128 : memref<128xf32, #tpu.memory_space<vmem_shared>>) dst(%arg12 : memref<128xf32, #tpu.memory_space<vmem>>)
      tpu.yield
    }) : () -> ()
    "tpu.region"() ({
      %run_scoped3A_126 = tpu.sem_alloc : memref<!tpu.dma_semaphore, #tpu.memory_space<semaphore_mem>>
      %dma_start3A = tpu.memref_slice %arg7[%arg0, %add3A_125] : memref<2x10240xf32, #tpu.memory_space<hbm>> -> memref<1x128xf32, #tpu.memory_space<hbm>>
      %dma_start3A_127 = tpu.memref_squeeze %dma_start3A : memref<1x128xf32, #tpu.memory_space<hbm>> -> memref<128xf32, #tpu.memory_space<hbm>>
      %dma_start3A_128 = tpu.memref_slice %arg7[%arg0, %add3A_125] : memref<2x10240xf32, #tpu.memory_space<hbm>> -> memref<1x128xf32, #tpu.memory_space<hbm>>
      %dma_start3A_129 = tpu.memref_squeeze %dma_start3A_128 : memref<1x128xf32, #tpu.memory_space<hbm>> -> memref<128xf32, #tpu.memory_space<hbm>>
      tpu.enqueue_dma source(%arg12 : memref<128xf32, #tpu.memory_space<vmem>>) target(%dma_start3A_129 : memref<128xf32, #tpu.memory_space<hbm>>) target_semaphore(%run_scoped3A_126 : memref<!tpu.dma_semaphore, #tpu.memory_space<semaphore_mem>>)
      %dma_wait3A = tpu.memref_slice %arg7[%arg0, %add3A_125] : memref<2x10240xf32, #tpu.memory_space<hbm>> -> memref<1x128xf32, #tpu.memory_space<hbm>>
      %dma_wait3A_130 = tpu.memref_squeeze %dma_wait3A : memref<1x128xf32, #tpu.memory_space<hbm>> -> memref<128xf32, #tpu.memory_space<hbm>>
      %dma_wait3A_131 = tpu.memref_slice %arg7[%arg0, %add3A_125] : memref<2x10240xf32, #tpu.memory_space<hbm>> -> memref<1x128xf32, #tpu.memory_space<hbm>>
      %dma_wait3A_132 = tpu.memref_squeeze %dma_wait3A_131 : memref<1x128xf32, #tpu.memory_space<hbm>> -> memref<128xf32, #tpu.memory_space<hbm>>
      tpu.wait_dma2 semaphore(%run_scoped3A_126 : memref<!tpu.dma_semaphore, #tpu.memory_space<semaphore_mem>>) src(%arg12 : memref<128xf32, #tpu.memory_space<vmem>>) dst(%dma_wait3A_132 : memref<128xf32, #tpu.memory_space<hbm>>)
      tpu.yield
    }) : () -> ()
    return
  }
}

#map = affine_map<(d0, d1) -> (0, 0)>
#map1 = affine_map<(d0, d1) -> (0, 0, 0)>
module attributes {stable_mosaic.version = 14 : i64} {
  func.func @_agg_body(%arg0: i32, %arg1: i32, %arg2: memref<10240x128xf32, #tpu.memory_space<hbm>>, %arg3: memref<2500x128xi32, #tpu.memory_space<hbm>>, %arg4: memref<2500x128xi32, #tpu.memory_space<hbm>>, %arg5: memref<128x128xf32, #tpu.memory_space<hbm>>, %arg6: memref<2x10240x128xf32, #tpu.memory_space<hbm>>, %arg7: memref<128x128xf32, #tpu.memory_space<vmem>>, %arg8: memref<2x128xi32, #tpu.memory_space<vmem>>, %arg9: memref<2x128xi32, #tpu.memory_space<vmem>>, %arg10: memref<128xf32, #tpu.memory_space<vmem>>, %arg11: memref<128xf32, #tpu.memory_space<vmem>>, %arg12: memref<!tpu.dma_semaphore, #tpu.memory_space<semaphore_mem>>, %arg13: memref<10240x128xf32, #tpu.memory_space<vmem_shared>>, %arg14: memref<10240xf32, #tpu.memory_space<vmem_shared>>) attributes {dimension_semantics = [#tpu.dimension_semantics<core_parallel>, #tpu.dimension_semantics<subcore_parallel>], iteration_bounds = array<i64: 2, 16>, scalar_prefetch = 0 : i64, scratch_operands = 8 : i64, tpu.core_type = #tpu.core_type<sc_vector_subcore>, window_params = [{transform_indices = #map}, {transform_indices = #map}, {transform_indices = #map}, {transform_indices = #map}, {transform_indices = #map1}]} {
    "tpu.region"() ({
      %run_scoped3A_55 = tpu.sem_alloc : memref<!tpu.dma_semaphore, #tpu.memory_space<semaphore_mem>>
      tpu.enqueue_dma source(%arg5 : memref<128x128xf32, #tpu.memory_space<hbm>>) target(%arg7 : memref<128x128xf32, #tpu.memory_space<vmem>>) target_semaphore(%run_scoped3A_55 : memref<!tpu.dma_semaphore, #tpu.memory_space<semaphore_mem>>)
      tpu.wait_dma2 semaphore(%run_scoped3A_55 : memref<!tpu.dma_semaphore, #tpu.memory_space<semaphore_mem>>) src(%arg5 : memref<128x128xf32, #tpu.memory_space<hbm>>) dst(%arg7 : memref<128x128xf32, #tpu.memory_space<vmem>>)
      tpu.yield
    }) : () -> ()
    %mul3A = arith.constant 640 : i32
    %mul3A_0 = arith.muli %arg1, %mul3A : i32
    %add3A = arith.constant 0 : i32
    %add3A_1 = arith.addi %mul3A_0, %add3A : i32
    "tpu.region"() ({
      %run_scoped3A_55 = tpu.sem_alloc : memref<!tpu.dma_semaphore, #tpu.memory_space<semaphore_mem>>
      %dma_start3A = arith.constant 0 : i32
      %dma_start3A_56 = tpu.memref_slice %arg13[%add3A_1, %dma_start3A] : memref<10240x128xf32, #tpu.memory_space<vmem_shared>> -> memref<128x128xf32, #tpu.memory_space<vmem_shared>>
      %dma_start3A_57 = arith.constant 0 : i32
      %dma_start3A_58 = tpu.memref_slice %arg13[%add3A_1, %dma_start3A_57] : memref<10240x128xf32, #tpu.memory_space<vmem_shared>> -> memref<128x128xf32, #tpu.memory_space<vmem_shared>>
      tpu.enqueue_dma source(%arg7 : memref<128x128xf32, #tpu.memory_space<vmem>>) target(%dma_start3A_58 : memref<128x128xf32, #tpu.memory_space<vmem_shared>>) target_semaphore(%run_scoped3A_55 : memref<!tpu.dma_semaphore, #tpu.memory_space<semaphore_mem>>)
      %dma_wait3A = arith.constant 0 : i32
      %dma_wait3A_59 = tpu.memref_slice %arg13[%add3A_1, %dma_wait3A] : memref<10240x128xf32, #tpu.memory_space<vmem_shared>> -> memref<128x128xf32, #tpu.memory_space<vmem_shared>>
      %dma_wait3A_60 = arith.constant 0 : i32
      %dma_wait3A_61 = tpu.memref_slice %arg13[%add3A_1, %dma_wait3A_60] : memref<10240x128xf32, #tpu.memory_space<vmem_shared>> -> memref<128x128xf32, #tpu.memory_space<vmem_shared>>
      tpu.wait_dma2 semaphore(%run_scoped3A_55 : memref<!tpu.dma_semaphore, #tpu.memory_space<semaphore_mem>>) src(%arg7 : memref<128x128xf32, #tpu.memory_space<vmem>>) dst(%dma_wait3A_61 : memref<128x128xf32, #tpu.memory_space<vmem_shared>>)
      tpu.yield
    }) : () -> ()
    %mul3A_2 = arith.constant 640 : i32
    %mul3A_3 = arith.muli %arg1, %mul3A_2 : i32
    %add3A_4 = arith.constant 128 : i32
    %add3A_5 = arith.addi %mul3A_3, %add3A_4 : i32
    "tpu.region"() ({
      %run_scoped3A_55 = tpu.sem_alloc : memref<!tpu.dma_semaphore, #tpu.memory_space<semaphore_mem>>
      %dma_start3A = arith.constant 0 : i32
      %dma_start3A_56 = tpu.memref_slice %arg13[%add3A_5, %dma_start3A] : memref<10240x128xf32, #tpu.memory_space<vmem_shared>> -> memref<128x128xf32, #tpu.memory_space<vmem_shared>>
      %dma_start3A_57 = arith.constant 0 : i32
      %dma_start3A_58 = tpu.memref_slice %arg13[%add3A_5, %dma_start3A_57] : memref<10240x128xf32, #tpu.memory_space<vmem_shared>> -> memref<128x128xf32, #tpu.memory_space<vmem_shared>>
      tpu.enqueue_dma source(%arg7 : memref<128x128xf32, #tpu.memory_space<vmem>>) target(%dma_start3A_58 : memref<128x128xf32, #tpu.memory_space<vmem_shared>>) target_semaphore(%run_scoped3A_55 : memref<!tpu.dma_semaphore, #tpu.memory_space<semaphore_mem>>)
      %dma_wait3A = arith.constant 0 : i32
      %dma_wait3A_59 = tpu.memref_slice %arg13[%add3A_5, %dma_wait3A] : memref<10240x128xf32, #tpu.memory_space<vmem_shared>> -> memref<128x128xf32, #tpu.memory_space<vmem_shared>>
      %dma_wait3A_60 = arith.constant 0 : i32
      %dma_wait3A_61 = tpu.memref_slice %arg13[%add3A_5, %dma_wait3A_60] : memref<10240x128xf32, #tpu.memory_space<vmem_shared>> -> memref<128x128xf32, #tpu.memory_space<vmem_shared>>
      tpu.wait_dma2 semaphore(%run_scoped3A_55 : memref<!tpu.dma_semaphore, #tpu.memory_space<semaphore_mem>>) src(%arg7 : memref<128x128xf32, #tpu.memory_space<vmem>>) dst(%dma_wait3A_61 : memref<128x128xf32, #tpu.memory_space<vmem_shared>>)
      tpu.yield
    }) : () -> ()
    %mul3A_6 = arith.constant 640 : i32
    %mul3A_7 = arith.muli %arg1, %mul3A_6 : i32
    %add3A_8 = arith.constant 256 : i32
    %add3A_9 = arith.addi %mul3A_7, %add3A_8 : i32
    "tpu.region"() ({
      %run_scoped3A_55 = tpu.sem_alloc : memref<!tpu.dma_semaphore, #tpu.memory_space<semaphore_mem>>
      %dma_start3A = arith.constant 0 : i32
      %dma_start3A_56 = tpu.memref_slice %arg13[%add3A_9, %dma_start3A] : memref<10240x128xf32, #tpu.memory_space<vmem_shared>> -> memref<128x128xf32, #tpu.memory_space<vmem_shared>>
      %dma_start3A_57 = arith.constant 0 : i32
      %dma_start3A_58 = tpu.memref_slice %arg13[%add3A_9, %dma_start3A_57] : memref<10240x128xf32, #tpu.memory_space<vmem_shared>> -> memref<128x128xf32, #tpu.memory_space<vmem_shared>>
      tpu.enqueue_dma source(%arg7 : memref<128x128xf32, #tpu.memory_space<vmem>>) target(%dma_start3A_58 : memref<128x128xf32, #tpu.memory_space<vmem_shared>>) target_semaphore(%run_scoped3A_55 : memref<!tpu.dma_semaphore, #tpu.memory_space<semaphore_mem>>)
      %dma_wait3A = arith.constant 0 : i32
      %dma_wait3A_59 = tpu.memref_slice %arg13[%add3A_9, %dma_wait3A] : memref<10240x128xf32, #tpu.memory_space<vmem_shared>> -> memref<128x128xf32, #tpu.memory_space<vmem_shared>>
      %dma_wait3A_60 = arith.constant 0 : i32
      %dma_wait3A_61 = tpu.memref_slice %arg13[%add3A_9, %dma_wait3A_60] : memref<10240x128xf32, #tpu.memory_space<vmem_shared>> -> memref<128x128xf32, #tpu.memory_space<vmem_shared>>
      tpu.wait_dma2 semaphore(%run_scoped3A_55 : memref<!tpu.dma_semaphore, #tpu.memory_space<semaphore_mem>>) src(%arg7 : memref<128x128xf32, #tpu.memory_space<vmem>>) dst(%dma_wait3A_61 : memref<128x128xf32, #tpu.memory_space<vmem_shared>>)
      tpu.yield
    }) : () -> ()
    %mul3A_10 = arith.constant 640 : i32
    %mul3A_11 = arith.muli %arg1, %mul3A_10 : i32
    %add3A_12 = arith.constant 384 : i32
    %add3A_13 = arith.addi %mul3A_11, %add3A_12 : i32
    "tpu.region"() ({
      %run_scoped3A_55 = tpu.sem_alloc : memref<!tpu.dma_semaphore, #tpu.memory_space<semaphore_mem>>
      %dma_start3A = arith.constant 0 : i32
      %dma_start3A_56 = tpu.memref_slice %arg13[%add3A_13, %dma_start3A] : memref<10240x128xf32, #tpu.memory_space<vmem_shared>> -> memref<128x128xf32, #tpu.memory_space<vmem_shared>>
      %dma_start3A_57 = arith.constant 0 : i32
      %dma_start3A_58 = tpu.memref_slice %arg13[%add3A_13, %dma_start3A_57] : memref<10240x128xf32, #tpu.memory_space<vmem_shared>> -> memref<128x128xf32, #tpu.memory_space<vmem_shared>>
      tpu.enqueue_dma source(%arg7 : memref<128x128xf32, #tpu.memory_space<vmem>>) target(%dma_start3A_58 : memref<128x128xf32, #tpu.memory_space<vmem_shared>>) target_semaphore(%run_scoped3A_55 : memref<!tpu.dma_semaphore, #tpu.memory_space<semaphore_mem>>)
      %dma_wait3A = arith.constant 0 : i32
      %dma_wait3A_59 = tpu.memref_slice %arg13[%add3A_13, %dma_wait3A] : memref<10240x128xf32, #tpu.memory_space<vmem_shared>> -> memref<128x128xf32, #tpu.memory_space<vmem_shared>>
      %dma_wait3A_60 = arith.constant 0 : i32
      %dma_wait3A_61 = tpu.memref_slice %arg13[%add3A_13, %dma_wait3A_60] : memref<10240x128xf32, #tpu.memory_space<vmem_shared>> -> memref<128x128xf32, #tpu.memory_space<vmem_shared>>
      tpu.wait_dma2 semaphore(%run_scoped3A_55 : memref<!tpu.dma_semaphore, #tpu.memory_space<semaphore_mem>>) src(%arg7 : memref<128x128xf32, #tpu.memory_space<vmem>>) dst(%dma_wait3A_61 : memref<128x128xf32, #tpu.memory_space<vmem_shared>>)
      tpu.yield
    }) : () -> ()
    %mul3A_14 = arith.constant 640 : i32
    %mul3A_15 = arith.muli %arg1, %mul3A_14 : i32
    %add3A_16 = arith.constant 512 : i32
    %add3A_17 = arith.addi %mul3A_15, %add3A_16 : i32
    "tpu.region"() ({
      %run_scoped3A_55 = tpu.sem_alloc : memref<!tpu.dma_semaphore, #tpu.memory_space<semaphore_mem>>
      %dma_start3A = arith.constant 0 : i32
      %dma_start3A_56 = tpu.memref_slice %arg13[%add3A_17, %dma_start3A] : memref<10240x128xf32, #tpu.memory_space<vmem_shared>> -> memref<128x128xf32, #tpu.memory_space<vmem_shared>>
      %dma_start3A_57 = arith.constant 0 : i32
      %dma_start3A_58 = tpu.memref_slice %arg13[%add3A_17, %dma_start3A_57] : memref<10240x128xf32, #tpu.memory_space<vmem_shared>> -> memref<128x128xf32, #tpu.memory_space<vmem_shared>>
      tpu.enqueue_dma source(%arg7 : memref<128x128xf32, #tpu.memory_space<vmem>>) target(%dma_start3A_58 : memref<128x128xf32, #tpu.memory_space<vmem_shared>>) target_semaphore(%run_scoped3A_55 : memref<!tpu.dma_semaphore, #tpu.memory_space<semaphore_mem>>)
      %dma_wait3A = arith.constant 0 : i32
      %dma_wait3A_59 = tpu.memref_slice %arg13[%add3A_17, %dma_wait3A] : memref<10240x128xf32, #tpu.memory_space<vmem_shared>> -> memref<128x128xf32, #tpu.memory_space<vmem_shared>>
      %dma_wait3A_60 = arith.constant 0 : i32
      %dma_wait3A_61 = tpu.memref_slice %arg13[%add3A_17, %dma_wait3A_60] : memref<10240x128xf32, #tpu.memory_space<vmem_shared>> -> memref<128x128xf32, #tpu.memory_space<vmem_shared>>
      tpu.wait_dma2 semaphore(%run_scoped3A_55 : memref<!tpu.dma_semaphore, #tpu.memory_space<semaphore_mem>>) src(%arg7 : memref<128x128xf32, #tpu.memory_space<vmem>>) dst(%dma_wait3A_61 : memref<128x128xf32, #tpu.memory_space<vmem_shared>>)
      tpu.yield
    }) : () -> ()
    %barrier3A = arith.constant 0 : index
    tpu.barrier barrier_id(%barrier3A)
    %mul3A_18 = arith.constant 1250 : i32
    %mul3A_19 = arith.muli %arg0, %mul3A_18 : i32
    %add3A_20 = arith.addi %mul3A_19, %arg1 : i32
    %add3A_21 = arith.constant 0 : i32
    %add3A_22 = arith.addi %add3A_20, %add3A_21 : i32
    %run_scoped3A = arith.constant 0 : i32
    "tpu.region"() ({
      %run_scoped3A_55 = tpu.sem_alloc : memref<!tpu.dma_semaphore, #tpu.memory_space<semaphore_mem>>
      %dma_start3A = arith.constant 0 : i32
      %dma_start3A_56 = tpu.memref_slice %arg8[%run_scoped3A, %dma_start3A] : memref<2x128xi32, #tpu.memory_space<vmem>> -> memref<1x128xi32, #tpu.memory_space<vmem>>
      %dma_start3A_57 = tpu.memref_squeeze %dma_start3A_56 : memref<1x128xi32, #tpu.memory_space<vmem>> -> memref<128xi32, #tpu.memory_space<vmem>>
      %dma_start3A_58 = arith.constant 0 : i32
      %dma_start3A_59 = tpu.memref_slice %arg3[%add3A_22, %dma_start3A_58] : memref<2500x128xi32, #tpu.memory_space<hbm>> -> memref<1x128xi32, #tpu.memory_space<hbm>>
      %dma_start3A_60 = tpu.memref_squeeze %dma_start3A_59 : memref<1x128xi32, #tpu.memory_space<hbm>> -> memref<128xi32, #tpu.memory_space<hbm>>
      %dma_start3A_61 = arith.constant 0 : i32
      %dma_start3A_62 = tpu.memref_slice %arg8[%run_scoped3A, %dma_start3A_61] : memref<2x128xi32, #tpu.memory_space<vmem>> -> memref<1x128xi32, #tpu.memory_space<vmem>>
      %dma_start3A_63 = tpu.memref_squeeze %dma_start3A_62 : memref<1x128xi32, #tpu.memory_space<vmem>> -> memref<128xi32, #tpu.memory_space<vmem>>
      %dma_start3A_64 = arith.constant 0 : i32
      %dma_start3A_65 = tpu.memref_slice %arg3[%add3A_22, %dma_start3A_64] : memref<2500x128xi32, #tpu.memory_space<hbm>> -> memref<1x128xi32, #tpu.memory_space<hbm>>
      %dma_start3A_66 = tpu.memref_squeeze %dma_start3A_65 : memref<1x128xi32, #tpu.memory_space<hbm>> -> memref<128xi32, #tpu.memory_space<hbm>>
      tpu.enqueue_dma source(%dma_start3A_66 : memref<128xi32, #tpu.memory_space<hbm>>) target(%dma_start3A_63 : memref<128xi32, #tpu.memory_space<vmem>>) target_semaphore(%run_scoped3A_55 : memref<!tpu.dma_semaphore, #tpu.memory_space<semaphore_mem>>)
      %dma_wait3A = arith.constant 0 : i32
      %dma_wait3A_67 = tpu.memref_slice %arg8[%run_scoped3A, %dma_wait3A] : memref<2x128xi32, #tpu.memory_space<vmem>> -> memref<1x128xi32, #tpu.memory_space<vmem>>
      %dma_wait3A_68 = tpu.memref_squeeze %dma_wait3A_67 : memref<1x128xi32, #tpu.memory_space<vmem>> -> memref<128xi32, #tpu.memory_space<vmem>>
      %dma_wait3A_69 = arith.constant 0 : i32
      %dma_wait3A_70 = tpu.memref_slice %arg3[%add3A_22, %dma_wait3A_69] : memref<2500x128xi32, #tpu.memory_space<hbm>> -> memref<1x128xi32, #tpu.memory_space<hbm>>
      %dma_wait3A_71 = tpu.memref_squeeze %dma_wait3A_70 : memref<1x128xi32, #tpu.memory_space<hbm>> -> memref<128xi32, #tpu.memory_space<hbm>>
      %dma_wait3A_72 = arith.constant 0 : i32
      %dma_wait3A_73 = tpu.memref_slice %arg8[%run_scoped3A, %dma_wait3A_72] : memref<2x128xi32, #tpu.memory_space<vmem>> -> memref<1x128xi32, #tpu.memory_space<vmem>>
      %dma_wait3A_74 = tpu.memref_squeeze %dma_wait3A_73 : memref<1x128xi32, #tpu.memory_space<vmem>> -> memref<128xi32, #tpu.memory_space<vmem>>
      %dma_wait3A_75 = arith.constant 0 : i32
      %dma_wait3A_76 = tpu.memref_slice %arg3[%add3A_22, %dma_wait3A_75] : memref<2500x128xi32, #tpu.memory_space<hbm>> -> memref<1x128xi32, #tpu.memory_space<hbm>>
      %dma_wait3A_77 = tpu.memref_squeeze %dma_wait3A_76 : memref<1x128xi32, #tpu.memory_space<hbm>> -> memref<128xi32, #tpu.memory_space<hbm>>
      tpu.wait_dma2 semaphore(%run_scoped3A_55 : memref<!tpu.dma_semaphore, #tpu.memory_space<semaphore_mem>>) src(%dma_wait3A_77 : memref<128xi32, #tpu.memory_space<hbm>>) dst(%dma_wait3A_74 : memref<128xi32, #tpu.memory_space<vmem>>)
      tpu.yield
    }) : () -> ()
    %add3A_23 = arith.addi %mul3A_19, %arg1 : i32
    %add3A_24 = arith.constant 0 : i32
    %add3A_25 = arith.addi %add3A_23, %add3A_24 : i32
    %run_scoped3A_26 = arith.constant 0 : i32
    "tpu.region"() ({
      %run_scoped3A_55 = tpu.sem_alloc : memref<!tpu.dma_semaphore, #tpu.memory_space<semaphore_mem>>
      %dma_start3A = arith.constant 0 : i32
      %dma_start3A_56 = tpu.memref_slice %arg9[%run_scoped3A_26, %dma_start3A] : memref<2x128xi32, #tpu.memory_space<vmem>> -> memref<1x128xi32, #tpu.memory_space<vmem>>
      %dma_start3A_57 = tpu.memref_squeeze %dma_start3A_56 : memref<1x128xi32, #tpu.memory_space<vmem>> -> memref<128xi32, #tpu.memory_space<vmem>>
      %dma_start3A_58 = arith.constant 0 : i32
      %dma_start3A_59 = tpu.memref_slice %arg4[%add3A_25, %dma_start3A_58] : memref<2500x128xi32, #tpu.memory_space<hbm>> -> memref<1x128xi32, #tpu.memory_space<hbm>>
      %dma_start3A_60 = tpu.memref_squeeze %dma_start3A_59 : memref<1x128xi32, #tpu.memory_space<hbm>> -> memref<128xi32, #tpu.memory_space<hbm>>
      %dma_start3A_61 = arith.constant 0 : i32
      %dma_start3A_62 = tpu.memref_slice %arg9[%run_scoped3A_26, %dma_start3A_61] : memref<2x128xi32, #tpu.memory_space<vmem>> -> memref<1x128xi32, #tpu.memory_space<vmem>>
      %dma_start3A_63 = tpu.memref_squeeze %dma_start3A_62 : memref<1x128xi32, #tpu.memory_space<vmem>> -> memref<128xi32, #tpu.memory_space<vmem>>
      %dma_start3A_64 = arith.constant 0 : i32
      %dma_start3A_65 = tpu.memref_slice %arg4[%add3A_25, %dma_start3A_64] : memref<2500x128xi32, #tpu.memory_space<hbm>> -> memref<1x128xi32, #tpu.memory_space<hbm>>
      %dma_start3A_66 = tpu.memref_squeeze %dma_start3A_65 : memref<1x128xi32, #tpu.memory_space<hbm>> -> memref<128xi32, #tpu.memory_space<hbm>>
      tpu.enqueue_dma source(%dma_start3A_66 : memref<128xi32, #tpu.memory_space<hbm>>) target(%dma_start3A_63 : memref<128xi32, #tpu.memory_space<vmem>>) target_semaphore(%run_scoped3A_55 : memref<!tpu.dma_semaphore, #tpu.memory_space<semaphore_mem>>)
      %dma_wait3A = arith.constant 0 : i32
      %dma_wait3A_67 = tpu.memref_slice %arg9[%run_scoped3A_26, %dma_wait3A] : memref<2x128xi32, #tpu.memory_space<vmem>> -> memref<1x128xi32, #tpu.memory_space<vmem>>
      %dma_wait3A_68 = tpu.memref_squeeze %dma_wait3A_67 : memref<1x128xi32, #tpu.memory_space<vmem>> -> memref<128xi32, #tpu.memory_space<vmem>>
      %dma_wait3A_69 = arith.constant 0 : i32
      %dma_wait3A_70 = tpu.memref_slice %arg4[%add3A_25, %dma_wait3A_69] : memref<2500x128xi32, #tpu.memory_space<hbm>> -> memref<1x128xi32, #tpu.memory_space<hbm>>
      %dma_wait3A_71 = tpu.memref_squeeze %dma_wait3A_70 : memref<1x128xi32, #tpu.memory_space<hbm>> -> memref<128xi32, #tpu.memory_space<hbm>>
      %dma_wait3A_72 = arith.constant 0 : i32
      %dma_wait3A_73 = tpu.memref_slice %arg9[%run_scoped3A_26, %dma_wait3A_72] : memref<2x128xi32, #tpu.memory_space<vmem>> -> memref<1x128xi32, #tpu.memory_space<vmem>>
      %dma_wait3A_74 = tpu.memref_squeeze %dma_wait3A_73 : memref<1x128xi32, #tpu.memory_space<vmem>> -> memref<128xi32, #tpu.memory_space<vmem>>
      %dma_wait3A_75 = arith.constant 0 : i32
      %dma_wait3A_76 = tpu.memref_slice %arg4[%add3A_25, %dma_wait3A_75] : memref<2500x128xi32, #tpu.memory_space<hbm>> -> memref<1x128xi32, #tpu.memory_space<hbm>>
      %dma_wait3A_77 = tpu.memref_squeeze %dma_wait3A_76 : memref<1x128xi32, #tpu.memory_space<hbm>> -> memref<128xi32, #tpu.memory_space<hbm>>
      tpu.wait_dma2 semaphore(%run_scoped3A_55 : memref<!tpu.dma_semaphore, #tpu.memory_space<semaphore_mem>>) src(%dma_wait3A_77 : memref<128xi32, #tpu.memory_space<hbm>>) dst(%dma_wait3A_74 : memref<128xi32, #tpu.memory_space<vmem>>)
      tpu.yield
    }) : () -> ()
    %scan3A = arith.constant 0 : i32
    %scan3A_27 = arith.constant 0 : i32
    %scan3A_28 = arith.constant 39 : i32
    %scan3A_29 = arith.addi %scan3A_27, %scan3A_28 : i32
    %scan3A_30 = arith.constant 1 : i32
    scf.for %scan3A_55 = %scan3A_27 to %scan3A_29 step %scan3A_30  : i32 {
      %mul3A_56 = arith.constant 2 : i32
      %mul3A_57 = arith.muli %mul3A_56, %scan3A_55 : i32
      %add3A_58 = arith.constant 1 : i32
      %add3A_59 = arith.addi %mul3A_57, %add3A_58 : i32
      %add3A_60 = arith.addi %mul3A_19, %arg1 : i32
      %mul3A_61 = arith.constant 16 : i32
      %mul3A_62 = arith.muli %add3A_59, %mul3A_61 : i32
      %add3A_63 = arith.addi %add3A_60, %mul3A_62 : i32
      %add3A_64 = arith.constant 1250 : i32
      %add3A_65 = arith.addi %mul3A_19, %add3A_64 : i32
      %lt3A_66 = arith.cmpi slt, %add3A_63, %add3A_65 : i32
      %convert_element_type3A_67 = arith.extui %lt3A_66 : i1 to i32
      %cond3A_68 = arith.constant 0 : i32
      %cond3A_69 = arith.cmpi ne, %convert_element_type3A_67, %cond3A_68 : i32
      scf.if %cond3A_69 {
        %dma_start3A = arith.constant 1 : i32
        %dma_start3A_116 = arith.constant 0 : i32
        %dma_start3A_117 = tpu.memref_slice %arg8[%dma_start3A, %dma_start3A_116] : memref<2x128xi32, #tpu.memory_space<vmem>> -> memref<1x128xi32, #tpu.memory_space<vmem>>
        %dma_start3A_118 = tpu.memref_squeeze %dma_start3A_117 : memref<1x128xi32, #tpu.memory_space<vmem>> -> memref<128xi32, #tpu.memory_space<vmem>>
        %dma_start3A_119 = arith.constant 0 : i32
        %dma_start3A_120 = tpu.memref_slice %arg3[%add3A_63, %dma_start3A_119] : memref<2500x128xi32, #tpu.memory_space<hbm>> -> memref<1x128xi32, #tpu.memory_space<hbm>>
        %dma_start3A_121 = tpu.memref_squeeze %dma_start3A_120 : memref<1x128xi32, #tpu.memory_space<hbm>> -> memref<128xi32, #tpu.memory_space<hbm>>
        %dma_start3A_122 = arith.constant 0 : i32
        %dma_start3A_123 = tpu.memref_slice %arg8[%dma_start3A, %dma_start3A_122] : memref<2x128xi32, #tpu.memory_space<vmem>> -> memref<1x128xi32, #tpu.memory_space<vmem>>
        %dma_start3A_124 = tpu.memref_squeeze %dma_start3A_123 : memref<1x128xi32, #tpu.memory_space<vmem>> -> memref<128xi32, #tpu.memory_space<vmem>>
        %dma_start3A_125 = arith.constant 0 : i32
        %dma_start3A_126 = tpu.memref_slice %arg3[%add3A_63, %dma_start3A_125] : memref<2500x128xi32, #tpu.memory_space<hbm>> -> memref<1x128xi32, #tpu.memory_space<hbm>>
        %dma_start3A_127 = tpu.memref_squeeze %dma_start3A_126 : memref<1x128xi32, #tpu.memory_space<hbm>> -> memref<128xi32, #tpu.memory_space<hbm>>
        tpu.enqueue_dma source(%dma_start3A_127 : memref<128xi32, #tpu.memory_space<hbm>>) target(%dma_start3A_124 : memref<128xi32, #tpu.memory_space<vmem>>) target_semaphore(%arg12 : memref<!tpu.dma_semaphore, #tpu.memory_space<semaphore_mem>>)
        %dma_start3A_128 = arith.constant 1 : i32
        %dma_start3A_129 = arith.constant 0 : i32
        %dma_start3A_130 = tpu.memref_slice %arg9[%dma_start3A_128, %dma_start3A_129] : memref<2x128xi32, #tpu.memory_space<vmem>> -> memref<1x128xi32, #tpu.memory_space<vmem>>
        %dma_start3A_131 = tpu.memref_squeeze %dma_start3A_130 : memref<1x128xi32, #tpu.memory_space<vmem>> -> memref<128xi32, #tpu.memory_space<vmem>>
        %dma_start3A_132 = arith.constant 0 : i32
        %dma_start3A_133 = tpu.memref_slice %arg4[%add3A_63, %dma_start3A_132] : memref<2500x128xi32, #tpu.memory_space<hbm>> -> memref<1x128xi32, #tpu.memory_space<hbm>>
        %dma_start3A_134 = tpu.memref_squeeze %dma_start3A_133 : memref<1x128xi32, #tpu.memory_space<hbm>> -> memref<128xi32, #tpu.memory_space<hbm>>
        %dma_start3A_135 = arith.constant 0 : i32
        %dma_start3A_136 = tpu.memref_slice %arg9[%dma_start3A_128, %dma_start3A_135] : memref<2x128xi32, #tpu.memory_space<vmem>> -> memref<1x128xi32, #tpu.memory_space<vmem>>
        %dma_start3A_137 = tpu.memref_squeeze %dma_start3A_136 : memref<1x128xi32, #tpu.memory_space<vmem>> -> memref<128xi32, #tpu.memory_space<vmem>>
        %dma_start3A_138 = arith.constant 0 : i32
        %dma_start3A_139 = tpu.memref_slice %arg4[%add3A_63, %dma_start3A_138] : memref<2500x128xi32, #tpu.memory_space<hbm>> -> memref<1x128xi32, #tpu.memory_space<hbm>>
        %dma_start3A_140 = tpu.memref_squeeze %dma_start3A_139 : memref<1x128xi32, #tpu.memory_space<hbm>> -> memref<128xi32, #tpu.memory_space<hbm>>
        tpu.enqueue_dma source(%dma_start3A_140 : memref<128xi32, #tpu.memory_space<hbm>>) target(%dma_start3A_137 : memref<128xi32, #tpu.memory_space<vmem>>) target_semaphore(%arg12 : memref<!tpu.dma_semaphore, #tpu.memory_space<semaphore_mem>>)
      } else {
      }
      %run_scoped3A_70 = arith.constant 0 : i32
      "tpu.region"() ({
        %run_scoped3A_116 = tpu.sem_alloc : memref<!tpu.dma_semaphore, #tpu.memory_space<semaphore_mem>>
        %dma_start3A = arith.constant 0 : i32
        %dma_start3A_117 = tpu.memref_slice %arg8[%run_scoped3A_70, %dma_start3A] : memref<2x128xi32, #tpu.memory_space<vmem>> -> memref<1x128xi32, #tpu.memory_space<vmem>>
        %dma_start3A_118 = tpu.memref_squeeze %dma_start3A_117 : memref<1x128xi32, #tpu.memory_space<vmem>> -> memref<128xi32, #tpu.memory_space<vmem>>
        %dma_start3A_119 = arith.constant 0 : i32
        %dma_start3A_120 = arith.constant 0 : i32
        %dma_start3A_121 = tpu.memref_slice %arg2[%dma_start3A_119, %dma_start3A_120] : memref<10240x128xf32, #tpu.memory_space<hbm>> -> memref<10240x128xf32, #tpu.memory_space<hbm>>
        tpu.enqueue_indirect_dma source(%dma_start3A_121 : memref<10240x128xf32, #tpu.memory_space<hbm>>) target(%arg7 : memref<128x128xf32, #tpu.memory_space<vmem>>) offsets(%dma_start3A_118 : memref<128xi32, #tpu.memory_space<vmem>>) semaphore(%run_scoped3A_116 : memref<!tpu.dma_semaphore, #tpu.memory_space<semaphore_mem>>)
        %dma_wait3A = arith.constant 0 : i32
        %dma_wait3A_122 = tpu.memref_slice %arg8[%run_scoped3A_70, %dma_wait3A] : memref<2x128xi32, #tpu.memory_space<vmem>> -> memref<1x128xi32, #tpu.memory_space<vmem>>
        %dma_wait3A_123 = tpu.memref_squeeze %dma_wait3A_122 : memref<1x128xi32, #tpu.memory_space<vmem>> -> memref<128xi32, #tpu.memory_space<vmem>>
        %dma_wait3A_124 = arith.constant 0 : i32
        %dma_wait3A_125 = arith.constant 0 : i32
        %dma_wait3A_126 = tpu.memref_slice %arg2[%dma_wait3A_124, %dma_wait3A_125] : memref<10240x128xf32, #tpu.memory_space<hbm>> -> memref<10240x128xf32, #tpu.memory_space<hbm>>
        tpu.wait_indirect_dma semaphore(%run_scoped3A_116 : memref<!tpu.dma_semaphore, #tpu.memory_space<semaphore_mem>>) src(%dma_wait3A_126 : memref<10240x128xf32, #tpu.memory_space<hbm>>) dst(%arg7 : memref<128x128xf32, #tpu.memory_space<vmem>>)
        tpu.yield
      }) : () -> ()
      %run_scoped3A_71 = arith.constant 0 : i32
      "tpu.region"() ({
        %run_scoped3A_116 = tpu.sem_alloc : memref<!tpu.dma_semaphore, #tpu.memory_space<semaphore_mem>>
        %dma_start3A = arith.constant 0 : i32
        %dma_start3A_117 = tpu.memref_slice %arg9[%run_scoped3A_71, %dma_start3A] : memref<2x128xi32, #tpu.memory_space<vmem>> -> memref<1x128xi32, #tpu.memory_space<vmem>>
        %dma_start3A_118 = tpu.memref_squeeze %dma_start3A_117 : memref<1x128xi32, #tpu.memory_space<vmem>> -> memref<128xi32, #tpu.memory_space<vmem>>
        %dma_start3A_119 = arith.constant 0 : i32
        %dma_start3A_120 = arith.constant 0 : i32
        %dma_start3A_121 = tpu.memref_slice %arg13[%dma_start3A_119, %dma_start3A_120] : memref<10240x128xf32, #tpu.memory_space<vmem_shared>> -> memref<10240x128xf32, #tpu.memory_space<vmem_shared>>
        tpu.enqueue_indirect_dma source(%arg7 : memref<128x128xf32, #tpu.memory_space<vmem>>) target(%dma_start3A_121 : memref<10240x128xf32, #tpu.memory_space<vmem_shared>>) offsets(%dma_start3A_118 : memref<128xi32, #tpu.memory_space<vmem>>) semaphore(%run_scoped3A_116 : memref<!tpu.dma_semaphore, #tpu.memory_space<semaphore_mem>>) {add = true}
        %dma_wait3A = arith.constant 0 : i32
        %dma_wait3A_122 = tpu.memref_slice %arg9[%run_scoped3A_71, %dma_wait3A] : memref<2x128xi32, #tpu.memory_space<vmem>> -> memref<1x128xi32, #tpu.memory_space<vmem>>
        %dma_wait3A_123 = tpu.memref_squeeze %dma_wait3A_122 : memref<1x128xi32, #tpu.memory_space<vmem>> -> memref<128xi32, #tpu.memory_space<vmem>>
        %dma_wait3A_124 = arith.constant 0 : i32
        %dma_wait3A_125 = arith.constant 0 : i32
        %dma_wait3A_126 = tpu.memref_slice %arg13[%dma_wait3A_124, %dma_wait3A_125] : memref<10240x128xf32, #tpu.memory_space<vmem_shared>> -> memref<10240x128xf32, #tpu.memory_space<vmem_shared>>
        tpu.wait_indirect_dma semaphore(%run_scoped3A_116 : memref<!tpu.dma_semaphore, #tpu.memory_space<semaphore_mem>>) src(%arg7 : memref<128x128xf32, #tpu.memory_space<vmem>>) dst(%dma_wait3A_126 : memref<10240x128xf32, #tpu.memory_space<vmem_shared>>)
        tpu.yield
      }) : () -> ()
      %mul3A_72 = arith.constant 2 : i32
      %mul3A_73 = arith.muli %mul3A_72, %scan3A_55 : i32
      %add3A_74 = arith.constant 1 : i32
      %add3A_75 = arith.addi %mul3A_73, %add3A_74 : i32
      %add3A_76 = arith.addi %mul3A_19, %arg1 : i32
      %mul3A_77 = arith.constant 16 : i32
      %mul3A_78 = arith.muli %add3A_75, %mul3A_77 : i32
      %add3A_79 = arith.addi %add3A_76, %mul3A_78 : i32
      %add3A_80 = arith.constant 1250 : i32
      %add3A_81 = arith.addi %mul3A_19, %add3A_80 : i32
      %lt3A_82 = arith.cmpi slt, %add3A_79, %add3A_81 : i32
      %convert_element_type3A_83 = arith.extui %lt3A_82 : i1 to i32
      %cond3A_84 = arith.constant 0 : i32
      %cond3A_85 = arith.cmpi ne, %convert_element_type3A_83, %cond3A_84 : i32
      scf.if %cond3A_85 {
        %dma_wait3A = arith.constant 1 : i32
        %dma_wait3A_116 = arith.constant 0 : i32
        %dma_wait3A_117 = tpu.memref_slice %arg8[%dma_wait3A, %dma_wait3A_116] : memref<2x128xi32, #tpu.memory_space<vmem>> -> memref<1x128xi32, #tpu.memory_space<vmem>>
        %dma_wait3A_118 = tpu.memref_squeeze %dma_wait3A_117 : memref<1x128xi32, #tpu.memory_space<vmem>> -> memref<128xi32, #tpu.memory_space<vmem>>
        %dma_wait3A_119 = arith.constant 0 : i32
        %dma_wait3A_120 = tpu.memref_slice %arg3[%add3A_79, %dma_wait3A_119] : memref<2500x128xi32, #tpu.memory_space<hbm>> -> memref<1x128xi32, #tpu.memory_space<hbm>>
        %dma_wait3A_121 = tpu.memref_squeeze %dma_wait3A_120 : memref<1x128xi32, #tpu.memory_space<hbm>> -> memref<128xi32, #tpu.memory_space<hbm>>
        %dma_wait3A_122 = arith.constant 0 : i32
        %dma_wait3A_123 = tpu.memref_slice %arg8[%dma_wait3A, %dma_wait3A_122] : memref<2x128xi32, #tpu.memory_space<vmem>> -> memref<1x128xi32, #tpu.memory_space<vmem>>
        %dma_wait3A_124 = tpu.memref_squeeze %dma_wait3A_123 : memref<1x128xi32, #tpu.memory_space<vmem>> -> memref<128xi32, #tpu.memory_space<vmem>>
        %dma_wait3A_125 = arith.constant 0 : i32
        %dma_wait3A_126 = tpu.memref_slice %arg3[%add3A_79, %dma_wait3A_125] : memref<2500x128xi32, #tpu.memory_space<hbm>> -> memref<1x128xi32, #tpu.memory_space<hbm>>
        %dma_wait3A_127 = tpu.memref_squeeze %dma_wait3A_126 : memref<1x128xi32, #tpu.memory_space<hbm>> -> memref<128xi32, #tpu.memory_space<hbm>>
        tpu.wait_dma2 semaphore(%arg12 : memref<!tpu.dma_semaphore, #tpu.memory_space<semaphore_mem>>) src(%dma_wait3A_127 : memref<128xi32, #tpu.memory_space<hbm>>) dst(%dma_wait3A_124 : memref<128xi32, #tpu.memory_space<vmem>>)
        %dma_wait3A_128 = arith.constant 1 : i32
        %dma_wait3A_129 = arith.constant 0 : i32
        %dma_wait3A_130 = tpu.memref_slice %arg9[%dma_wait3A_128, %dma_wait3A_129] : memref<2x128xi32, #tpu.memory_space<vmem>> -> memref<1x128xi32, #tpu.memory_space<vmem>>
        %dma_wait3A_131 = tpu.memref_squeeze %dma_wait3A_130 : memref<1x128xi32, #tpu.memory_space<vmem>> -> memref<128xi32, #tpu.memory_space<vmem>>
        %dma_wait3A_132 = arith.constant 0 : i32
        %dma_wait3A_133 = tpu.memref_slice %arg4[%add3A_79, %dma_wait3A_132] : memref<2500x128xi32, #tpu.memory_space<hbm>> -> memref<1x128xi32, #tpu.memory_space<hbm>>
        %dma_wait3A_134 = tpu.memref_squeeze %dma_wait3A_133 : memref<1x128xi32, #tpu.memory_space<hbm>> -> memref<128xi32, #tpu.memory_space<hbm>>
        %dma_wait3A_135 = arith.constant 0 : i32
        %dma_wait3A_136 = tpu.memref_slice %arg9[%dma_wait3A_128, %dma_wait3A_135] : memref<2x128xi32, #tpu.memory_space<vmem>> -> memref<1x128xi32, #tpu.memory_space<vmem>>
        %dma_wait3A_137 = tpu.memref_squeeze %dma_wait3A_136 : memref<1x128xi32, #tpu.memory_space<vmem>> -> memref<128xi32, #tpu.memory_space<vmem>>
        %dma_wait3A_138 = arith.constant 0 : i32
        %dma_wait3A_139 = tpu.memref_slice %arg4[%add3A_79, %dma_wait3A_138] : memref<2500x128xi32, #tpu.memory_space<hbm>> -> memref<1x128xi32, #tpu.memory_space<hbm>>
        %dma_wait3A_140 = tpu.memref_squeeze %dma_wait3A_139 : memref<1x128xi32, #tpu.memory_space<hbm>> -> memref<128xi32, #tpu.memory_space<hbm>>
        tpu.wait_dma2 semaphore(%arg12 : memref<!tpu.dma_semaphore, #tpu.memory_space<semaphore_mem>>) src(%dma_wait3A_140 : memref<128xi32, #tpu.memory_space<hbm>>) dst(%dma_wait3A_137 : memref<128xi32, #tpu.memory_space<vmem>>)
      } else {
      }
      %mul3A_86 = arith.constant 2 : i32
      %mul3A_87 = arith.muli %mul3A_86, %scan3A_55 : i32
      %add3A_88 = arith.constant 2 : i32
      %add3A_89 = arith.addi %mul3A_87, %add3A_88 : i32
      %add3A_90 = arith.addi %mul3A_19, %arg1 : i32
      %mul3A_91 = arith.constant 16 : i32
      %mul3A_92 = arith.muli %add3A_89, %mul3A_91 : i32
      %add3A_93 = arith.addi %add3A_90, %mul3A_92 : i32
      %add3A_94 = arith.constant 1250 : i32
      %add3A_95 = arith.addi %mul3A_19, %add3A_94 : i32
      %lt3A_96 = arith.cmpi slt, %add3A_93, %add3A_95 : i32
      %convert_element_type3A_97 = arith.extui %lt3A_96 : i1 to i32
      %cond3A_98 = arith.constant 0 : i32
      %cond3A_99 = arith.cmpi ne, %convert_element_type3A_97, %cond3A_98 : i32
      scf.if %cond3A_99 {
        %dma_start3A = arith.constant 0 : i32
        %dma_start3A_116 = arith.constant 0 : i32
        %dma_start3A_117 = tpu.memref_slice %arg8[%dma_start3A, %dma_start3A_116] : memref<2x128xi32, #tpu.memory_space<vmem>> -> memref<1x128xi32, #tpu.memory_space<vmem>>
        %dma_start3A_118 = tpu.memref_squeeze %dma_start3A_117 : memref<1x128xi32, #tpu.memory_space<vmem>> -> memref<128xi32, #tpu.memory_space<vmem>>
        %dma_start3A_119 = arith.constant 0 : i32
        %dma_start3A_120 = tpu.memref_slice %arg3[%add3A_93, %dma_start3A_119] : memref<2500x128xi32, #tpu.memory_space<hbm>> -> memref<1x128xi32, #tpu.memory_space<hbm>>
        %dma_start3A_121 = tpu.memref_squeeze %dma_start3A_120 : memref<1x128xi32, #tpu.memory_space<hbm>> -> memref<128xi32, #tpu.memory_space<hbm>>
        %dma_start3A_122 = arith.constant 0 : i32
        %dma_start3A_123 = tpu.memref_slice %arg8[%dma_start3A, %dma_start3A_122] : memref<2x128xi32, #tpu.memory_space<vmem>> -> memref<1x128xi32, #tpu.memory_space<vmem>>
        %dma_start3A_124 = tpu.memref_squeeze %dma_start3A_123 : memref<1x128xi32, #tpu.memory_space<vmem>> -> memref<128xi32, #tpu.memory_space<vmem>>
        %dma_start3A_125 = arith.constant 0 : i32
        %dma_start3A_126 = tpu.memref_slice %arg3[%add3A_93, %dma_start3A_125] : memref<2500x128xi32, #tpu.memory_space<hbm>> -> memref<1x128xi32, #tpu.memory_space<hbm>>
        %dma_start3A_127 = tpu.memref_squeeze %dma_start3A_126 : memref<1x128xi32, #tpu.memory_space<hbm>> -> memref<128xi32, #tpu.memory_space<hbm>>
        tpu.enqueue_dma source(%dma_start3A_127 : memref<128xi32, #tpu.memory_space<hbm>>) target(%dma_start3A_124 : memref<128xi32, #tpu.memory_space<vmem>>) target_semaphore(%arg12 : memref<!tpu.dma_semaphore, #tpu.memory_space<semaphore_mem>>)
        %dma_start3A_128 = arith.constant 0 : i32
        %dma_start3A_129 = arith.constant 0 : i32
        %dma_start3A_130 = tpu.memref_slice %arg9[%dma_start3A_128, %dma_start3A_129] : memref<2x128xi32, #tpu.memory_space<vmem>> -> memref<1x128xi32, #tpu.memory_space<vmem>>
        %dma_start3A_131 = tpu.memref_squeeze %dma_start3A_130 : memref<1x128xi32, #tpu.memory_space<vmem>> -> memref<128xi32, #tpu.memory_space<vmem>>
        %dma_start3A_132 = arith.constant 0 : i32
        %dma_start3A_133 = tpu.memref_slice %arg4[%add3A_93, %dma_start3A_132] : memref<2500x128xi32, #tpu.memory_space<hbm>> -> memref<1x128xi32, #tpu.memory_space<hbm>>
        %dma_start3A_134 = tpu.memref_squeeze %dma_start3A_133 : memref<1x128xi32, #tpu.memory_space<hbm>> -> memref<128xi32, #tpu.memory_space<hbm>>
        %dma_start3A_135 = arith.constant 0 : i32
        %dma_start3A_136 = tpu.memref_slice %arg9[%dma_start3A_128, %dma_start3A_135] : memref<2x128xi32, #tpu.memory_space<vmem>> -> memref<1x128xi32, #tpu.memory_space<vmem>>
        %dma_start3A_137 = tpu.memref_squeeze %dma_start3A_136 : memref<1x128xi32, #tpu.memory_space<vmem>> -> memref<128xi32, #tpu.memory_space<vmem>>
        %dma_start3A_138 = arith.constant 0 : i32
        %dma_start3A_139 = tpu.memref_slice %arg4[%add3A_93, %dma_start3A_138] : memref<2500x128xi32, #tpu.memory_space<hbm>> -> memref<1x128xi32, #tpu.memory_space<hbm>>
        %dma_start3A_140 = tpu.memref_squeeze %dma_start3A_139 : memref<1x128xi32, #tpu.memory_space<hbm>> -> memref<128xi32, #tpu.memory_space<hbm>>
        tpu.enqueue_dma source(%dma_start3A_140 : memref<128xi32, #tpu.memory_space<hbm>>) target(%dma_start3A_137 : memref<128xi32, #tpu.memory_space<vmem>>) target_semaphore(%arg12 : memref<!tpu.dma_semaphore, #tpu.memory_space<semaphore_mem>>)
      } else {
      }
      %run_scoped3A_100 = arith.constant 1 : i32
      "tpu.region"() ({
        %run_scoped3A_116 = tpu.sem_alloc : memref<!tpu.dma_semaphore, #tpu.memory_space<semaphore_mem>>
        %dma_start3A = arith.constant 0 : i32
        %dma_start3A_117 = tpu.memref_slice %arg8[%run_scoped3A_100, %dma_start3A] : memref<2x128xi32, #tpu.memory_space<vmem>> -> memref<1x128xi32, #tpu.memory_space<vmem>>
        %dma_start3A_118 = tpu.memref_squeeze %dma_start3A_117 : memref<1x128xi32, #tpu.memory_space<vmem>> -> memref<128xi32, #tpu.memory_space<vmem>>
        %dma_start3A_119 = arith.constant 0 : i32
        %dma_start3A_120 = arith.constant 0 : i32
        %dma_start3A_121 = tpu.memref_slice %arg2[%dma_start3A_119, %dma_start3A_120] : memref<10240x128xf32, #tpu.memory_space<hbm>> -> memref<10240x128xf32, #tpu.memory_space<hbm>>
        tpu.enqueue_indirect_dma source(%dma_start3A_121 : memref<10240x128xf32, #tpu.memory_space<hbm>>) target(%arg7 : memref<128x128xf32, #tpu.memory_space<vmem>>) offsets(%dma_start3A_118 : memref<128xi32, #tpu.memory_space<vmem>>) semaphore(%run_scoped3A_116 : memref<!tpu.dma_semaphore, #tpu.memory_space<semaphore_mem>>)
        %dma_wait3A = arith.constant 0 : i32
        %dma_wait3A_122 = tpu.memref_slice %arg8[%run_scoped3A_100, %dma_wait3A] : memref<2x128xi32, #tpu.memory_space<vmem>> -> memref<1x128xi32, #tpu.memory_space<vmem>>
        %dma_wait3A_123 = tpu.memref_squeeze %dma_wait3A_122 : memref<1x128xi32, #tpu.memory_space<vmem>> -> memref<128xi32, #tpu.memory_space<vmem>>
        %dma_wait3A_124 = arith.constant 0 : i32
        %dma_wait3A_125 = arith.constant 0 : i32
        %dma_wait3A_126 = tpu.memref_slice %arg2[%dma_wait3A_124, %dma_wait3A_125] : memref<10240x128xf32, #tpu.memory_space<hbm>> -> memref<10240x128xf32, #tpu.memory_space<hbm>>
        tpu.wait_indirect_dma semaphore(%run_scoped3A_116 : memref<!tpu.dma_semaphore, #tpu.memory_space<semaphore_mem>>) src(%dma_wait3A_126 : memref<10240x128xf32, #tpu.memory_space<hbm>>) dst(%arg7 : memref<128x128xf32, #tpu.memory_space<vmem>>)
        tpu.yield
      }) : () -> ()
      %run_scoped3A_101 = arith.constant 1 : i32
      "tpu.region"() ({
        %run_scoped3A_116 = tpu.sem_alloc : memref<!tpu.dma_semaphore, #tpu.memory_space<semaphore_mem>>
        %dma_start3A = arith.constant 0 : i32
        %dma_start3A_117 = tpu.memref_slice %arg9[%run_scoped3A_101, %dma_start3A] : memref<2x128xi32, #tpu.memory_space<vmem>> -> memref<1x128xi32, #tpu.memory_space<vmem>>
        %dma_start3A_118 = tpu.memref_squeeze %dma_start3A_117 : memref<1x128xi32, #tpu.memory_space<vmem>> -> memref<128xi32, #tpu.memory_space<vmem>>
        %dma_start3A_119 = arith.constant 0 : i32
        %dma_start3A_120 = arith.constant 0 : i32
        %dma_start3A_121 = tpu.memref_slice %arg13[%dma_start3A_119, %dma_start3A_120] : memref<10240x128xf32, #tpu.memory_space<vmem_shared>> -> memref<10240x128xf32, #tpu.memory_space<vmem_shared>>
        tpu.enqueue_indirect_dma source(%arg7 : memref<128x128xf32, #tpu.memory_space<vmem>>) target(%dma_start3A_121 : memref<10240x128xf32, #tpu.memory_space<vmem_shared>>) offsets(%dma_start3A_118 : memref<128xi32, #tpu.memory_space<vmem>>) semaphore(%run_scoped3A_116 : memref<!tpu.dma_semaphore, #tpu.memory_space<semaphore_mem>>) {add = true}
        %dma_wait3A = arith.constant 0 : i32
        %dma_wait3A_122 = tpu.memref_slice %arg9[%run_scoped3A_101, %dma_wait3A] : memref<2x128xi32, #tpu.memory_space<vmem>> -> memref<1x128xi32, #tpu.memory_space<vmem>>
        %dma_wait3A_123 = tpu.memref_squeeze %dma_wait3A_122 : memref<1x128xi32, #tpu.memory_space<vmem>> -> memref<128xi32, #tpu.memory_space<vmem>>
        %dma_wait3A_124 = arith.constant 0 : i32
        %dma_wait3A_125 = arith.constant 0 : i32
        %dma_wait3A_126 = tpu.memref_slice %arg13[%dma_wait3A_124, %dma_wait3A_125] : memref<10240x128xf32, #tpu.memory_space<vmem_shared>> -> memref<10240x128xf32, #tpu.memory_space<vmem_shared>>
        tpu.wait_indirect_dma semaphore(%run_scoped3A_116 : memref<!tpu.dma_semaphore, #tpu.memory_space<semaphore_mem>>) src(%arg7 : memref<128x128xf32, #tpu.memory_space<vmem>>) dst(%dma_wait3A_126 : memref<10240x128xf32, #tpu.memory_space<vmem_shared>>)
        tpu.yield
      }) : () -> ()
      %mul3A_102 = arith.constant 2 : i32
      %mul3A_103 = arith.muli %mul3A_102, %scan3A_55 : i32
      %add3A_104 = arith.constant 2 : i32
      %add3A_105 = arith.addi %mul3A_103, %add3A_104 : i32
      %add3A_106 = arith.addi %mul3A_19, %arg1 : i32
      %mul3A_107 = arith.constant 16 : i32
      %mul3A_108 = arith.muli %add3A_105, %mul3A_107 : i32
      %add3A_109 = arith.addi %add3A_106, %mul3A_108 : i32
      %add3A_110 = arith.constant 1250 : i32
      %add3A_111 = arith.addi %mul3A_19, %add3A_110 : i32
      %lt3A_112 = arith.cmpi slt, %add3A_109, %add3A_111 : i32
      %convert_element_type3A_113 = arith.extui %lt3A_112 : i1 to i32
      %cond3A_114 = arith.constant 0 : i32
      %cond3A_115 = arith.cmpi ne, %convert_element_type3A_113, %cond3A_114 : i32
      scf.if %cond3A_115 {
        %dma_wait3A = arith.constant 0 : i32
        %dma_wait3A_116 = arith.constant 0 : i32
        %dma_wait3A_117 = tpu.memref_slice %arg8[%dma_wait3A, %dma_wait3A_116] : memref<2x128xi32, #tpu.memory_space<vmem>> -> memref<1x128xi32, #tpu.memory_space<vmem>>
        %dma_wait3A_118 = tpu.memref_squeeze %dma_wait3A_117 : memref<1x128xi32, #tpu.memory_space<vmem>> -> memref<128xi32, #tpu.memory_space<vmem>>
        %dma_wait3A_119 = arith.constant 0 : i32
        %dma_wait3A_120 = tpu.memref_slice %arg3[%add3A_109, %dma_wait3A_119] : memref<2500x128xi32, #tpu.memory_space<hbm>> -> memref<1x128xi32, #tpu.memory_space<hbm>>
        %dma_wait3A_121 = tpu.memref_squeeze %dma_wait3A_120 : memref<1x128xi32, #tpu.memory_space<hbm>> -> memref<128xi32, #tpu.memory_space<hbm>>
        %dma_wait3A_122 = arith.constant 0 : i32
        %dma_wait3A_123 = tpu.memref_slice %arg8[%dma_wait3A, %dma_wait3A_122] : memref<2x128xi32, #tpu.memory_space<vmem>> -> memref<1x128xi32, #tpu.memory_space<vmem>>
        %dma_wait3A_124 = tpu.memref_squeeze %dma_wait3A_123 : memref<1x128xi32, #tpu.memory_space<vmem>> -> memref<128xi32, #tpu.memory_space<vmem>>
        %dma_wait3A_125 = arith.constant 0 : i32
        %dma_wait3A_126 = tpu.memref_slice %arg3[%add3A_109, %dma_wait3A_125] : memref<2500x128xi32, #tpu.memory_space<hbm>> -> memref<1x128xi32, #tpu.memory_space<hbm>>
        %dma_wait3A_127 = tpu.memref_squeeze %dma_wait3A_126 : memref<1x128xi32, #tpu.memory_space<hbm>> -> memref<128xi32, #tpu.memory_space<hbm>>
        tpu.wait_dma2 semaphore(%arg12 : memref<!tpu.dma_semaphore, #tpu.memory_space<semaphore_mem>>) src(%dma_wait3A_127 : memref<128xi32, #tpu.memory_space<hbm>>) dst(%dma_wait3A_124 : memref<128xi32, #tpu.memory_space<vmem>>)
        %dma_wait3A_128 = arith.constant 0 : i32
        %dma_wait3A_129 = arith.constant 0 : i32
        %dma_wait3A_130 = tpu.memref_slice %arg9[%dma_wait3A_128, %dma_wait3A_129] : memref<2x128xi32, #tpu.memory_space<vmem>> -> memref<1x128xi32, #tpu.memory_space<vmem>>
        %dma_wait3A_131 = tpu.memref_squeeze %dma_wait3A_130 : memref<1x128xi32, #tpu.memory_space<vmem>> -> memref<128xi32, #tpu.memory_space<vmem>>
        %dma_wait3A_132 = arith.constant 0 : i32
        %dma_wait3A_133 = tpu.memref_slice %arg4[%add3A_109, %dma_wait3A_132] : memref<2500x128xi32, #tpu.memory_space<hbm>> -> memref<1x128xi32, #tpu.memory_space<hbm>>
        %dma_wait3A_134 = tpu.memref_squeeze %dma_wait3A_133 : memref<1x128xi32, #tpu.memory_space<hbm>> -> memref<128xi32, #tpu.memory_space<hbm>>
        %dma_wait3A_135 = arith.constant 0 : i32
        %dma_wait3A_136 = tpu.memref_slice %arg9[%dma_wait3A_128, %dma_wait3A_135] : memref<2x128xi32, #tpu.memory_space<vmem>> -> memref<1x128xi32, #tpu.memory_space<vmem>>
        %dma_wait3A_137 = tpu.memref_squeeze %dma_wait3A_136 : memref<1x128xi32, #tpu.memory_space<vmem>> -> memref<128xi32, #tpu.memory_space<vmem>>
        %dma_wait3A_138 = arith.constant 0 : i32
        %dma_wait3A_139 = tpu.memref_slice %arg4[%add3A_109, %dma_wait3A_138] : memref<2500x128xi32, #tpu.memory_space<hbm>> -> memref<1x128xi32, #tpu.memory_space<hbm>>
        %dma_wait3A_140 = tpu.memref_squeeze %dma_wait3A_139 : memref<1x128xi32, #tpu.memory_space<hbm>> -> memref<128xi32, #tpu.memory_space<hbm>>
        tpu.wait_dma2 semaphore(%arg12 : memref<!tpu.dma_semaphore, #tpu.memory_space<semaphore_mem>>) src(%dma_wait3A_140 : memref<128xi32, #tpu.memory_space<hbm>>) dst(%dma_wait3A_137 : memref<128xi32, #tpu.memory_space<vmem>>)
      } else {
      }
    }
    %scan3A_31 = arith.constant 39 : i32
    %lt3A = arith.constant 2 : i32
    %lt3A_32 = arith.cmpi slt, %arg1, %lt3A : i32
    %convert_element_type3A = arith.extui %lt3A_32 : i1 to i32
    %cond3A = arith.constant 0 : i32
    %cond3A_33 = arith.cmpi ne, %convert_element_type3A, %cond3A : i32
    scf.if %cond3A_33 {
      %run_scoped3A_55 = arith.constant 0 : i32
      "tpu.region"() ({
        %run_scoped3A_57 = tpu.sem_alloc : memref<!tpu.dma_semaphore, #tpu.memory_space<semaphore_mem>>
        %dma_start3A = arith.constant 0 : i32
        %dma_start3A_58 = tpu.memref_slice %arg8[%run_scoped3A_55, %dma_start3A] : memref<2x128xi32, #tpu.memory_space<vmem>> -> memref<1x128xi32, #tpu.memory_space<vmem>>
        %dma_start3A_59 = tpu.memref_squeeze %dma_start3A_58 : memref<1x128xi32, #tpu.memory_space<vmem>> -> memref<128xi32, #tpu.memory_space<vmem>>
        %dma_start3A_60 = arith.constant 0 : i32
        %dma_start3A_61 = arith.constant 0 : i32
        %dma_start3A_62 = tpu.memref_slice %arg2[%dma_start3A_60, %dma_start3A_61] : memref<10240x128xf32, #tpu.memory_space<hbm>> -> memref<10240x128xf32, #tpu.memory_space<hbm>>
        tpu.enqueue_indirect_dma source(%dma_start3A_62 : memref<10240x128xf32, #tpu.memory_space<hbm>>) target(%arg7 : memref<128x128xf32, #tpu.memory_space<vmem>>) offsets(%dma_start3A_59 : memref<128xi32, #tpu.memory_space<vmem>>) semaphore(%run_scoped3A_57 : memref<!tpu.dma_semaphore, #tpu.memory_space<semaphore_mem>>)
        %dma_wait3A = arith.constant 0 : i32
        %dma_wait3A_63 = tpu.memref_slice %arg8[%run_scoped3A_55, %dma_wait3A] : memref<2x128xi32, #tpu.memory_space<vmem>> -> memref<1x128xi32, #tpu.memory_space<vmem>>
        %dma_wait3A_64 = tpu.memref_squeeze %dma_wait3A_63 : memref<1x128xi32, #tpu.memory_space<vmem>> -> memref<128xi32, #tpu.memory_space<vmem>>
        %dma_wait3A_65 = arith.constant 0 : i32
        %dma_wait3A_66 = arith.constant 0 : i32
        %dma_wait3A_67 = tpu.memref_slice %arg2[%dma_wait3A_65, %dma_wait3A_66] : memref<10240x128xf32, #tpu.memory_space<hbm>> -> memref<10240x128xf32, #tpu.memory_space<hbm>>
        tpu.wait_indirect_dma semaphore(%run_scoped3A_57 : memref<!tpu.dma_semaphore, #tpu.memory_space<semaphore_mem>>) src(%dma_wait3A_67 : memref<10240x128xf32, #tpu.memory_space<hbm>>) dst(%arg7 : memref<128x128xf32, #tpu.memory_space<vmem>>)
        tpu.yield
      }) : () -> ()
      %run_scoped3A_56 = arith.constant 0 : i32
      "tpu.region"() ({
        %run_scoped3A_57 = tpu.sem_alloc : memref<!tpu.dma_semaphore, #tpu.memory_space<semaphore_mem>>
        %dma_start3A = arith.constant 0 : i32
        %dma_start3A_58 = tpu.memref_slice %arg9[%run_scoped3A_56, %dma_start3A] : memref<2x128xi32, #tpu.memory_space<vmem>> -> memref<1x128xi32, #tpu.memory_space<vmem>>
        %dma_start3A_59 = tpu.memref_squeeze %dma_start3A_58 : memref<1x128xi32, #tpu.memory_space<vmem>> -> memref<128xi32, #tpu.memory_space<vmem>>
        %dma_start3A_60 = arith.constant 0 : i32
        %dma_start3A_61 = arith.constant 0 : i32
        %dma_start3A_62 = tpu.memref_slice %arg13[%dma_start3A_60, %dma_start3A_61] : memref<10240x128xf32, #tpu.memory_space<vmem_shared>> -> memref<10240x128xf32, #tpu.memory_space<vmem_shared>>
        tpu.enqueue_indirect_dma source(%arg7 : memref<128x128xf32, #tpu.memory_space<vmem>>) target(%dma_start3A_62 : memref<10240x128xf32, #tpu.memory_space<vmem_shared>>) offsets(%dma_start3A_59 : memref<128xi32, #tpu.memory_space<vmem>>) semaphore(%run_scoped3A_57 : memref<!tpu.dma_semaphore, #tpu.memory_space<semaphore_mem>>) {add = true}
        %dma_wait3A = arith.constant 0 : i32
        %dma_wait3A_63 = tpu.memref_slice %arg9[%run_scoped3A_56, %dma_wait3A] : memref<2x128xi32, #tpu.memory_space<vmem>> -> memref<1x128xi32, #tpu.memory_space<vmem>>
        %dma_wait3A_64 = tpu.memref_squeeze %dma_wait3A_63 : memref<1x128xi32, #tpu.memory_space<vmem>> -> memref<128xi32, #tpu.memory_space<vmem>>
        %dma_wait3A_65 = arith.constant 0 : i32
        %dma_wait3A_66 = arith.constant 0 : i32
        %dma_wait3A_67 = tpu.memref_slice %arg13[%dma_wait3A_65, %dma_wait3A_66] : memref<10240x128xf32, #tpu.memory_space<vmem_shared>> -> memref<10240x128xf32, #tpu.memory_space<vmem_shared>>
        tpu.wait_indirect_dma semaphore(%run_scoped3A_57 : memref<!tpu.dma_semaphore, #tpu.memory_space<semaphore_mem>>) src(%arg7 : memref<128x128xf32, #tpu.memory_space<vmem>>) dst(%dma_wait3A_67 : memref<10240x128xf32, #tpu.memory_space<vmem_shared>>)
        tpu.yield
      }) : () -> ()
    } else {
    }
    %barrier3A_34 = arith.constant 0 : index
    tpu.barrier barrier_id(%barrier3A_34)
    %mul3A_35 = arith.constant 640 : i32
    %mul3A_36 = arith.muli %arg1, %mul3A_35 : i32
    %add3A_37 = arith.constant 0 : i32
    %add3A_38 = arith.addi %mul3A_36, %add3A_37 : i32
    "tpu.region"() ({
      %run_scoped3A_55 = tpu.sem_alloc : memref<!tpu.dma_semaphore, #tpu.memory_space<semaphore_mem>>
      %dma_start3A = arith.constant 0 : i32
      %dma_start3A_56 = tpu.memref_slice %arg13[%add3A_38, %dma_start3A] : memref<10240x128xf32, #tpu.memory_space<vmem_shared>> -> memref<128x128xf32, #tpu.memory_space<vmem_shared>>
      %dma_start3A_57 = arith.constant 0 : i32
      %dma_start3A_58 = tpu.memref_slice %arg13[%add3A_38, %dma_start3A_57] : memref<10240x128xf32, #tpu.memory_space<vmem_shared>> -> memref<128x128xf32, #tpu.memory_space<vmem_shared>>
      tpu.enqueue_dma source(%dma_start3A_58 : memref<128x128xf32, #tpu.memory_space<vmem_shared>>) target(%arg7 : memref<128x128xf32, #tpu.memory_space<vmem>>) target_semaphore(%run_scoped3A_55 : memref<!tpu.dma_semaphore, #tpu.memory_space<semaphore_mem>>)
      %dma_wait3A = arith.constant 0 : i32
      %dma_wait3A_59 = tpu.memref_slice %arg13[%add3A_38, %dma_wait3A] : memref<10240x128xf32, #tpu.memory_space<vmem_shared>> -> memref<128x128xf32, #tpu.memory_space<vmem_shared>>
      %dma_wait3A_60 = arith.constant 0 : i32
      %dma_wait3A_61 = tpu.memref_slice %arg13[%add3A_38, %dma_wait3A_60] : memref<10240x128xf32, #tpu.memory_space<vmem_shared>> -> memref<128x128xf32, #tpu.memory_space<vmem_shared>>
      tpu.wait_dma2 semaphore(%run_scoped3A_55 : memref<!tpu.dma_semaphore, #tpu.memory_space<semaphore_mem>>) src(%dma_wait3A_61 : memref<128x128xf32, #tpu.memory_space<vmem_shared>>) dst(%arg7 : memref<128x128xf32, #tpu.memory_space<vmem>>)
      tpu.yield
    }) : () -> ()
    "tpu.region"() ({
      %run_scoped3A_55 = tpu.sem_alloc : memref<!tpu.dma_semaphore, #tpu.memory_space<semaphore_mem>>
      %dma_start3A = arith.constant 0 : i32
      %dma_start3A_56 = tpu.memref_slice %arg6[%arg0, %add3A_38, %dma_start3A] : memref<2x10240x128xf32, #tpu.memory_space<hbm>> -> memref<1x128x128xf32, #tpu.memory_space<hbm>>
      %dma_start3A_57 = tpu.memref_squeeze %dma_start3A_56 : memref<1x128x128xf32, #tpu.memory_space<hbm>> -> memref<128x128xf32, #tpu.memory_space<hbm>>
      %dma_start3A_58 = arith.constant 0 : i32
      %dma_start3A_59 = tpu.memref_slice %arg6[%arg0, %add3A_38, %dma_start3A_58] : memref<2x10240x128xf32, #tpu.memory_space<hbm>> -> memref<1x128x128xf32, #tpu.memory_space<hbm>>
      %dma_start3A_60 = tpu.memref_squeeze %dma_start3A_59 : memref<1x128x128xf32, #tpu.memory_space<hbm>> -> memref<128x128xf32, #tpu.memory_space<hbm>>
      tpu.enqueue_dma source(%arg7 : memref<128x128xf32, #tpu.memory_space<vmem>>) target(%dma_start3A_60 : memref<128x128xf32, #tpu.memory_space<hbm>>) target_semaphore(%run_scoped3A_55 : memref<!tpu.dma_semaphore, #tpu.memory_space<semaphore_mem>>)
      %dma_wait3A = arith.constant 0 : i32
      %dma_wait3A_61 = tpu.memref_slice %arg6[%arg0, %add3A_38, %dma_wait3A] : memref<2x10240x128xf32, #tpu.memory_space<hbm>> -> memref<1x128x128xf32, #tpu.memory_space<hbm>>
      %dma_wait3A_62 = tpu.memref_squeeze %dma_wait3A_61 : memref<1x128x128xf32, #tpu.memory_space<hbm>> -> memref<128x128xf32, #tpu.memory_space<hbm>>
      %dma_wait3A_63 = arith.constant 0 : i32
      %dma_wait3A_64 = tpu.memref_slice %arg6[%arg0, %add3A_38, %dma_wait3A_63] : memref<2x10240x128xf32, #tpu.memory_space<hbm>> -> memref<1x128x128xf32, #tpu.memory_space<hbm>>
      %dma_wait3A_65 = tpu.memref_squeeze %dma_wait3A_64 : memref<1x128x128xf32, #tpu.memory_space<hbm>> -> memref<128x128xf32, #tpu.memory_space<hbm>>
      tpu.wait_dma2 semaphore(%run_scoped3A_55 : memref<!tpu.dma_semaphore, #tpu.memory_space<semaphore_mem>>) src(%arg7 : memref<128x128xf32, #tpu.memory_space<vmem>>) dst(%dma_wait3A_65 : memref<128x128xf32, #tpu.memory_space<hbm>>)
      tpu.yield
    }) : () -> ()
    %mul3A_39 = arith.constant 640 : i32
    %mul3A_40 = arith.muli %arg1, %mul3A_39 : i32
    %add3A_41 = arith.constant 128 : i32
    %add3A_42 = arith.addi %mul3A_40, %add3A_41 : i32
    "tpu.region"() ({
      %run_scoped3A_55 = tpu.sem_alloc : memref<!tpu.dma_semaphore, #tpu.memory_space<semaphore_mem>>
      %dma_start3A = arith.constant 0 : i32
      %dma_start3A_56 = tpu.memref_slice %arg13[%add3A_42, %dma_start3A] : memref<10240x128xf32, #tpu.memory_space<vmem_shared>> -> memref<128x128xf32, #tpu.memory_space<vmem_shared>>
      %dma_start3A_57 = arith.constant 0 : i32
      %dma_start3A_58 = tpu.memref_slice %arg13[%add3A_42, %dma_start3A_57] : memref<10240x128xf32, #tpu.memory_space<vmem_shared>> -> memref<128x128xf32, #tpu.memory_space<vmem_shared>>
      tpu.enqueue_dma source(%dma_start3A_58 : memref<128x128xf32, #tpu.memory_space<vmem_shared>>) target(%arg7 : memref<128x128xf32, #tpu.memory_space<vmem>>) target_semaphore(%run_scoped3A_55 : memref<!tpu.dma_semaphore, #tpu.memory_space<semaphore_mem>>)
      %dma_wait3A = arith.constant 0 : i32
      %dma_wait3A_59 = tpu.memref_slice %arg13[%add3A_42, %dma_wait3A] : memref<10240x128xf32, #tpu.memory_space<vmem_shared>> -> memref<128x128xf32, #tpu.memory_space<vmem_shared>>
      %dma_wait3A_60 = arith.constant 0 : i32
      %dma_wait3A_61 = tpu.memref_slice %arg13[%add3A_42, %dma_wait3A_60] : memref<10240x128xf32, #tpu.memory_space<vmem_shared>> -> memref<128x128xf32, #tpu.memory_space<vmem_shared>>
      tpu.wait_dma2 semaphore(%run_scoped3A_55 : memref<!tpu.dma_semaphore, #tpu.memory_space<semaphore_mem>>) src(%dma_wait3A_61 : memref<128x128xf32, #tpu.memory_space<vmem_shared>>) dst(%arg7 : memref<128x128xf32, #tpu.memory_space<vmem>>)
      tpu.yield
    }) : () -> ()
    "tpu.region"() ({
      %run_scoped3A_55 = tpu.sem_alloc : memref<!tpu.dma_semaphore, #tpu.memory_space<semaphore_mem>>
      %dma_start3A = arith.constant 0 : i32
      %dma_start3A_56 = tpu.memref_slice %arg6[%arg0, %add3A_42, %dma_start3A] : memref<2x10240x128xf32, #tpu.memory_space<hbm>> -> memref<1x128x128xf32, #tpu.memory_space<hbm>>
      %dma_start3A_57 = tpu.memref_squeeze %dma_start3A_56 : memref<1x128x128xf32, #tpu.memory_space<hbm>> -> memref<128x128xf32, #tpu.memory_space<hbm>>
      %dma_start3A_58 = arith.constant 0 : i32
      %dma_start3A_59 = tpu.memref_slice %arg6[%arg0, %add3A_42, %dma_start3A_58] : memref<2x10240x128xf32, #tpu.memory_space<hbm>> -> memref<1x128x128xf32, #tpu.memory_space<hbm>>
      %dma_start3A_60 = tpu.memref_squeeze %dma_start3A_59 : memref<1x128x128xf32, #tpu.memory_space<hbm>> -> memref<128x128xf32, #tpu.memory_space<hbm>>
      tpu.enqueue_dma source(%arg7 : memref<128x128xf32, #tpu.memory_space<vmem>>) target(%dma_start3A_60 : memref<128x128xf32, #tpu.memory_space<hbm>>) target_semaphore(%run_scoped3A_55 : memref<!tpu.dma_semaphore, #tpu.memory_space<semaphore_mem>>)
      %dma_wait3A = arith.constant 0 : i32
      %dma_wait3A_61 = tpu.memref_slice %arg6[%arg0, %add3A_42, %dma_wait3A] : memref<2x10240x128xf32, #tpu.memory_space<hbm>> -> memref<1x128x128xf32, #tpu.memory_space<hbm>>
      %dma_wait3A_62 = tpu.memref_squeeze %dma_wait3A_61 : memref<1x128x128xf32, #tpu.memory_space<hbm>> -> memref<128x128xf32, #tpu.memory_space<hbm>>
      %dma_wait3A_63 = arith.constant 0 : i32
      %dma_wait3A_64 = tpu.memref_slice %arg6[%arg0, %add3A_42, %dma_wait3A_63] : memref<2x10240x128xf32, #tpu.memory_space<hbm>> -> memref<1x128x128xf32, #tpu.memory_space<hbm>>
      %dma_wait3A_65 = tpu.memref_squeeze %dma_wait3A_64 : memref<1x128x128xf32, #tpu.memory_space<hbm>> -> memref<128x128xf32, #tpu.memory_space<hbm>>
      tpu.wait_dma2 semaphore(%run_scoped3A_55 : memref<!tpu.dma_semaphore, #tpu.memory_space<semaphore_mem>>) src(%arg7 : memref<128x128xf32, #tpu.memory_space<vmem>>) dst(%dma_wait3A_65 : memref<128x128xf32, #tpu.memory_space<hbm>>)
      tpu.yield
    }) : () -> ()
    %mul3A_43 = arith.constant 640 : i32
    %mul3A_44 = arith.muli %arg1, %mul3A_43 : i32
    %add3A_45 = arith.constant 256 : i32
    %add3A_46 = arith.addi %mul3A_44, %add3A_45 : i32
    "tpu.region"() ({
      %run_scoped3A_55 = tpu.sem_alloc : memref<!tpu.dma_semaphore, #tpu.memory_space<semaphore_mem>>
      %dma_start3A = arith.constant 0 : i32
      %dma_start3A_56 = tpu.memref_slice %arg13[%add3A_46, %dma_start3A] : memref<10240x128xf32, #tpu.memory_space<vmem_shared>> -> memref<128x128xf32, #tpu.memory_space<vmem_shared>>
      %dma_start3A_57 = arith.constant 0 : i32
      %dma_start3A_58 = tpu.memref_slice %arg13[%add3A_46, %dma_start3A_57] : memref<10240x128xf32, #tpu.memory_space<vmem_shared>> -> memref<128x128xf32, #tpu.memory_space<vmem_shared>>
      tpu.enqueue_dma source(%dma_start3A_58 : memref<128x128xf32, #tpu.memory_space<vmem_shared>>) target(%arg7 : memref<128x128xf32, #tpu.memory_space<vmem>>) target_semaphore(%run_scoped3A_55 : memref<!tpu.dma_semaphore, #tpu.memory_space<semaphore_mem>>)
      %dma_wait3A = arith.constant 0 : i32
      %dma_wait3A_59 = tpu.memref_slice %arg13[%add3A_46, %dma_wait3A] : memref<10240x128xf32, #tpu.memory_space<vmem_shared>> -> memref<128x128xf32, #tpu.memory_space<vmem_shared>>
      %dma_wait3A_60 = arith.constant 0 : i32
      %dma_wait3A_61 = tpu.memref_slice %arg13[%add3A_46, %dma_wait3A_60] : memref<10240x128xf32, #tpu.memory_space<vmem_shared>> -> memref<128x128xf32, #tpu.memory_space<vmem_shared>>
      tpu.wait_dma2 semaphore(%run_scoped3A_55 : memref<!tpu.dma_semaphore, #tpu.memory_space<semaphore_mem>>) src(%dma_wait3A_61 : memref<128x128xf32, #tpu.memory_space<vmem_shared>>) dst(%arg7 : memref<128x128xf32, #tpu.memory_space<vmem>>)
      tpu.yield
    }) : () -> ()
    "tpu.region"() ({
      %run_scoped3A_55 = tpu.sem_alloc : memref<!tpu.dma_semaphore, #tpu.memory_space<semaphore_mem>>
      %dma_start3A = arith.constant 0 : i32
      %dma_start3A_56 = tpu.memref_slice %arg6[%arg0, %add3A_46, %dma_start3A] : memref<2x10240x128xf32, #tpu.memory_space<hbm>> -> memref<1x128x128xf32, #tpu.memory_space<hbm>>
      %dma_start3A_57 = tpu.memref_squeeze %dma_start3A_56 : memref<1x128x128xf32, #tpu.memory_space<hbm>> -> memref<128x128xf32, #tpu.memory_space<hbm>>
      %dma_start3A_58 = arith.constant 0 : i32
      %dma_start3A_59 = tpu.memref_slice %arg6[%arg0, %add3A_46, %dma_start3A_58] : memref<2x10240x128xf32, #tpu.memory_space<hbm>> -> memref<1x128x128xf32, #tpu.memory_space<hbm>>
      %dma_start3A_60 = tpu.memref_squeeze %dma_start3A_59 : memref<1x128x128xf32, #tpu.memory_space<hbm>> -> memref<128x128xf32, #tpu.memory_space<hbm>>
      tpu.enqueue_dma source(%arg7 : memref<128x128xf32, #tpu.memory_space<vmem>>) target(%dma_start3A_60 : memref<128x128xf32, #tpu.memory_space<hbm>>) target_semaphore(%run_scoped3A_55 : memref<!tpu.dma_semaphore, #tpu.memory_space<semaphore_mem>>)
      %dma_wait3A = arith.constant 0 : i32
      %dma_wait3A_61 = tpu.memref_slice %arg6[%arg0, %add3A_46, %dma_wait3A] : memref<2x10240x128xf32, #tpu.memory_space<hbm>> -> memref<1x128x128xf32, #tpu.memory_space<hbm>>
      %dma_wait3A_62 = tpu.memref_squeeze %dma_wait3A_61 : memref<1x128x128xf32, #tpu.memory_space<hbm>> -> memref<128x128xf32, #tpu.memory_space<hbm>>
      %dma_wait3A_63 = arith.constant 0 : i32
      %dma_wait3A_64 = tpu.memref_slice %arg6[%arg0, %add3A_46, %dma_wait3A_63] : memref<2x10240x128xf32, #tpu.memory_space<hbm>> -> memref<1x128x128xf32, #tpu.memory_space<hbm>>
      %dma_wait3A_65 = tpu.memref_squeeze %dma_wait3A_64 : memref<1x128x128xf32, #tpu.memory_space<hbm>> -> memref<128x128xf32, #tpu.memory_space<hbm>>
      tpu.wait_dma2 semaphore(%run_scoped3A_55 : memref<!tpu.dma_semaphore, #tpu.memory_space<semaphore_mem>>) src(%arg7 : memref<128x128xf32, #tpu.memory_space<vmem>>) dst(%dma_wait3A_65 : memref<128x128xf32, #tpu.memory_space<hbm>>)
      tpu.yield
    }) : () -> ()
    %mul3A_47 = arith.constant 640 : i32
    %mul3A_48 = arith.muli %arg1, %mul3A_47 : i32
    %add3A_49 = arith.constant 384 : i32
    %add3A_50 = arith.addi %mul3A_48, %add3A_49 : i32
    "tpu.region"() ({
      %run_scoped3A_55 = tpu.sem_alloc : memref<!tpu.dma_semaphore, #tpu.memory_space<semaphore_mem>>
      %dma_start3A = arith.constant 0 : i32
      %dma_start3A_56 = tpu.memref_slice %arg13[%add3A_50, %dma_start3A] : memref<10240x128xf32, #tpu.memory_space<vmem_shared>> -> memref<128x128xf32, #tpu.memory_space<vmem_shared>>
      %dma_start3A_57 = arith.constant 0 : i32
      %dma_start3A_58 = tpu.memref_slice %arg13[%add3A_50, %dma_start3A_57] : memref<10240x128xf32, #tpu.memory_space<vmem_shared>> -> memref<128x128xf32, #tpu.memory_space<vmem_shared>>
      tpu.enqueue_dma source(%dma_start3A_58 : memref<128x128xf32, #tpu.memory_space<vmem_shared>>) target(%arg7 : memref<128x128xf32, #tpu.memory_space<vmem>>) target_semaphore(%run_scoped3A_55 : memref<!tpu.dma_semaphore, #tpu.memory_space<semaphore_mem>>)
      %dma_wait3A = arith.constant 0 : i32
      %dma_wait3A_59 = tpu.memref_slice %arg13[%add3A_50, %dma_wait3A] : memref<10240x128xf32, #tpu.memory_space<vmem_shared>> -> memref<128x128xf32, #tpu.memory_space<vmem_shared>>
      %dma_wait3A_60 = arith.constant 0 : i32
      %dma_wait3A_61 = tpu.memref_slice %arg13[%add3A_50, %dma_wait3A_60] : memref<10240x128xf32, #tpu.memory_space<vmem_shared>> -> memref<128x128xf32, #tpu.memory_space<vmem_shared>>
      tpu.wait_dma2 semaphore(%run_scoped3A_55 : memref<!tpu.dma_semaphore, #tpu.memory_space<semaphore_mem>>) src(%dma_wait3A_61 : memref<128x128xf32, #tpu.memory_space<vmem_shared>>) dst(%arg7 : memref<128x128xf32, #tpu.memory_space<vmem>>)
      tpu.yield
    }) : () -> ()
    "tpu.region"() ({
      %run_scoped3A_55 = tpu.sem_alloc : memref<!tpu.dma_semaphore, #tpu.memory_space<semaphore_mem>>
      %dma_start3A = arith.constant 0 : i32
      %dma_start3A_56 = tpu.memref_slice %arg6[%arg0, %add3A_50, %dma_start3A] : memref<2x10240x128xf32, #tpu.memory_space<hbm>> -> memref<1x128x128xf32, #tpu.memory_space<hbm>>
      %dma_start3A_57 = tpu.memref_squeeze %dma_start3A_56 : memref<1x128x128xf32, #tpu.memory_space<hbm>> -> memref<128x128xf32, #tpu.memory_space<hbm>>
      %dma_start3A_58 = arith.constant 0 : i32
      %dma_start3A_59 = tpu.memref_slice %arg6[%arg0, %add3A_50, %dma_start3A_58] : memref<2x10240x128xf32, #tpu.memory_space<hbm>> -> memref<1x128x128xf32, #tpu.memory_space<hbm>>
      %dma_start3A_60 = tpu.memref_squeeze %dma_start3A_59 : memref<1x128x128xf32, #tpu.memory_space<hbm>> -> memref<128x128xf32, #tpu.memory_space<hbm>>
      tpu.enqueue_dma source(%arg7 : memref<128x128xf32, #tpu.memory_space<vmem>>) target(%dma_start3A_60 : memref<128x128xf32, #tpu.memory_space<hbm>>) target_semaphore(%run_scoped3A_55 : memref<!tpu.dma_semaphore, #tpu.memory_space<semaphore_mem>>)
      %dma_wait3A = arith.constant 0 : i32
      %dma_wait3A_61 = tpu.memref_slice %arg6[%arg0, %add3A_50, %dma_wait3A] : memref<2x10240x128xf32, #tpu.memory_space<hbm>> -> memref<1x128x128xf32, #tpu.memory_space<hbm>>
      %dma_wait3A_62 = tpu.memref_squeeze %dma_wait3A_61 : memref<1x128x128xf32, #tpu.memory_space<hbm>> -> memref<128x128xf32, #tpu.memory_space<hbm>>
      %dma_wait3A_63 = arith.constant 0 : i32
      %dma_wait3A_64 = tpu.memref_slice %arg6[%arg0, %add3A_50, %dma_wait3A_63] : memref<2x10240x128xf32, #tpu.memory_space<hbm>> -> memref<1x128x128xf32, #tpu.memory_space<hbm>>
      %dma_wait3A_65 = tpu.memref_squeeze %dma_wait3A_64 : memref<1x128x128xf32, #tpu.memory_space<hbm>> -> memref<128x128xf32, #tpu.memory_space<hbm>>
      tpu.wait_dma2 semaphore(%run_scoped3A_55 : memref<!tpu.dma_semaphore, #tpu.memory_space<semaphore_mem>>) src(%arg7 : memref<128x128xf32, #tpu.memory_space<vmem>>) dst(%dma_wait3A_65 : memref<128x128xf32, #tpu.memory_space<hbm>>)
      tpu.yield
    }) : () -> ()
    %mul3A_51 = arith.constant 640 : i32
    %mul3A_52 = arith.muli %arg1, %mul3A_51 : i32
    %add3A_53 = arith.constant 512 : i32
    %add3A_54 = arith.addi %mul3A_52, %add3A_53 : i32
    "tpu.region"() ({
      %run_scoped3A_55 = tpu.sem_alloc : memref<!tpu.dma_semaphore, #tpu.memory_space<semaphore_mem>>
      %dma_start3A = arith.constant 0 : i32
      %dma_start3A_56 = tpu.memref_slice %arg13[%add3A_54, %dma_start3A] : memref<10240x128xf32, #tpu.memory_space<vmem_shared>> -> memref<128x128xf32, #tpu.memory_space<vmem_shared>>
      %dma_start3A_57 = arith.constant 0 : i32
      %dma_start3A_58 = tpu.memref_slice %arg13[%add3A_54, %dma_start3A_57] : memref<10240x128xf32, #tpu.memory_space<vmem_shared>> -> memref<128x128xf32, #tpu.memory_space<vmem_shared>>
      tpu.enqueue_dma source(%dma_start3A_58 : memref<128x128xf32, #tpu.memory_space<vmem_shared>>) target(%arg7 : memref<128x128xf32, #tpu.memory_space<vmem>>) target_semaphore(%run_scoped3A_55 : memref<!tpu.dma_semaphore, #tpu.memory_space<semaphore_mem>>)
      %dma_wait3A = arith.constant 0 : i32
      %dma_wait3A_59 = tpu.memref_slice %arg13[%add3A_54, %dma_wait3A] : memref<10240x128xf32, #tpu.memory_space<vmem_shared>> -> memref<128x128xf32, #tpu.memory_space<vmem_shared>>
      %dma_wait3A_60 = arith.constant 0 : i32
      %dma_wait3A_61 = tpu.memref_slice %arg13[%add3A_54, %dma_wait3A_60] : memref<10240x128xf32, #tpu.memory_space<vmem_shared>> -> memref<128x128xf32, #tpu.memory_space<vmem_shared>>
      tpu.wait_dma2 semaphore(%run_scoped3A_55 : memref<!tpu.dma_semaphore, #tpu.memory_space<semaphore_mem>>) src(%dma_wait3A_61 : memref<128x128xf32, #tpu.memory_space<vmem_shared>>) dst(%arg7 : memref<128x128xf32, #tpu.memory_space<vmem>>)
      tpu.yield
    }) : () -> ()
    "tpu.region"() ({
      %run_scoped3A_55 = tpu.sem_alloc : memref<!tpu.dma_semaphore, #tpu.memory_space<semaphore_mem>>
      %dma_start3A = arith.constant 0 : i32
      %dma_start3A_56 = tpu.memref_slice %arg6[%arg0, %add3A_54, %dma_start3A] : memref<2x10240x128xf32, #tpu.memory_space<hbm>> -> memref<1x128x128xf32, #tpu.memory_space<hbm>>
      %dma_start3A_57 = tpu.memref_squeeze %dma_start3A_56 : memref<1x128x128xf32, #tpu.memory_space<hbm>> -> memref<128x128xf32, #tpu.memory_space<hbm>>
      %dma_start3A_58 = arith.constant 0 : i32
      %dma_start3A_59 = tpu.memref_slice %arg6[%arg0, %add3A_54, %dma_start3A_58] : memref<2x10240x128xf32, #tpu.memory_space<hbm>> -> memref<1x128x128xf32, #tpu.memory_space<hbm>>
      %dma_start3A_60 = tpu.memref_squeeze %dma_start3A_59 : memref<1x128x128xf32, #tpu.memory_space<hbm>> -> memref<128x128xf32, #tpu.memory_space<hbm>>
      tpu.enqueue_dma source(%arg7 : memref<128x128xf32, #tpu.memory_space<vmem>>) target(%dma_start3A_60 : memref<128x128xf32, #tpu.memory_space<hbm>>) target_semaphore(%run_scoped3A_55 : memref<!tpu.dma_semaphore, #tpu.memory_space<semaphore_mem>>)
      %dma_wait3A = arith.constant 0 : i32
      %dma_wait3A_61 = tpu.memref_slice %arg6[%arg0, %add3A_54, %dma_wait3A] : memref<2x10240x128xf32, #tpu.memory_space<hbm>> -> memref<1x128x128xf32, #tpu.memory_space<hbm>>
      %dma_wait3A_62 = tpu.memref_squeeze %dma_wait3A_61 : memref<1x128x128xf32, #tpu.memory_space<hbm>> -> memref<128x128xf32, #tpu.memory_space<hbm>>
      %dma_wait3A_63 = arith.constant 0 : i32
      %dma_wait3A_64 = tpu.memref_slice %arg6[%arg0, %add3A_54, %dma_wait3A_63] : memref<2x10240x128xf32, #tpu.memory_space<hbm>> -> memref<1x128x128xf32, #tpu.memory_space<hbm>>
      %dma_wait3A_65 = tpu.memref_squeeze %dma_wait3A_64 : memref<1x128x128xf32, #tpu.memory_space<hbm>> -> memref<128x128xf32, #tpu.memory_space<hbm>>
      tpu.wait_dma2 semaphore(%run_scoped3A_55 : memref<!tpu.dma_semaphore, #tpu.memory_space<semaphore_mem>>) src(%arg7 : memref<128x128xf32, #tpu.memory_space<vmem>>) dst(%dma_wait3A_65 : memref<128x128xf32, #tpu.memory_space<hbm>>)
      tpu.yield
    }) : () -> ()
    return
  }
}

module attributes {stable_mosaic.version = 14 : i64} {
  func.func @_k1_body(%arg0: i32, %arg1: memref<512x128xf32, #tpu.memory_space<vmem>>, %arg2: memref<128x128xf32, #tpu.memory_space<vmem>>, %arg3: memref<128x128xf32, #tpu.memory_space<vmem>>, %arg4: memref<128xf32, #tpu.memory_space<vmem>>, %arg5: memref<512x128xf32, #tpu.memory_space<vmem>>, %arg6: memref<512x128xf32, #tpu.memory_space<vmem>>) attributes {dimension_semantics = [#tpu.dimension_semantics<arbitrary>], iteration_bounds = array<i64: 20>, scalar_prefetch = 0 : i64, scratch_operands = 0 : i64, tpu.core_type = #tpu.core_type<tc>, window_params = [{transform_indices = @transform_0, window_bounds = array<i64: 512, 128>}, {pipeline_mode = #tpu.pipeline_mode<synchronous>, transform_indices = @transform_1, window_bounds = array<i64: 128, 128>}, {pipeline_mode = #tpu.pipeline_mode<synchronous>, transform_indices = @transform_2, window_bounds = array<i64: 128, 128>}, {pipeline_mode = #tpu.pipeline_mode<synchronous>, transform_indices = @transform_3, window_bounds = array<i64: 128>}, {transform_indices = @transform_4, window_bounds = array<i64: 512, 128>}, {transform_indices = @transform_5, window_bounds = array<i64: 512, 128>}]} {
    %get3A = arith.constant 0 : index
    %get3A_0 = arith.constant 0 : index
    %get3A_1 = vector.load %arg1[%get3A, %get3A_0] : memref<512x128xf32, #tpu.memory_space<vmem>>, vector<512x128xf32>
    %get3A_2 = arith.constant 0 : index
    %get3A_3 = arith.constant 0 : index
    %get3A_4 = vector.load %arg2[%get3A_2, %get3A_3] : memref<128x128xf32, #tpu.memory_space<vmem>>, vector<128x128xf32>
    %dot_general3A = arith.constant dense<0.000000e+00> : vector<512x128xf32>
    %dot_general3A_5 = tpu.matmul %get3A_1, %get3A_4, %dot_general3A {dimension_numbers = #tpu.dot_dimension_numbers<[1], [1], [0], [0], [0, 0, 1, 0], [], []>, transpose_lhs_hint = false} : vector<512x128xf32>, vector<128x128xf32>, vector<512x128xf32> -> vector<512x128xf32>
    %swap3A = arith.constant 0 : index
    %swap3A_6 = arith.constant 0 : index
    %swap3A_7 = vector.load %arg5[%swap3A, %swap3A_6] : memref<512x128xf32, #tpu.memory_space<vmem>>, vector<512x128xf32>
    tpu.vector_store %arg5[%swap3A, %swap3A_6], %dot_general3A_5 {strides = array<i32>} : memref<512x128xf32, #tpu.memory_space<vmem>>, vector<512x128xf32>,
    %get3A_8 = arith.constant 0 : index
    %get3A_9 = arith.constant 0 : index
    %get3A_10 = vector.load %arg3[%get3A_8, %get3A_9] : memref<128x128xf32, #tpu.memory_space<vmem>>, vector<128x128xf32>
    %dot_general3A_11 = arith.constant dense<0.000000e+00> : vector<512x128xf32>
    %dot_general3A_12 = tpu.matmul %get3A_1, %get3A_10, %dot_general3A_11 {dimension_numbers = #tpu.dot_dimension_numbers<[1], [1], [0], [0], [0, 0, 1, 0], [], []>, transpose_lhs_hint = false} : vector<512x128xf32>, vector<128x128xf32>, vector<512x128xf32> -> vector<512x128xf32>
    %get3A_13 = arith.constant 0 : index
    %get3A_14 = vector.load %arg4[%get3A_13] : memref<128xf32, #tpu.memory_space<vmem>>, vector<128xf32>
    %broadcast_in_dim3A = vector.shape_cast %get3A_14 : vector<128xf32> to vector<1x128xf32>
    %add3A = vector.broadcast %broadcast_in_dim3A : vector<1x128xf32> to vector<512x128xf32>
    %add3A_15 = arith.addf %dot_general3A_12, %add3A : vector<512x128xf32>
    %swap3A_16 = arith.constant 0 : index
    %swap3A_17 = arith.constant 0 : index
    %swap3A_18 = vector.load %arg6[%swap3A_16, %swap3A_17] : memref<512x128xf32, #tpu.memory_space<vmem>>, vector<512x128xf32>
    tpu.vector_store %arg6[%swap3A_16, %swap3A_17], %add3A_15 {strides = array<i32>} : memref<512x128xf32, #tpu.memory_space<vmem>>, vector<512x128xf32>,
    return
  }
  func.func @transform_0(%arg0: i32) -> (i32, i32) {
    %c0_i32 = arith.constant 0 : i32
    %c0_i32_0 = arith.constant 0 : i32
    return %arg0, %c0_i32 : i32, i32
  }
  func.func @transform_1(%arg0: i32) -> (i32, i32) {
    %c0_i32 = arith.constant 0 : i32
    %c0_i32_0 = arith.constant 0 : i32
    %c0_i32_1 = arith.constant 0 : i32
    return %c0_i32, %c0_i32_0 : i32, i32
  }
  func.func @transform_2(%arg0: i32) -> (i32, i32) {
    %c0_i32 = arith.constant 0 : i32
    %c0_i32_0 = arith.constant 0 : i32
    %c0_i32_1 = arith.constant 0 : i32
    return %c0_i32, %c0_i32_0 : i32, i32
  }
  func.func @transform_3(%arg0: i32) -> i32 {
    %c0_i32 = arith.constant 0 : i32
    %c0_i32_0 = arith.constant 0 : i32
    return %c0_i32 : i32
  }
  func.func @transform_4(%arg0: i32) -> (i32, i32) {
    %c0_i32 = arith.constant 0 : i32
    %c0_i32_0 = arith.constant 0 : i32
    return %arg0, %c0_i32 : i32, i32
  }
  func.func @transform_5(%arg0: i32) -> (i32, i32) {
    %c0_i32 = arith.constant 0 : i32
    %c0_i32_0 = arith.constant 0 : i32
    return %arg0, %c0_i32 : i32, i32
  }
}

module attributes {stable_mosaic.version = 14 : i64} {
  func.func @_k2_body(%arg0: i32, %arg1: memref<2x512x128xf32, #tpu.memory_space<vmem>>, %arg2: memref<2x512xf32, #tpu.memory_space<vmem>>, %arg3: memref<512x128xf32, #tpu.memory_space<vmem>>, %arg4: memref<128x128xf32, #tpu.memory_space<vmem>>, %arg5: memref<128x128xf32, #tpu.memory_space<vmem>>, %arg6: memref<128xf32, #tpu.memory_space<vmem>>, %arg7: memref<512x128xf32, #tpu.memory_space<vmem>>, %arg8: memref<512x128xf32, #tpu.memory_space<vmem>>, %arg9: memref<512xf32, #tpu.memory_space<vmem>>) attributes {dimension_semantics = [#tpu.dimension_semantics<arbitrary>], iteration_bounds = array<i64: 20>, scalar_prefetch = 0 : i64, scratch_operands = 0 : i64, tpu.core_type = #tpu.core_type<tc>, window_params = [{transform_indices = @transform_0, window_bounds = array<i64: 2, 512, 128>}, {transform_indices = @transform_1, window_bounds = array<i64: 2, 512>}, {transform_indices = @transform_2, window_bounds = array<i64: 512, 128>}, {pipeline_mode = #tpu.pipeline_mode<synchronous>, transform_indices = @transform_3, window_bounds = array<i64: 128, 128>}, {pipeline_mode = #tpu.pipeline_mode<synchronous>, transform_indices = @transform_4, window_bounds = array<i64: 128, 128>}, {pipeline_mode = #tpu.pipeline_mode<synchronous>, transform_indices = @transform_5, window_bounds = array<i64: 128>}, {transform_indices = @transform_6, window_bounds = array<i64: 512, 128>}, {transform_indices = @transform_7, window_bounds = array<i64: 512, 128>}, {transform_indices = @transform_8, window_bounds = array<i64: 512>}]} {
    %get3A = arith.constant 0 : index
    %get3A_0 = arith.constant 0 : index
    %get3A_1 = vector.load %arg2[%get3A, %get3A_0] : memref<2x512xf32, #tpu.memory_space<vmem>>, vector<1x512xf32>
    %get3A_2 = vector.shape_cast %get3A_1 : vector<1x512xf32> to vector<512xf32>
    %get3A_3 = arith.constant 1 : index
    %get3A_4 = arith.constant 0 : index
    %get3A_5 = vector.load %arg2[%get3A_3, %get3A_4] : memref<2x512xf32, #tpu.memory_space<vmem>>, vector<1x512xf32>
    %get3A_6 = vector.shape_cast %get3A_5 : vector<1x512xf32> to vector<512xf32>
    %add3A = arith.addf %get3A_2, %get3A_6 : vector<512xf32>
    %max3A = arith.constant 1.000000e+00 : f32
    %max3A_7 = vector.broadcast %max3A : f32 to vector<512xf32>
    %max3A_8 = arith.maximumf %add3A, %max3A_7 : vector<512xf32>
    %div3A = arith.constant 1.000000e+00 : f32
    %div3A_9 = vector.broadcast %div3A : f32 to vector<512xf32>
    %div3A_10 = arith.divf %div3A_9, %max3A_8 : vector<512xf32>
    %get3A_11 = arith.constant 0 : index
    %get3A_12 = arith.constant 0 : index
    %get3A_13 = arith.constant 0 : index
    %get3A_14 = vector.load %arg1[%get3A_11, %get3A_12, %get3A_13] : memref<2x512x128xf32, #tpu.memory_space<vmem>>, vector<1x512x128xf32>
    %get3A_15 = vector.shape_cast %get3A_14 : vector<1x512x128xf32> to vector<512x128xf32>
    %get3A_16 = arith.constant 1 : index
    %get3A_17 = arith.constant 0 : index
    %get3A_18 = arith.constant 0 : index
    %get3A_19 = vector.load %arg1[%get3A_16, %get3A_17, %get3A_18] : memref<2x512x128xf32, #tpu.memory_space<vmem>>, vector<1x512x128xf32>
    %get3A_20 = vector.shape_cast %get3A_19 : vector<1x512x128xf32> to vector<512x128xf32>
    %add3A_21 = arith.addf %get3A_15, %get3A_20 : vector<512x128xf32>
    %broadcast_in_dim3A = vector.shape_cast %div3A_10 : vector<512xf32> to vector<512x1xf32>
    %mul3A = vector.broadcast %broadcast_in_dim3A : vector<512x1xf32> to vector<512x128xf32>
    %mul3A_22 = arith.mulf %add3A_21, %mul3A : vector<512x128xf32>
    %get3A_23 = arith.constant 0 : index
    %get3A_24 = arith.constant 0 : index
    %get3A_25 = vector.load %arg3[%get3A_23, %get3A_24] : memref<512x128xf32, #tpu.memory_space<vmem>>, vector<512x128xf32>
    %add3A_26 = arith.addf %mul3A_22, %get3A_25 : vector<512x128xf32>
    %max3A_27 = arith.constant 0.000000e+00 : f32
    %max3A_28 = vector.broadcast %max3A_27 : f32 to vector<512x128xf32>
    %max3A_29 = arith.maximumf %add3A_26, %max3A_28 : vector<512x128xf32>
    %get3A_30 = arith.constant 0 : index
    %get3A_31 = arith.constant 0 : index
    %get3A_32 = vector.load %arg4[%get3A_30, %get3A_31] : memref<128x128xf32, #tpu.memory_space<vmem>>, vector<128x128xf32>
    %dot_general3A = arith.constant dense<0.000000e+00> : vector<512x128xf32>
    %dot_general3A_33 = tpu.matmul %max3A_29, %get3A_32, %dot_general3A {dimension_numbers = #tpu.dot_dimension_numbers<[1], [1], [0], [0], [0, 0, 1, 0], [], []>, transpose_lhs_hint = false} : vector<512x128xf32>, vector<128x128xf32>, vector<512x128xf32> -> vector<512x128xf32>
    %swap3A = arith.constant 0 : index
    %swap3A_34 = arith.constant 0 : index
    %swap3A_35 = vector.load %arg7[%swap3A, %swap3A_34] : memref<512x128xf32, #tpu.memory_space<vmem>>, vector<512x128xf32>
    tpu.vector_store %arg7[%swap3A, %swap3A_34], %dot_general3A_33 {strides = array<i32>} : memref<512x128xf32, #tpu.memory_space<vmem>>, vector<512x128xf32>,
    %get3A_36 = arith.constant 0 : index
    %get3A_37 = arith.constant 0 : index
    %get3A_38 = vector.load %arg5[%get3A_36, %get3A_37] : memref<128x128xf32, #tpu.memory_space<vmem>>, vector<128x128xf32>
    %dot_general3A_39 = arith.constant dense<0.000000e+00> : vector<512x128xf32>
    %dot_general3A_40 = tpu.matmul %max3A_29, %get3A_38, %dot_general3A_39 {dimension_numbers = #tpu.dot_dimension_numbers<[1], [1], [0], [0], [0, 0, 1, 0], [], []>, transpose_lhs_hint = false} : vector<512x128xf32>, vector<128x128xf32>, vector<512x128xf32> -> vector<512x128xf32>
    %get3A_41 = arith.constant 0 : index
    %get3A_42 = vector.load %arg6[%get3A_41] : memref<128xf32, #tpu.memory_space<vmem>>, vector<128xf32>
    %broadcast_in_dim3A_43 = vector.shape_cast %get3A_42 : vector<128xf32> to vector<1x128xf32>
    %add3A_44 = vector.broadcast %broadcast_in_dim3A_43 : vector<1x128xf32> to vector<512x128xf32>
    %add3A_45 = arith.addf %dot_general3A_40, %add3A_44 : vector<512x128xf32>
    %swap3A_46 = arith.constant 0 : index
    %swap3A_47 = arith.constant 0 : index
    %swap3A_48 = vector.load %arg8[%swap3A_46, %swap3A_47] : memref<512x128xf32, #tpu.memory_space<vmem>>, vector<512x128xf32>
    tpu.vector_store %arg8[%swap3A_46, %swap3A_47], %add3A_45 {strides = array<i32>} : memref<512x128xf32, #tpu.memory_space<vmem>>, vector<512x128xf32>,
    %swap3A_49 = arith.constant 0 : index
    %swap3A_50 = vector.load %arg9[%swap3A_49] : memref<512xf32, #tpu.memory_space<vmem>>, vector<512xf32>
    tpu.vector_store %arg9[%swap3A_49], %div3A_10 {strides = array<i32>} : memref<512xf32, #tpu.memory_space<vmem>>, vector<512xf32>,
    return
  }
  func.func @transform_0(%arg0: i32) -> (i32, i32, i32) {
    %c0_i32 = arith.constant 0 : i32
    %c0_i32_0 = arith.constant 0 : i32
    %c0_i32_1 = arith.constant 0 : i32
    return %c0_i32, %arg0, %c0_i32_0 : i32, i32, i32
  }
  func.func @transform_1(%arg0: i32) -> (i32, i32) {
    %c0_i32 = arith.constant 0 : i32
    %c0_i32_0 = arith.constant 0 : i32
    return %c0_i32, %arg0 : i32, i32
  }
  func.func @transform_2(%arg0: i32) -> (i32, i32) {
    %c0_i32 = arith.constant 0 : i32
    %c0_i32_0 = arith.constant 0 : i32
    return %arg0, %c0_i32 : i32, i32
  }
  func.func @transform_3(%arg0: i32) -> (i32, i32) {
    %c0_i32 = arith.constant 0 : i32
    %c0_i32_0 = arith.constant 0 : i32
    %c0_i32_1 = arith.constant 0 : i32
    return %c0_i32, %c0_i32_0 : i32, i32
  }
  func.func @transform_4(%arg0: i32) -> (i32, i32) {
    %c0_i32 = arith.constant 0 : i32
    %c0_i32_0 = arith.constant 0 : i32
    %c0_i32_1 = arith.constant 0 : i32
    return %c0_i32, %c0_i32_0 : i32, i32
  }
  func.func @transform_5(%arg0: i32) -> i32 {
    %c0_i32 = arith.constant 0 : i32
    %c0_i32_0 = arith.constant 0 : i32
    return %c0_i32 : i32
  }
  func.func @transform_6(%arg0: i32) -> (i32, i32) {
    %c0_i32 = arith.constant 0 : i32
    %c0_i32_0 = arith.constant 0 : i32
    return %arg0, %c0_i32 : i32, i32
  }
  func.func @transform_7(%arg0: i32) -> (i32, i32) {
    %c0_i32 = arith.constant 0 : i32
    %c0_i32_0 = arith.constant 0 : i32
    return %arg0, %c0_i32 : i32, i32
  }
  func.func @transform_8(%arg0: i32) -> i32 {
    %c0_i32 = arith.constant 0 : i32
    return %arg0 : i32
  }
}

module attributes {stable_mosaic.version = 14 : i64} {
  func.func @_k3_body(%arg0: i32, %arg1: memref<2x512x128xf32, #tpu.memory_space<vmem>>, %arg2: memref<512xf32, #tpu.memory_space<vmem>>, %arg3: memref<512x128xf32, #tpu.memory_space<vmem>>, %arg4: memref<512x128xf32, #tpu.memory_space<vmem>>) attributes {dimension_semantics = [#tpu.dimension_semantics<arbitrary>], iteration_bounds = array<i64: 20>, scalar_prefetch = 0 : i64, scratch_operands = 0 : i64, tpu.core_type = #tpu.core_type<tc>, window_params = [{transform_indices = @transform_0, window_bounds = array<i64: 2, 512, 128>}, {transform_indices = @transform_1, window_bounds = array<i64: 512>}, {transform_indices = @transform_2, window_bounds = array<i64: 512, 128>}, {transform_indices = @transform_3, window_bounds = array<i64: 512, 128>}]} {
    %get3A = arith.constant 0 : index
    %get3A_0 = arith.constant 0 : index
    %get3A_1 = arith.constant 0 : index
    %get3A_2 = vector.load %arg1[%get3A, %get3A_0, %get3A_1] : memref<2x512x128xf32, #tpu.memory_space<vmem>>, vector<1x512x128xf32>
    %get3A_3 = vector.shape_cast %get3A_2 : vector<1x512x128xf32> to vector<512x128xf32>
    %get3A_4 = arith.constant 1 : index
    %get3A_5 = arith.constant 0 : index
    %get3A_6 = arith.constant 0 : index
    %get3A_7 = vector.load %arg1[%get3A_4, %get3A_5, %get3A_6] : memref<2x512x128xf32, #tpu.memory_space<vmem>>, vector<1x512x128xf32>
    %get3A_8 = vector.shape_cast %get3A_7 : vector<1x512x128xf32> to vector<512x128xf32>
    %add3A = arith.addf %get3A_3, %get3A_8 : vector<512x128xf32>
    %get3A_9 = arith.constant 0 : index
    %get3A_10 = vector.load %arg2[%get3A_9] : memref<512xf32, #tpu.memory_space<vmem>>, vector<512xf32>
    %broadcast_in_dim3A = vector.shape_cast %get3A_10 : vector<512xf32> to vector<512x1xf32>
    %mul3A = vector.broadcast %broadcast_in_dim3A : vector<512x1xf32> to vector<512x128xf32>
    %mul3A_11 = arith.mulf %add3A, %mul3A : vector<512x128xf32>
    %get3A_12 = arith.constant 0 : index
    %get3A_13 = arith.constant 0 : index
    %get3A_14 = vector.load %arg3[%get3A_12, %get3A_13] : memref<512x128xf32, #tpu.memory_space<vmem>>, vector<512x128xf32>
    %add3A_15 = arith.addf %mul3A_11, %get3A_14 : vector<512x128xf32>
    %swap3A = arith.constant 0 : index
    %swap3A_16 = arith.constant 0 : index
    %swap3A_17 = vector.load %arg4[%swap3A, %swap3A_16] : memref<512x128xf32, #tpu.memory_space<vmem>>, vector<512x128xf32>
    tpu.vector_store %arg4[%swap3A, %swap3A_16], %add3A_15 {strides = array<i32>} : memref<512x128xf32, #tpu.memory_space<vmem>>, vector<512x128xf32>,
    return
  }
  func.func @transform_0(%arg0: i32) -> (i32, i32, i32) {
    %c0_i32 = arith.constant 0 : i32
    %c0_i32_0 = arith.constant 0 : i32
    %c0_i32_1 = arith.constant 0 : i32
    return %c0_i32, %arg0, %c0_i32_0 : i32, i32, i32
  }
  func.func @transform_1(%arg0: i32) -> i32 {
    %c0_i32 = arith.constant 0 : i32
    return %arg0 : i32
  }
  func.func @transform_2(%arg0: i32) -> (i32, i32) {
    %c0_i32 = arith.constant 0 : i32
    %c0_i32_0 = arith.constant 0 : i32
    return %arg0, %c0_i32 : i32, i32
  }
  func.func @transform_3(%arg0: i32) -> (i32, i32) {
    %c0_i32 = arith.constant 0 : i32
    %c0_i32_0 = arith.constant 0 : i32
    return %arg0, %c0_i32 : i32, i32
  }
}

</mosaic_0001>

<sc_bundles>
// kernel: kernel.10.cloned.1.call-start
scs
__scs_entry_jumppad:
0x0: {  	(pc) =	sbr.rel $0x88, $3  }
0x1: {  	(tag) =	ssettag $0x0;
	lr =	simm.s32 $0x1  }
0x2: {  	[smem:$0x3F99] =	sst lr;
	_ =	strace $0xD0000000  }
0x3: {  	_ = 	snop  }
0x4: {  	_ = 	snop  }
0x5: {  	_ = 	snop  }
0x6: {  	_ = 	snop  }
0x7: {  	_ = 	snop  }
__scs_overlays_trampoline_lowered:
0x8: {  	[smem:$0x3FA8] =	sst s0  }
0x9: {  	[smem:$0x3FA9] =	sst s1  }
0xa: {  	[smem:$0x3FAA] =	sst s2  }
0xb: {  	[smem:$0x3FAB] =	sst s3  }
0xc: {  	[smem:$0x3FAC] =	sst s4  }
0xd: {  	[smem:$0x3FAD] =	sst s5  }
0xe: {  	[smem:$0x3FAE] =	sst s6  }
0xf: {  	[smem:$0x3FAF] =	sst s7  }
0x10: {  	[smem:$0x3FB0] =	sst s8  }
0x11: {  	[smem:$0x3FB1] =	sst s9;
	s0 =	simm.s32 @!p0 $0x0  }
0x12: {  	s1 =	sld [smem:$0x3F97];
	s0 =	simm.s32 @p0 $0x1  }
0x13: {  	[smem:$0x3FB2] =	sst s0;
	s0 =	simm.s32 @!p1 $0x0  }
0x14: {  	s2 =	sld [smem:$0x3F96];
	s0 =	simm.s32 @p1 $0x1  }
0x15: {  	[smem:$0x3FB3] =	sst s0;
	s0 =	simm.s32 @!p2 $0x0  }
0x16: {  	s3 =	sld [smem:$0x3FDB];
	s0 =	simm.s32 @p2 $0x1  }
0x17: {  	s4 =	simm.s32 $0x1BF5;
	[smem:$0x3FB5] =	sst s0  }
0x18: {  	s0 =	sld [smem:$0x3F98];
	_ =	swait.ge [sflag:s4], $0x0  }
0x19: {  	s7 =	sld [smem:$0x3F99]  }
0x1a: {  	s8 =	sadd.s32 $0xFFFFE003, lr  }
0x1b: {  	s9 =	sadd.s32 $0xFFFFFEF7, lr;
	s5 =	simm.s32 $0xFFFFFFFF;
	p2 =	slt.u32 s8, $0xFFFFF086  }
0x1c: {  	p1 =	slt.u32 s9, $0xF7A;
	s5 =	simm.s32 @!p2 $0x0  }
0x1d: {  	s5 =	simm.s32 @p1 $0x1;
	p0 =	seq.s32 s7, s2  }
0x1e: {  	s7 =	smul.u32 @!p0 $0xF7A, s2;
	p2 =	seq.s32 @!p0 s5, $0x0  }
0x1f: {  	s9 =	smul.u32 $0xF7A, s1;
	s8 =	simm.s32 @!p0 $0x1BF5;
	p2 =	por !p2, p0  }
0x20: {  	[sflag:s8] =	ssyncset.s32 @!p0 $0xFFFFF086;
	s6 =	sadd.s32 @!p0 s3, s7;
	s7 =	simm.s32 @!p0 $0x108  }
0x21: {  	s3 =	sadd.s32 s3, s9;
	s6 =	sadd.s32 @!p0 $0x88, s6;
	s7 =	simm.s32 @p2 $0x1082  }
0x22: {  	[simem:s7], [sflag:s8] =	dma.local @!p0 [hbm:s6], $0xF7A  }
0x23: {  	s9 =	sor.u32 $0xD0000000, s2;
	s6 =	simm.s32 $0x108;
	_ =	swait.ge @!p0 [sflag:s8], $0x0  }
0x24: {  	s3 =	sadd.s32 $0x88, s3;
	s6 =	simm.s32 @!p1 $0x1082;
	[sflag:s4] =	ssyncset.s32 $0xFFFFF086  }
0x25: {  	[simem:s6], [sflag:s4] =	dma.local [hbm:s3], $0xF7A  }
0x26: {  	[smem:$0x3F99] =	sst s1;
	(tag) =	ssettag s2;
	_ =	strace s9  }
0x27: {  	s1 =	sld [smem:$0x3FA9]  }
0x28: {  	s2 =	sld [smem:$0x3FAA]  }
0x29: {  	s4 =	sld [smem:$0x3FAC]  }
0x2a: {  	p0 =	seq.s32 s5, $0x0;
	s5 =	sld [smem:$0x3FAD]  }
0x2b: {  	s6 =	sld [smem:$0x3FAE]  }
0x2c: {  	s7 =	sld [smem:$0x3FAF]  }
0x2d: {  	s3 =	simm.s32 $0x108;
	s8 =	sld [smem:$0x3FB0]  }
0x2e: {  	s3 =	simm.s32 @!p0 $0x1082;
	s9 =	sld [smem:$0x3FB1]  }
0x2f: {  	lr =	sadd.s32 s0, s3;
	s0 =	sld [smem:$0x3FA8]  }
0x30: {  	s3 =	sld [smem:$0x3FAB]  }
0x31: {  	[smem:$0x3FB4] =	sst s10  }
0x32: {  	s10 =	sld [smem:$0x3FB2];
	_ =	sdelay $0x3  }
0x33: {  	p0 =	seq.s32 s10, $0x1;
	s10 =	sld [smem:$0x3FB4];
	_ =	sdelay $0x3  }
0x34: {  	[smem:$0x3FB4] =	sst s10  }
0x35: {  	s10 =	sld [smem:$0x3FB3];
	_ =	sdelay $0x3  }
0x36: {  	p1 =	seq.s32 s10, $0x1;
	s10 =	sld [smem:$0x3FB4];
	_ =	sdelay $0x3  }
0x37: {  	[smem:$0x3FB4] =	sst s10  }
0x38: {  	s10 =	sld [smem:$0x3FB5]  }
0x39: {  	_ = 	snop;
	(pc) =	sbr.ind lr, $3  }
0x3a: {  	_ = 	snop  }
0x3b: {  	_ = 	snop  }
0x3c: {  	p2 =	seq.s32 s10, $0x1;
	s10 =	sld [smem:$0x3FB4]  }
0x3d: {  	_ =	shalt  }
0x3e: {  	_ =	shalt  }
0x3f: {  	_ =	shalt  }
0x40: {  	_ =	shalt  }
0x41: {  	_ =	shalt  }
0x42: {  	_ =	shalt  }
0x43: {  	_ =	shalt  }
0x44: {  	_ =	shalt  }
0x45: {  	_ =	shalt  }
0x46: {  	_ =	shalt  }
0x47: {  	_ =	shalt  }
0x48: {  	_ =	shalt  }
0x49: {  	_ =	shalt  }
0x4a: {  	_ =	shalt  }
0x4b: {  	_ =	shalt  }
0x4c: {  	_ =	shalt  }
0x4d: {  	_ =	shalt  }
0x4e: {  	_ =	shalt  }
0x4f: {  	_ =	shalt  }
0x50: {  	_ =	shalt  }
0x51: {  	_ =	shalt  }
0x52: {  	_ =	shalt  }
0x53: {  	_ =	shalt  }
0x54: {  	_ =	shalt  }
0x55: {  	_ =	shalt  }
0x56: {  	_ =	shalt  }
0x57: {  	_ =	shalt  }
0x58: {  	_ =	shalt  }
0x59: {  	_ =	shalt  }
0x5a: {  	_ =	shalt  }
0x5b: {  	_ =	shalt  }
0x5c: {  	_ =	shalt  }
0x5d: {  	_ =	shalt  }
0x5e: {  	_ =	shalt  }
0x5f: {  	_ =	shalt  }
0x60: {  	_ =	shalt  }
0x61: {  	_ =	shalt  }
0x62: {  	_ =	shalt  }
0x63: {  	_ =	shalt  }
0x64: {  	_ =	shalt  }
0x65: {  	_ =	shalt  }
0x66: {  	_ =	shalt  }
0x67: {  	_ =	shalt  }
0x68: {  	_ =	shalt  }
0x69: {  	_ =	shalt  }
0x6a: {  	_ =	shalt  }
0x6b: {  	_ =	shalt  }
0x6c: {  	_ =	shalt  }
0x6d: {  	_ =	shalt  }
0x6e: {  	_ =	shalt  }
0x6f: {  	_ =	shalt  }
0x70: {  	_ =	shalt  }
0x71: {  	_ =	shalt  }
0x72: {  	_ =	shalt  }
0x73: {  	_ =	shalt  }
0x74: {  	_ =	shalt  }
0x75: {  	_ =	shalt  }
0x76: {  	_ =	shalt  }
0x77: {  	_ =	shalt  }
0x78: {  	_ =	shalt  }
0x79: {  	_ =	shalt  }
0x7a: {  	_ =	shalt  }
0x7b: {  	_ =	shalt  }
0x7c: {  	_ =	shalt  }
0x7d: {  	_ =	shalt  }
0x7e: {  	_ =	shalt  }
0x7f: {  	_ =	shalt  }
0x80: {  	_ =	shalt  }
0x81: {  	_ =	shalt  }
0x82: {  	_ =	shalt  }
0x83: {  	_ =	shalt  }
0x84: {  	_ =	shalt  }
0x85: {  	_ =	shalt  }
0x86: {  	_ =	shalt  }
0x87: {  	_ =	shalt  }
.Lfunc_end0:
.L_simem_size_0:
called_computation.1_lowered:
.L_overlay_start_0:
0x88: {  	s2 =	sld [smem:$0x3FD9]  }
0x89: {  	s3 =	sld [smem:$0x3FFE];
	_ =	sdelay $0x1  }
0x8a: {  	s1 =	srdreg.scid  }
0x8b: {  	s0 =	sand.u32 $0x1, s1  }
0x8c: {  	s17 =	sshll.u32 s0, $0xA;
	s2 =	sadd.s32 s3, s2  }
0x8d: {  	s2 =	sadd.s32 s2, s17  }
0x8e: {  	[smem:$0x3FC0] =	sst s2  }
0x8f: {  	_ = 	snop  }
0x90: {  	s2 =	sld [smem:$0x3FD0];
	(tm) =	ssettm $0x1  }
0x91: {  	s18 =	sld [smem:$0x3FFB];
	_ =	sdelay $0x3  }
0x92: {  	_ =	strace s18  }
0x93: {  	s3 =	sld [smem:$0x3FFC];
	_ =	sdelay $0x3  }
0x94: {  	_ =	strace s3  }
0x95: {  	s3 =	sld [smem:$0x3FFD];
	_ =	sdelay $0x3  }
0x96: {  	_ =	strace s3  }
0x97: {  	_ =	strace $0x8FFFFFFF  }
0x98: {  	s19 =	sld [smem:$0x3FDB];
	_ =	sdelay $0x1  }
0x99: {  	s4 =	simm.s32 $_scs_section_size  }
0x9a: {  	s5 =	simm.s32 $_size__tile_overlayer_lowered;
	s6 =	simm.s32 $_tile_overlayer_lowered  }
0x9b: {  	s22 =	simm.s32 $0x1BFF;
	s21 =	sshll.u32 s6, $0x1;
	s3 =	sadd.s32 s4, s19  }
0x9c: {  	s7 =	simm.s32 $0x0;
	s20 =	sshll.u32 s5, $0x1;
	s5 =	sadd.s32 s21, s3  }
0x9d: {  	[timem:s7], [sflag:s22] =	dma.local [hbm:s5], s20  }
0x9e: {  	_ =	swait.ge [sflag:s22], s20  }
0x9f: {  	s4 =	ssub.s32 $0x0, s20;
	[sflag:s22] =	ssyncset.done $0x0  }
0xa0: {  	[sflag:s22] =	ssyncadd.s32 s4;
	_ =	sdelay $0x1  }
0xa1: {  	s23 =	simm.s32 $0x1B8B  }
0xa2: {  	_ =	swait.ge [sflag:s23], $0x1  }
0xa3: {  	[sflag:s23] =	ssyncset.done $0x0  }
0xa4: {  	s25 =	simm.s32 $0x1B8E;
	s24 =	sld [smem:$0x3FFE];
	[sflag:s23] =	ssyncadd.s32 $0xFFFFFFFF  }
0xa5: {  	s26 =	simm.s32 $execute0_lowered;
	[smem:$0x3FD2] =	sst s25  }
0xa6: {  	s5 =	sshll.u32 s26, $0x1;
	_ =	strace $0x80000049;
	[dreg:$0x1] =	wrdreg $0xFFFFFFFF  }
0xa7: {  	s28 =	simm.s32 $_size_execute0_lowered;
	s3 =	sadd.s32 s3, s5;
	[dreg:$0x0] =	wrdreg $0x0  }
0xa8: {  	s5 =	sshll.u32 s28, $0x1;
	[dreg:$0x2] =	wrdreg s3  }
0xa9: {  	[dreg:$0x3] =	wrdreg s5  }
0xaa: {  	[dreg:$0x4] =	wrdreg $0xC0  }
0xab: {  	_ =	task [dreg:s7], $0x5FFFF  }
0xac: {  	[dreg:$0x1] =	wrdreg $0xFFFFFFFF  }
0xad: {  	[dreg:$0x0] =	wrdreg $0x60  }
0xae: {  	[dreg:$0x2] =	wrdreg s24  }
0xaf: {  	[dreg:$0x3] =	wrdreg s2  }
0xb0: {  	[dreg:$0x4] =	wrdreg $0x42000  }
0xb1: {  	[dreg:$0x5] =	wrdreg $0x9  }
0xb2: {  	_ =	task.clear_ibuf [dreg:s7], $0x6FFFF;
	_ =	strace $0x90000049  }
0xb3: {  	s29 =	simm.s32 $0x9;
	_ =	strace $0x8000004B  }
0xb4: {  	_ =	swait.ge [sflag:s29], $0x1  }
0xb5: {  	[sflag:s29] =	ssyncadd.s32 $0xFFFFFFFF  }
0xb6: {  	_ =	strace $0x9000004B  }
0xb7: {  	_ =	sfence  }
0xb8: {  	s30 =	sld [smem:$0x0];
	_ =	sdelay $0x2  }
0xb9: {  	s31 =	sshll.u32 s1, $0xD;
	s1 =	sshrl.u32 s1, $0x2  }
0xba: {  	s3 =	sand.u32 $0x4000, s31;
	s1 =	sadd.s32 s1, s30  }
0xbb: {  	s0 =	sor.u32 s3, s0;
	s1 =	sshll.u32 s1, $0x11  }
0xbc: {  	s0 =	sor.u32 s1, s0  }
0xbd: {  	s0 =	sadd.s32 $0x8F2B, s0  }
0xbe: {  	[sflag:s0] =	ssyncadd.remote.s32 $0x1  }
0xbf: {  	_ =	sfence.sel $0xFFFF  }
0xc0: {  	[dreg:$0x0] =	wrdreg $0xFFFFFFFF;
	(pc) =	sbr.abs _section_cstart, $3  }
0xc1: {  	[dreg:$0x1] =	wrdreg $0xFFFFFFFF  }
0xc2: {  	_ =	task.clear_ibuf [dreg:s7], $0x2FFFF;
	_ =	strace $0x9FFFFFFF  }
0xc3: {  	(tm) =	ssettm $0x7FFFFFFF  }
tec
execute0_lowered:
.L_overlay_start_1:
0x0: {  	(tag) =	ssettag $0x1  }
0x1: {  	s6 =	rddreg [dreg:$0x0]  }
0x2: {  	s20 =	rddreg [dreg:$0x1]  }
0x3: {  	s1 =	rddreg [dreg:$0x2];
	s2 =	simm.s32 $0x0;
	s5 =	srdreg.scid  }
0x4: {  	s0 =	stileid.u32;
	[smem:$0x7FF] =	sst s2  }
0x5: {  	s4 =	sadd.s32 $0xBC00, s6;
	s19 =	sadd.s32 $0x1E00, s6;
	s8 =	smul.u32 $0x50000, s0  }
0x6: {  	s9 =	sand.u32 $0x1, s5;
	s5 =	sadd.s32 $0x33C00, s6;
	s10 =	smul.u32 $0x14000, s0  }
0x7: {  	s14 =	sadd.s32 $0x34400, s6;
	p0 =	sgt.u32 s0, $0x1;
	s22 =	smul.u32 $0x4E2, s9  }
0x8: {  	_ =	strace $0x8000004A;
	s7 =	ssub.s32 $0x2, s9;
	s16 =	smul.u32 $0x140000, s9  }
0x9: {  	s24 =	sshrl.u32 s7, $0x1;
	s25 =	sshrl.u32 s8, $0x2;
	s11 =	sadd.s32 $0x4000, s10  }
0xa: {  	s12 =	sadd.s32 $0x8000, s10;
	s15 =	sadd.s32 $0xC000, s10;
	s17 =	sadd.s32 $0x10000, s10  }
0xb: {  	s21 =	ssub.s32 s7, s24;
	s6 =	sadd.s32 s25, s1;
	s7 =	sadd.s32 s11, s1  }
0xc: {  	s8 =	sadd.s32 s12, s1;
	s13 =	sadd.s32 s0, s22;
	s10 =	sadd.s32 s10, s16  }
0xd: {  	s11 =	sadd.s32 s16, s11;
	s12 =	sadd.s32 s16, s12;
	s26 =	sadd.s32 s16, s15  }
0xe: {  	s16 =	sadd.s32 s16, s17;
	s15 =	sadd.s32 s15, s1;
	s18 =	sshll.u32 s13, $0x4  }
0xf: {  	s9 =	sadd.s32 $0x20, s13;
	s10 =	sshrl.u32 s10, $0x3;
	s11 =	sshrl.u32 s11, $0x3  }
0x10: {  	s12 =	sshrl.u32 s12, $0x3;
	s13 =	sshrl.u32 s26, $0x3;
	s16 =	sshrl.u32 s16, $0x3  }
0x11: {  	s23 =	sand.u32 $0x70, s18;
	s10 =	sadd.s32 s14, s10;
	s11 =	sadd.s32 s14, s11  }
0x12: {  	s12 =	sadd.s32 s14, s12;
	s24 =	sshll.u32 s9, $0x4;
	s13 =	sadd.s32 s14, s13  }
0x13: {  	s14 =	sadd.s32 s14, s16;
	s25 =	sadd.s32 $0x100, s18;
	s24 =	sand.u32 $0x1FF80, s24  }
0x14: {  	s29 =	sand.u32 $0x1FF80, s25;
	s28 =	sadd.s32 s24, s19;
	s24 =	sadd.s32 s24, s20  }
0x15: {  	s25 =	sadd.s32 s29, s19;
	s16 =	sadd.s32 s23, s28;
	s24 =	sadd.s32 s23, s24  }
0x16: {  	s30 =	sadd.s32 s23, s25;
	[dreg:$0x6] =	wrdreg s16;
	s16 =	sadd.s32 s17, s1  }
0x17: {  	[dreg:$0x7] =	wrdreg s24;
	s17 =	sadd.s32 s19, s18;
	s18 =	sadd.s32 s20, s18  }
0x18: {  	s19 =	sadd.s32 $0x4E2, s22;
	s24 =	sadd.s32 s29, s20;
	s20 =	smax.u32 s21, $0x1  }
0x19: {  	[dreg:$0x4] =	wrdreg s30;
	s21 =	simm.s32 $0x2;
	s31 =	sadd.s32 s23, s24  }
0x1a: {  	s23 =	simm.s32 $0x4100;
	s24 =	simm.s32 $0x0;
	[dreg:$0x5] =	wrdreg s31  }
.LBB2_1:
0x1b: {  	[tilespmem:s2], [sflag:$0x2] =	stream.linear.gather [hbm4b:s5+s2], $0x4000, $0x38;
	[tilespmem:$0x18200] =	vst v63  }
0x1c: {  	_ =	swait.ge [sflag:s21], $0x4000  }
0x1d: {  	[sflag:s21] =	ssyncset.done $0x0  }
0x1e: {  	[sflag:s21] =	ssyncadd.s32 $0xFFFFC000  }
0x1f: {  	[spmem:s6] =	stream.linear.scatter [tilespmem:s2], [sflag:$0x2], $0x4000, $0x38;
	[tilespmem:$0x18200] =	vst v63  }
0x20: {  	_ =	swait.ge [sflag:s21], $0x4000  }
0x21: {  	[sflag:s21] =	ssyncset.done $0x0  }
0x22: {  	[sflag:s21] =	ssyncadd.s32 $0xFFFFC000  }
0x23: {  	[spmem:s7] =	stream.linear.scatter [tilespmem:s2], [sflag:$0x2], $0x4000, $0x38;
	[tilespmem:$0x18200] =	vst v63  }
0x24: {  	_ =	swait.ge [sflag:s21], $0x4000  }
0x25: {  	[sflag:s21] =	ssyncset.done $0x0  }
0x26: {  	[sflag:s21] =	ssyncadd.s32 $0xFFFFC000  }
0x27: {  	[spmem:s8] =	stream.linear.scatter [tilespmem:s2], [sflag:$0x2], $0x4000, $0x38;
	[tilespmem:$0x18200] =	vst v63  }
0x28: {  	_ =	swait.ge [sflag:s21], $0x4000  }
0x29: {  	[sflag:s21] =	ssyncset.done $0x0  }
0x2a: {  	[sflag:s21] =	ssyncadd.s32 $0xFFFFC000  }
0x2b: {  	[spmem:s15] =	stream.linear.scatter [tilespmem:s2], [sflag:$0x2], $0x4000, $0x38;
	[tilespmem:$0x18200] =	vst v63  }
0x2c: {  	_ =	swait.ge [sflag:s21], $0x4000  }
0x2d: {  	[sflag:s21] =	ssyncset.done $0x0  }
0x2e: {  	[sflag:s21] =	ssyncadd.s32 $0xFFFFC000  }
0x2f: {  	[spmem:s16] =	stream.linear.scatter [tilespmem:s2], [sflag:$0x2], $0x4000, $0x38;
	[tilespmem:$0x18200] =	vst v63  }
0x30: {  	_ =	swait.ge [sflag:s21], $0x4000  }
0x31: {  	[sflag:s21] =	ssyncset.done $0x0  }
0x32: {  	[sflag:s21] =	ssyncadd.s32 $0xFFFFC000  }
0x33: {  	s0 =	simm.s32 $0x4000;
	[bflag:$0x0] =	sbarrier.arrive $0xFFFF  }
0x34: {  	[tilespmem:s0], [sflag:$0x2] =	stream.linear.gather [hbm4b:s17+s2], $0x80, $0x38;
	[tilespmem:$0x18200] =	vst v63  }
0x35: {  	_ =	swait.ge [sflag:s21], $0x80  }
0x36: {  	[sflag:s21] =	ssyncset.done $0x0  }
0x37: {  	s25 =	sadd.s32 $0xFFFFFFF0, s9;
	[sflag:s21] =	ssyncadd.s32 $0xFFFFFF80  }
0x38: {  	[tilespmem:s23], [sflag:$0x2] =	stream.linear.gather [hbm4b:s18+s2], $0x80, $0x38;
	[tilespmem:$0x18200] =	vst v63  }
0x39: {  	p2 =	sge.u32 s25, s19;
	_ =	swait.ge [sflag:s21], $0x80  }
0x3a: {  	s25 =	simm.s32 @p2 $0x80;
	s26 =	simm.s32 @p2 $0x4000;
	[sflag:s21] =	ssyncset.done $0x0  }
0x3b: {  	s28 =	simm.s32 @p2 $0x0;
	s29 =	simm.s32 @p2 $0x2;
	[sflag:s21] =	ssyncadd.s32 $0xFFFFFF80  }
0x3c: {  	[tilespmem:s28], [sflag:$0x2] =	stream.indirect.gather @p2 [hbm4b:s4+s25], $0x80, s26, s25, $0xb8;
	[tilespmem:$0x18200] =	vst v63  }
0x3d: {  	_ =	swait.ge @p2 [sflag:s29], $0x4000  }
0x3e: {  	[sflag:s29] =	ssyncset.done @p2 $0x0  }
0x3f: {  	s26 =	simm.s32 @p2 $0x4100;
	[sflag:s29] =	ssyncadd.s32 @p2 $0xFFFFC000  }
0x40: {  	[spmem:s1] =	stream.indirect.scatter.add.f32 @p2 [tilespmem:s28], [sflag:$0x2], $0x80, s26, s25, $0xb8;
	[tilespmem:$0x18200] =	vst v63  }
0x41: {  	_ =	swait.ge @p2 [sflag:s29], $0x4000  }
0x42: {  	s25 =	rddreg [dreg:$0x4]  }
0x43: {  	s26 =	simm.s32 @!p2 $0x4080;
	[sflag:s29] =	ssyncset.done @p2 $0x0;
	s28 =	rddreg [dreg:$0x5]  }
0x44: {  	[sflag:s29] =	ssyncadd.s32 @p2 $0xFFFFC000;
	s29 =	simm.s32 @!p2 $0x0;
	s25 =	sadd.s32 @!p2 $0x0, s25  }
0x45: {  	[tilespmem:s26], [sflag:$0x1] =	stream.linear.gather @!p2 [hbm4b:s25+s29], $0x80, $0x38;
	[tilespmem:$0x18200] =	vst v63  }
0x46: {  	s25 =	sadd.s32 @!p2 $0x0, s28;
	s26 =	simm.s32 @!p2 $0x4180  }
0x47: {  	[tilespmem:s26], [sflag:$0x1] =	stream.linear.gather @!p2 [hbm4b:s25+s29], $0x80, $0x38;
	[tilespmem:$0x18200] =	vst v63  }
0x48: {  	s28 =	simm.s32 @!p2 $0x2;
	s25 =	simm.s32 @!p2 $0x80;
	s26 =	simm.s32 @!p2 $0x4000  }
0x49: {  	[tilespmem:s29], [sflag:$0x2] =	stream.indirect.gather @!p2 [hbm4b:s4+s25], $0x80, s26, s25, $0xb8;
	[tilespmem:$0x18200] =	vst v63  }
0x4a: {  	_ =	swait.ge @!p2 [sflag:s28], $0x4000  }
0x4b: {  	[sflag:s28] =	ssyncset.done @!p2 $0x0  }
0x4c: {  	s26 =	simm.s32 @!p2 $0x4100;
	[sflag:s28] =	ssyncadd.s32 @!p2 $0xFFFFC000  }
0x4d: {  	[spmem:s1] =	stream.indirect.scatter.add.f32 @!p2 [tilespmem:s29], [sflag:$0x2], $0x80, s26, s25, $0xb8;
	[tilespmem:$0x18200] =	vst v63  }
0x4e: {  	_ =	swait.ge @!p2 [sflag:s28], $0x4000  }
0x4f: {  	[sflag:s28] =	ssyncset.done @!p2 $0x0  }
0x50: {  	s25 =	simm.s32 @!p2 $0x1;
	[sflag:s28] =	ssyncadd.s32 @!p2 $0xFFFFC000  }
0x51: {  	_ =	swait.ge @!p2 [sflag:s25], $0x80  }
0x52: {  	[sflag:s25] =	ssyncset.done @!p2 $0x0  }
0x53: {  	[sflag:s25] =	ssyncadd.s32 @!p2 $0xFFFFFF80  }
0x54: {  	p1 =	sge.u32 s9, s19;
	_ =	swait.ge @!p2 [sflag:s25], $0x80  }
0x55: {  	s26 =	simm.s32 @p1 $0x80;
	s29 =	simm.s32 @p1 $0x2;
	[sflag:s25] =	ssyncset.done @!p2 $0x0  }
0x56: {  	s28 =	simm.s32 @p1 $0x4080;
	[sflag:s25] =	ssyncadd.s32 @!p2 $0xFFFFFF80;
	s25 =	simm.s32 @p1 $0x0  }
0x57: {  	[tilespmem:s25], [sflag:$0x2] =	stream.indirect.gather @p1 [hbm4b:s4+s26], $0x80, s28, s26, $0xb8;
	[tilespmem:$0x18200] =	vst v63  }
0x58: {  	_ =	swait.ge @p1 [sflag:s29], $0x4000  }
0x59: {  	[sflag:s29] =	ssyncset.done @p1 $0x0  }
0x5a: {  	s28 =	simm.s32 @p1 $0x4180;
	[sflag:s29] =	ssyncadd.s32 @p1 $0xFFFFC000  }
0x5b: {  	[spmem:s1] =	stream.indirect.scatter.add.f32 @p1 [tilespmem:s25], [sflag:$0x2], $0x80, s28, s26, $0xb8;
	[tilespmem:$0x18200] =	vst v63  }
0x5c: {  	_ =	swait.ge @p1 [sflag:s29], $0x4000  }
0x5d: {  	s25 =	rddreg [dreg:$0x6]  }
0x5e: {  	s28 =	simm.s32 @!p1 $0x0;
	[sflag:s29] =	ssyncset.done @p1 $0x0;
	s26 =	rddreg [dreg:$0x7]  }
0x5f: {  	[sflag:s29] =	ssyncadd.s32 @p1 $0xFFFFC000;
	s25 =	sadd.s32 @!p1 $0x0, s25;
	s29 =	simm.s32 @!p1 $0x4000  }
0x60: {  	[tilespmem:s29], [sflag:$0x1] =	stream.linear.gather @!p1 [hbm4b:s25+s28], $0x80, $0x38;
	[tilespmem:$0x18200] =	vst v63  }
0x61: {  	s26 =	sadd.s32 @!p1 $0x0, s26;
	s25 =	simm.s32 @!p1 $0x4100  }
0x62: {  	[tilespmem:s25], [sflag:$0x1] =	stream.linear.gather @!p1 [hbm4b:s26+s28], $0x80, $0x38;
	[tilespmem:$0x18200] =	vst v63  }
0x63: {  	s30 =	simm.s32 @!p1 $0x2;
	s25 =	simm.s32 @!p1 $0x80;
	s26 =	simm.s32 @!p1 $0x4080  }
0x64: {  	[tilespmem:s28], [sflag:$0x2] =	stream.indirect.gather @!p1 [hbm4b:s4+s25], $0x80, s26, s25, $0xb8;
	[tilespmem:$0x18200] =	vst v63  }
0x65: {  	_ =	swait.ge @!p1 [sflag:s30], $0x4000  }
0x66: {  	[sflag:s30] =	ssyncset.done @!p1 $0x0  }
0x67: {  	s26 =	simm.s32 @!p1 $0x4180;
	[sflag:s30] =	ssyncadd.s32 @!p1 $0xFFFFC000  }
0x68: {  	[spmem:s1] =	stream.indirect.scatter.add.f32 @!p1 [tilespmem:s28], [sflag:$0x2], $0x80, s26, s25, $0xb8;
	[tilespmem:$0x18200] =	vst v63  }
0x69: {  	_ =	swait.ge @!p1 [sflag:s30], $0x4000  }
0x6a: {  	[sflag:s30] =	ssyncset.done @!p1 $0x0  }
0x6b: {  	s29 =	simm.s32 @!p1 $0x1;
	[sflag:s30] =	ssyncadd.s32 @!p1 $0xFFFFC000  }
0x6c: {  	s26 =	sadd.s32 $0x20, s9;
	_ =	swait.ge @!p1 [sflag:s29], $0x80  }
0x6d: {  	s25 =	simm.s32 $0x200;
	s31 =	sadd.s32 $0xFFFFFFF0, s26;
	[sflag:s29] =	ssyncset.done @!p1 $0x0  }
0x6e: {  	s28 =	simm.s32 $0x400;
	p2 =	sge.u32 s31, s19;
	[sflag:s29] =	ssyncadd.s32 @!p1 $0xFFFFFF80  }
.LBB2_2:
0x6f: {  	_ =	swait.ge @!p1 [sflag:s29], $0x80  }
0x70: {  	s30 =	simm.s32 @p2 $0x80;
	s31 =	simm.s32 @p2 $0x4000;
	[sflag:s29] =	ssyncset.done @!p1 $0x0  }
0x71: {  	s0 =	simm.s32 @p2 $0x0;
	s3 =	simm.s32 @p2 $0x2;
	[sflag:s29] =	ssyncadd.s32 @!p1 $0xFFFFFF80  }
0x72: {  	[tilespmem:s0], [sflag:$0x2] =	stream.indirect.gather @p2 [hbm4b:s4+s30], $0x80, s31, s30, $0xb8;
	[tilespmem:$0x18200] =	vst v63  }
0x73: {  	_ =	swait.ge @p2 [sflag:s3], $0x4000  }
0x74: {  	[sflag:s3] =	ssyncset.done @p2 $0x0  }
0x75: {  	s31 =	simm.s32 @p2 $0x4100;
	[sflag:s3] =	ssyncadd.s32 @p2 $0xFFFFC000  }
0x76: {  	[spmem:s1] =	stream.indirect.scatter.add.f32 @p2 [tilespmem:s0], [sflag:$0x2], $0x80, s31, s30, $0xb8;
	[tilespmem:$0x18200] =	vst v63  }
0x77: {  	_ =	swait.ge @p2 [sflag:s3], $0x4000  }
0x78: {  	s0 =	rddreg [dreg:$0x4]  }
0x79: {  	s30 =	simm.s32 @!p2 $0x4080;
	[sflag:s3] =	ssyncset.done @p2 $0x0;
	s31 =	rddreg [dreg:$0x5]  }
0x7a: {  	[sflag:s3] =	ssyncadd.s32 @p2 $0xFFFFC000;
	s3 =	simm.s32 @!p2 $0x0;
	s0 =	sadd.s32 @!p2 s25, s0  }
0x7b: {  	[tilespmem:s30], [sflag:$0x1] =	stream.linear.gather @!p2 [hbm4b:s0+s3], $0x80, $0x38;
	[tilespmem:$0x18200] =	vst v63  }
0x7c: {  	s0 =	sadd.s32 @!p2 s25, s31;
	s30 =	simm.s32 @!p2 $0x4180  }
0x7d: {  	[tilespmem:s30], [sflag:$0x1] =	stream.linear.gather @!p2 [hbm4b:s0+s3], $0x80, $0x38;
	[tilespmem:$0x18200] =	vst v63  }
0x7e: {  	s31 =	simm.s32 @!p2 $0x2;
	s0 =	simm.s32 @!p2 $0x80;
	s30 =	simm.s32 @!p2 $0x4000  }
0x7f: {  	[tilespmem:s3], [sflag:$0x2] =	stream.indirect.gather @!p2 [hbm4b:s4+s0], $0x80, s30, s0, $0xb8;
	[tilespmem:$0x18200] =	vst v63  }
0x80: {  	_ =	swait.ge @!p2 [sflag:s31], $0x4000  }
0x81: {  	[sflag:s31] =	ssyncset.done @!p2 $0x0  }
0x82: {  	s30 =	simm.s32 @!p2 $0x4100;
	[sflag:s31] =	ssyncadd.s32 @!p2 $0xFFFFC000  }
0x83: {  	[spmem:s1] =	stream.indirect.scatter.add.f32 @!p2 [tilespmem:s3], [sflag:$0x2], $0x80, s30, s0, $0xb8;
	[tilespmem:$0x18200] =	vst v63  }
0x84: {  	_ =	swait.ge @!p2 [sflag:s31], $0x4000  }
0x85: {  	[sflag:s31] =	ssyncset.done @!p2 $0x0  }
0x86: {  	s0 =	simm.s32 @!p2 $0x1;
	[sflag:s31] =	ssyncadd.s32 @!p2 $0xFFFFC000  }
0x87: {  	_ =	swait.ge @!p2 [sflag:s0], $0x80  }
0x88: {  	[sflag:s0] =	ssyncset.done @!p2 $0x0  }
0x89: {  	[sflag:s0] =	ssyncadd.s32 @!p2 $0xFFFFFF80  }
0x8a: {  	p1 =	sge.u32 s26, s19;
	_ =	swait.ge @!p2 [sflag:s0], $0x80  }
0x8b: {  	s3 =	simm.s32 @p1 $0x80;
	s30 =	simm.s32 @p1 $0x4080;
	[sflag:s0] =	ssyncset.done @!p2 $0x0  }
0x8c: {  	s31 =	simm.s32 @p1 $0x2;
	[sflag:s0] =	ssyncadd.s32 @!p2 $0xFFFFFF80;
	s0 =	simm.s32 @p1 $0x0  }
0x8d: {  	[tilespmem:s0], [sflag:$0x2] =	stream.indirect.gather @p1 [hbm4b:s4+s3], $0x80, s30, s3, $0xb8;
	[tilespmem:$0x18200] =	vst v63  }
0x8e: {  	_ =	swait.ge @p1 [sflag:s31], $0x4000  }
0x8f: {  	[sflag:s31] =	ssyncset.done @p1 $0x0  }
0x90: {  	s30 =	simm.s32 @p1 $0x4180;
	[sflag:s31] =	ssyncadd.s32 @p1 $0xFFFFC000  }
0x91: {  	[spmem:s1] =	stream.indirect.scatter.add.f32 @p1 [tilespmem:s0], [sflag:$0x2], $0x80, s30, s3, $0xb8;
	[tilespmem:$0x18200] =	vst v63  }
0x92: {  	_ =	swait.ge @p1 [sflag:s31], $0x4000  }
0x93: {  	s0 =	rddreg [dreg:$0x6]  }
0x94: {  	s22 =	simm.s32 @!p1 $0x4000;
	[sflag:s31] =	ssyncset.done @p1 $0x0;
	s3 =	rddreg [dreg:$0x7]  }
0x95: {  	[sflag:s31] =	ssyncadd.s32 @p1 $0xFFFFC000;
	s0 =	sadd.s32 @!p1 s25, s0;
	s31 =	simm.s32 @!p1 $0x0  }
0x96: {  	[tilespmem:s22], [sflag:$0x1] =	stream.linear.gather @!p1 [hbm4b:s0+s31], $0x80, $0x38;
	[tilespmem:$0x18200] =	vst v63  }
0x97: {  	s30 =	simm.s32 @!p1 $0x4100;
	s0 =	sadd.s32 @!p1 s25, s3  }
0x98: {  	[tilespmem:s30], [sflag:$0x1] =	stream.linear.gather @!p1 [hbm4b:s0+s31], $0x80, $0x38;
	[tilespmem:$0x18200] =	vst v63  }
0x99: {  	s3 =	simm.s32 @!p1 $0x80;
	s22 =	simm.s32 @!p1 $0x4080;
	s0 =	simm.s32 @!p1 $0x2  }
0x9a: {  	[tilespmem:s31], [sflag:$0x2] =	stream.indirect.gather @!p1 [hbm4b:s4+s3], $0x80, s22, s3, $0xb8;
	[tilespmem:$0x18200] =	vst v63  }
0x9b: {  	_ =	swait.ge @!p1 [sflag:s0], $0x4000  }
0x9c: {  	s29 =	smov.u32 s28;
	[sflag:s0] =	ssyncset.done @!p1 $0x0  }
0x9d: {  	s28 =	sadd.s32 $0x200, s28;
	s22 =	simm.s32 @!p1 $0x4180;
	[sflag:s0] =	ssyncadd.s32 @!p1 $0xFFFFC000  }
0x9e: {  	[spmem:s1] =	stream.indirect.scatter.add.f32 @!p1 [tilespmem:s31], [sflag:$0x2], $0x80, s22, s3, $0xb8;
	[tilespmem:$0x18200] =	vst v63  }
0x9f: {  	p3 =	sne.s32 s28, $0x4E00;
	_ =	swait.ge @!p1 [sflag:s0], $0x4000  }
.Ltmp0:
0xa0: {  	[sflag:s0] =	ssyncset.done @!p1 $0x0;
	(pc) =	sbr.rel @p3 .LBB2_2-.Ltmp0, $4  }
0xa1: {  	s25 =	smov.u32 s29;
	s29 =	simm.s32 @!p1 $0x1;
	[sflag:s0] =	ssyncadd.s32 @!p1 $0xFFFFC000  }
0xa2: {  	s26 =	sadd.s32 $0x20, s26;
	_ =	swait.ge @!p1 [sflag:s29], $0x80  }
0xa3: {  	s31 =	sadd.s32 $0xFFFFFFF0, s26;
	[sflag:s29] =	ssyncset.done @!p1 $0x0  }
0xa4: {  	p2 =	sge.u32 s31, s19;
	[sflag:s29] =	ssyncadd.s32 @!p1 $0xFFFFFF80  }
0xa5: {  	_ =	swait.ge @!p1 [sflag:s29], $0x80  }
0xa6: {  	s0 =	simm.s32 @p2 $0x80;
	s3 =	simm.s32 @p2 $0x4000;
	[sflag:s29] =	ssyncset.done @!p1 $0x0  }
0xa7: {  	s22 =	simm.s32 @p2 $0x0;
	s28 =	simm.s32 @p2 $0x2;
	[sflag:s29] =	ssyncadd.s32 @!p1 $0xFFFFFF80  }
0xa8: {  	[tilespmem:s22], [sflag:$0x2] =	stream.indirect.gather @p2 [hbm4b:s4+s0], $0x80, s3, s0, $0xb8;
	[tilespmem:$0x18200] =	vst v63  }
0xa9: {  	_ =	swait.ge @p2 [sflag:s28], $0x4000  }
0xaa: {  	[sflag:s28] =	ssyncset.done @p2 $0x0  }
0xab: {  	s3 =	simm.s32 @p2 $0x4100;
	[sflag:s28] =	ssyncadd.s32 @p2 $0xFFFFC000  }
0xac: {  	[spmem:s1] =	stream.indirect.scatter.add.f32 @p2 [tilespmem:s22], [sflag:$0x2], $0x80, s3, s0, $0xb8;
	[tilespmem:$0x18200] =	vst v63  }
0xad: {  	_ =	swait.ge @p2 [sflag:s28], $0x4000  }
0xae: {  	s0 =	rddreg [dreg:$0x4]  }
0xaf: {  	s3 =	simm.s32 @!p2 $0x4080;
	[sflag:s28] =	ssyncset.done @p2 $0x0;
	s22 =	rddreg [dreg:$0x5]  }
0xb0: {  	[sflag:s28] =	ssyncadd.s32 @p2 $0xFFFFC000;
	s28 =	simm.s32 @!p2 $0x0;
	s0 =	sadd.s32 @!p2 s25, s0  }
0xb1: {  	[tilespmem:s3], [sflag:$0x1] =	stream.linear.gather @!p2 [hbm4b:s0+s28], $0x80, $0x38;
	[tilespmem:$0x18200] =	vst v63  }
0xb2: {  	s0 =	sadd.s32 @!p2 s25, s22;
	s3 =	simm.s32 @!p2 $0x4180  }
0xb3: {  	[tilespmem:s3], [sflag:$0x1] =	stream.linear.gather @!p2 [hbm4b:s0+s28], $0x80, $0x38;
	[tilespmem:$0x18200] =	vst v63  }
0xb4: {  	s22 =	simm.s32 @!p2 $0x2;
	s0 =	simm.s32 @!p2 $0x80;
	s3 =	simm.s32 @!p2 $0x4000  }
0xb5: {  	[tilespmem:s28], [sflag:$0x2] =	stream.indirect.gather @!p2 [hbm4b:s4+s0], $0x80, s3, s0, $0xb8;
	[tilespmem:$0x18200] =	vst v63  }
0xb6: {  	_ =	swait.ge @!p2 [sflag:s22], $0x4000  }
0xb7: {  	[sflag:s22] =	ssyncset.done @!p2 $0x0  }
0xb8: {  	s3 =	simm.s32 @!p2 $0x4100;
	[sflag:s22] =	ssyncadd.s32 @!p2 $0xFFFFC000  }
0xb9: {  	[spmem:s1] =	stream.indirect.scatter.add.f32 @!p2 [tilespmem:s28], [sflag:$0x2], $0x80, s3, s0, $0xb8;
	[tilespmem:$0x18200] =	vst v63  }
0xba: {  	_ =	swait.ge @!p2 [sflag:s22], $0x4000  }
0xbb: {  	[sflag:s22] =	ssyncset.done @!p2 $0x0  }
0xbc: {  	s0 =	simm.s32 @!p2 $0x1;
	[sflag:s22] =	ssyncadd.s32 @!p2 $0xFFFFC000  }
0xbd: {  	_ =	swait.ge @!p2 [sflag:s0], $0x80  }
0xbe: {  	[sflag:s0] =	ssyncset.done @!p2 $0x0  }
0xbf: {  	[sflag:s0] =	ssyncadd.s32 @!p2 $0xFFFFFF80  }
0xc0: {  	p1 =	sge.u32 s26, s19;
	_ =	swait.ge @!p2 [sflag:s0], $0x80  }
0xc1: {  	s26 =	simm.s32 @p1 $0x2;
	s3 =	simm.s32 @p1 $0x80;
	[sflag:s0] =	ssyncset.done @!p2 $0x0  }
0xc2: {  	s22 =	simm.s32 @p1 $0x4080;
	[sflag:s0] =	ssyncadd.s32 @!p2 $0xFFFFFF80;
	s0 =	simm.s32 @p1 $0x0  }
0xc3: {  	[tilespmem:s0], [sflag:$0x2] =	stream.indirect.gather @p1 [hbm4b:s4+s3], $0x80, s22, s3, $0xb8;
	[tilespmem:$0x18200] =	vst v63  }
0xc4: {  	_ =	swait.ge @p1 [sflag:s26], $0x4000  }
0xc5: {  	[sflag:s26] =	ssyncset.done @p1 $0x0  }
0xc6: {  	s22 =	simm.s32 @p1 $0x4180;
	[sflag:s26] =	ssyncadd.s32 @p1 $0xFFFFC000  }
0xc7: {  	[spmem:s1] =	stream.indirect.scatter.add.f32 @p1 [tilespmem:s0], [sflag:$0x2], $0x80, s22, s3, $0xb8;
	[tilespmem:$0x18200] =	vst v63  }
0xc8: {  	_ =	swait.ge @p1 [sflag:s26], $0x4000  }
0xc9: {  	s0 =	rddreg [dreg:$0x6]  }
0xca: {  	s22 =	simm.s32 @!p1 $0x0;
	[sflag:s26] =	ssyncset.done @p1 $0x0;
	s3 =	rddreg [dreg:$0x7]  }
0xcb: {  	[sflag:s26] =	ssyncadd.s32 @p1 $0xFFFFC000;
	s0 =	sadd.s32 @!p1 s25, s0;
	s26 =	simm.s32 @!p1 $0x4000  }
0xcc: {  	[tilespmem:s26], [sflag:$0x1] =	stream.linear.gather @!p1 [hbm4b:s0+s22], $0x80, $0x38;
	[tilespmem:$0x18200] =	vst v63  }
0xcd: {  	s3 =	sadd.s32 @!p1 s25, s3;
	s0 =	simm.s32 @!p1 $0x4100  }
0xce: {  	[tilespmem:s0], [sflag:$0x1] =	stream.linear.gather @!p1 [hbm4b:s3+s22], $0x80, $0x38;
	[tilespmem:$0x18200] =	vst v63  }
0xcf: {  	s25 =	simm.s32 @!p1 $0x2;
	s0 =	simm.s32 @!p1 $0x80;
	s3 =	simm.s32 @!p1 $0x4080  }
0xd0: {  	[tilespmem:s22], [sflag:$0x2] =	stream.indirect.gather @!p1 [hbm4b:s4+s0], $0x80, s3, s0, $0xb8;
	[tilespmem:$0x18200] =	vst v63  }
0xd1: {  	_ =	swait.ge @!p1 [sflag:s25], $0x4000  }
0xd2: {  	[sflag:s25] =	ssyncset.done @!p1 $0x0  }
0xd3: {  	s3 =	simm.s32 @!p1 $0x4180;
	[sflag:s25] =	ssyncadd.s32 @!p1 $0xFFFFC000  }
0xd4: {  	[spmem:s1] =	stream.indirect.scatter.add.f32 @!p1 [tilespmem:s22], [sflag:$0x2], $0x80, s3, s0, $0xb8;
	[tilespmem:$0x18200] =	vst v63  }
0xd5: {  	_ =	swait.ge @!p1 [sflag:s25], $0x4000  }
0xd6: {  	[sflag:s25] =	ssyncset.done @!p1 $0x0  }
0xd7: {  	s0 =	simm.s32 @!p1 $0x1;
	[sflag:s25] =	ssyncadd.s32 @!p1 $0xFFFFC000  }
0xd8: {  	_ =	swait.ge @!p1 [sflag:s0], $0x80  }
0xd9: {  	[sflag:s0] =	ssyncset.done @!p1 $0x0  }
0xda: {  	[sflag:s0] =	ssyncadd.s32 @!p1 $0xFFFFFF80  }
0xdb: {  	_ =	swait.ge @!p1 [sflag:s0], $0x80  }
0xdc: {  	s3 =	simm.s32 @!p0 $0x4000;
	[sflag:s0] =	ssyncset.done @!p1 $0x0  }
0xdd: {  	s22 =	simm.s32 @!p0 $0x0;
	[sflag:s0] =	ssyncadd.s32 @!p1 $0xFFFFFF80;
	s0 =	simm.s32 @!p0 $0x80  }
0xde: {  	[tilespmem:s22], [sflag:$0x2] =	stream.indirect.gather @!p0 [hbm4b:s4+s0], $0x80, s3, s0, $0xb8;
	[tilespmem:$0x18200] =	vst v63  }
0xdf: {  	s3 =	simm.s32 @!p0 $0x2  }
0xe0: {  	_ =	swait.ge @!p0 [sflag:s3], $0x4000  }
0xe1: {  	[sflag:s3] =	ssyncset.done @!p0 $0x0  }
0xe2: {  	s25 =	simm.s32 @!p0 $0x4100;
	[sflag:s3] =	ssyncadd.s32 @!p0 $0xFFFFC000  }
0xe3: {  	[spmem:s1] =	stream.indirect.scatter.add.f32 @!p0 [tilespmem:s22], [sflag:$0x2], $0x80, s25, s0, $0xb8;
	[tilespmem:$0x18200] =	vst v63  }
0xe4: {  	_ =	swait.ge @!p0 [sflag:s3], $0x4000  }
0xe5: {  	[sflag:s3] =	ssyncset.done @!p0 $0x0  }
0xe6: {  	[sflag:s3] =	ssyncadd.s32 @!p0 $0xFFFFC000  }
0xe7: {  	[bflag:$0x0] =	sbarrier.arrive $0xFFFF  }
0xe8: {  	[tilespmem:s2], [sflag:$0x2] =	stream.linear.gather [spmem:s6], $0x4000, $0x38;
	[tilespmem:$0x18200] =	vst v63  }
0xe9: {  	_ =	swait.ge [sflag:s21], $0x4000  }
0xea: {  	[sflag:s21] =	ssyncset.done $0x0  }
0xeb: {  	[sflag:s21] =	ssyncadd.s32 $0xFFFFC000  }
0xec: {  	[hbm4b:s10+s2] =	stream.linear.scatter [tilespmem:s2], [sflag:$0x2], $0x4000, $0x38;
	[tilespmem:$0x18200] =	vst v63  }
0xed: {  	_ =	swait.ge [sflag:s21], $0x4000  }
0xee: {  	[sflag:s21] =	ssyncset.done $0x0  }
0xef: {  	[sflag:s21] =	ssyncadd.s32 $0xFFFFC000  }
0xf0: {  	[tilespmem:s2], [sflag:$0x2] =	stream.linear.gather [spmem:s7], $0x4000, $0x38;
	[tilespmem:$0x18200] =	vst v63  }
0xf1: {  	_ =	swait.ge [sflag:s21], $0x4000  }
0xf2: {  	[sflag:s21] =	ssyncset.done $0x0  }
0xf3: {  	[sflag:s21] =	ssyncadd.s32 $0xFFFFC000  }
0xf4: {  	[hbm4b:s11+s2] =	stream.linear.scatter [tilespmem:s2], [sflag:$0x2], $0x4000, $0x38;
	[tilespmem:$0x18200] =	vst v63  }
0xf5: {  	_ =	swait.ge [sflag:s21], $0x4000  }
0xf6: {  	[sflag:s21] =	ssyncset.done $0x0  }
0xf7: {  	[sflag:s21] =	ssyncadd.s32 $0xFFFFC000  }
0xf8: {  	[tilespmem:s2], [sflag:$0x2] =	stream.linear.gather [spmem:s8], $0x4000, $0x38;
	[tilespmem:$0x18200] =	vst v63  }
0xf9: {  	_ =	swait.ge [sflag:s21], $0x4000  }
0xfa: {  	[sflag:s21] =	ssyncset.done $0x0  }
0xfb: {  	[sflag:s21] =	ssyncadd.s32 $0xFFFFC000  }
0xfc: {  	[hbm4b:s12+s2] =	stream.linear.scatter [tilespmem:s2], [sflag:$0x2], $0x4000, $0x38;
	[tilespmem:$0x18200] =	vst v63  }
0xfd: {  	_ =	swait.ge [sflag:s21], $0x4000  }
0xfe: {  	[sflag:s21] =	ssyncset.done $0x0  }
0xff: {  	[sflag:s21] =	ssyncadd.s32 $0xFFFFC000  }
0x100: {  	[tilespmem:s2], [sflag:$0x2] =	stream.linear.gather [spmem:s15], $0x4000, $0x38;
	[tilespmem:$0x18200] =	vst v63  }
0x101: {  	_ =	swait.ge [sflag:s21], $0x4000  }
0x102: {  	[sflag:s21] =	ssyncset.done $0x0  }
0x103: {  	[sflag:s21] =	ssyncadd.s32 $0xFFFFC000  }
0x104: {  	[hbm4b:s13+s2] =	stream.linear.scatter [tilespmem:s2], [sflag:$0x2], $0x4000, $0x38;
	[tilespmem:$0x18200] =	vst v63  }
0x105: {  	_ =	swait.ge [sflag:s21], $0x4000  }
0x106: {  	[sflag:s21] =	ssyncset.done $0x0  }
0x107: {  	[sflag:s21] =	ssyncadd.s32 $0xFFFFC000  }
0x108: {  	[tilespmem:s2], [sflag:$0x2] =	stream.linear.gather [spmem:s16], $0x4000, $0x38;
	[tilespmem:$0x18200] =	vst v63  }
0x109: {  	s24 =	sadd.s32 $0x1, s24;
	_ =	swait.ge [sflag:s21], $0x4000  }
0x10a: {  	p1 =	sne.s32 s24, s20;
	[sflag:s21] =	ssyncset.done $0x0  }
.Ltmp1:
0x10b: {  	[sflag:s21] =	ssyncadd.s32 $0xFFFFC000;
	(pc) =	sbr.rel @p1 .LBB2_1-.Ltmp1, $4  }
0x10c: {  	[hbm4b:s14+s2] =	stream.linear.scatter [tilespmem:s2], [sflag:$0x2], $0x4000, $0x38;
	[tilespmem:$0x18200] =	vst v63  }
0x10d: {  	_ =	swait.ge [sflag:s21], $0x4000  }
0x10e: {  	[sflag:s21] =	ssyncset.done $0x0  }
0x10f: {  	[sflag:s21] =	ssyncadd.s32 $0xFFFFC000  }
0x110: {  	_ =	sfence.sel $0x180000  }
0x111: {  	[bflag:$0x0] =	sbarrier.arrive $0xFFFF  }
0x112: {  	_ =	strace $0x9000004A  }
0x113: {  	s0 =	stileid.u32;
	[bflag:$0x2] =	sbarrier.arrive $0xFFFF  }
0x114: {  	p0 =	sne.s32 s0, $0x0;
	s0 =	rddreg [dreg:$0x3]  }
0x115: {  	s0 =	sadd.s32 @!p0 $0x100000, s0  }
0x116: {  	[sflag:s0] =	ssyncadd.tile.s32 @!p0 $0x1;
	_ =	shalt  }
.Lfunc_end2:
_tile_overlayer_lowered:
.L_overlay_start_2:
0x117: {  	(tag) =	ssettag $0x2  }
0x118: {  	s0 =	rddreg [dreg:$0x0];
	s2 =	stileid.u32  }
0x119: {  	s1 =	rddreg [dreg:$0x1];
	p0 =	sne.s32 s2, $0x0  }
0x11a: {  	s3 =	rddreg [dreg:$0x2];
	[bflag:$0x3] =	sbarrier.arrive $0xFFFF;
	s2 =	simm.s32 @!p0 $0x1C02  }
0x11b: {  	[timem:s3], [sflag:s2] =	dma.local @!p0 [hbm:s0], s1  }
0x11c: {  	s0 =	simm.s32 @!p0 $0x2  }
0x11d: {  	_ =	swait.ge @!p0 [sflag:s0], s1  }
0x11e: {  	s1 =	ssub.s32 @!p0 $0x0, s1;
	[sflag:s0] =	ssyncset.done @!p0 $0x0  }
0x11f: {  	[sflag:s0] =	ssyncadd.s32 @!p0 s1  }
0x120: {  	[bflag:$0x3] =	sbarrier.arrive $0xFFFF  }
0x121: {  	_ =	shalt  }

// kernel: kernel.7.cloned.1.call-start
scs
__scs_entry_jumppad:
0x0: {  	(pc) =	sbr.rel $0x88, $3  }
0x1: {  	(tag) =	ssettag $0x0;
	lr =	simm.s32 $0x1  }
0x2: {  	[smem:$0x3F99] =	sst lr;
	_ =	strace $0xD0000000  }
0x3: {  	_ = 	snop  }
0x4: {  	_ = 	snop  }
0x5: {  	_ = 	snop  }
0x6: {  	_ = 	snop  }
0x7: {  	_ = 	snop  }
__scs_overlays_trampoline_lowered:
0x8: {  	[smem:$0x3FA8] =	sst s0  }
0x9: {  	[smem:$0x3FA9] =	sst s1  }
0xa: {  	[smem:$0x3FAA] =	sst s2  }
0xb: {  	[smem:$0x3FAB] =	sst s3  }
0xc: {  	[smem:$0x3FAC] =	sst s4  }
0xd: {  	[smem:$0x3FAD] =	sst s5  }
0xe: {  	[smem:$0x3FAE] =	sst s6  }
0xf: {  	[smem:$0x3FAF] =	sst s7  }
0x10: {  	[smem:$0x3FB0] =	sst s8  }
0x11: {  	[smem:$0x3FB1] =	sst s9;
	s0 =	simm.s32 @!p0 $0x0  }
0x12: {  	s1 =	sld [smem:$0x3F97];
	s0 =	simm.s32 @p0 $0x1  }
0x13: {  	[smem:$0x3FB2] =	sst s0;
	s0 =	simm.s32 @!p1 $0x0  }
0x14: {  	s2 =	sld [smem:$0x3F96];
	s0 =	simm.s32 @p1 $0x1  }
0x15: {  	[smem:$0x3FB3] =	sst s0;
	s0 =	simm.s32 @!p2 $0x0  }
0x16: {  	s3 =	sld [smem:$0x3FDB];
	s0 =	simm.s32 @p2 $0x1  }
0x17: {  	s4 =	simm.s32 $0x1BF5;
	[smem:$0x3FB5] =	sst s0  }
0x18: {  	s0 =	sld [smem:$0x3F98];
	_ =	swait.ge [sflag:s4], $0x0  }
0x19: {  	s7 =	sld [smem:$0x3F99]  }
0x1a: {  	s8 =	sadd.s32 $0xFFFFE003, lr  }
0x1b: {  	s9 =	sadd.s32 $0xFFFFFEF7, lr;
	s5 =	simm.s32 $0xFFFFFFFF;
	p2 =	slt.u32 s8, $0xFFFFF086  }
0x1c: {  	p1 =	slt.u32 s9, $0xF7A;
	s5 =	simm.s32 @!p2 $0x0  }
0x1d: {  	s5 =	simm.s32 @p1 $0x1;
	p0 =	seq.s32 s7, s2  }
0x1e: {  	s7 =	smul.u32 @!p0 $0xF7A, s2;
	p2 =	seq.s32 @!p0 s5, $0x0  }
0x1f: {  	s9 =	smul.u32 $0xF7A, s1;
	s8 =	simm.s32 @!p0 $0x1BF5;
	p2 =	por !p2, p0  }
0x20: {  	[sflag:s8] =	ssyncset.s32 @!p0 $0xFFFFF086;
	s6 =	sadd.s32 @!p0 s3, s7;
	s7 =	simm.s32 @!p0 $0x108  }
0x21: {  	s3 =	sadd.s32 s3, s9;
	s6 =	sadd.s32 @!p0 $0x88, s6;
	s7 =	simm.s32 @p2 $0x1082  }
0x22: {  	[simem:s7], [sflag:s8] =	dma.local @!p0 [hbm:s6], $0xF7A  }
0x23: {  	s9 =	sor.u32 $0xD0000000, s2;
	s6 =	simm.s32 $0x108;
	_ =	swait.ge @!p0 [sflag:s8], $0x0  }
0x24: {  	s3 =	sadd.s32 $0x88, s3;
	s6 =	simm.s32 @!p1 $0x1082;
	[sflag:s4] =	ssyncset.s32 $0xFFFFF086  }
0x25: {  	[simem:s6], [sflag:s4] =	dma.local [hbm:s3], $0xF7A  }
0x26: {  	[smem:$0x3F99] =	sst s1;
	(tag) =	ssettag s2;
	_ =	strace s9  }
0x27: {  	s1 =	sld [smem:$0x3FA9]  }
0x28: {  	s2 =	sld [smem:$0x3FAA]  }
0x29: {  	s4 =	sld [smem:$0x3FAC]  }
0x2a: {  	p0 =	seq.s32 s5, $0x0;
	s5 =	sld [smem:$0x3FAD]  }
0x2b: {  	s6 =	sld [smem:$0x3FAE]  }
0x2c: {  	s7 =	sld [smem:$0x3FAF]  }
0x2d: {  	s3 =	simm.s32 $0x108;
	s8 =	sld [smem:$0x3FB0]  }
0x2e: {  	s3 =	simm.s32 @!p0 $0x1082;
	s9 =	sld [smem:$0x3FB1]  }
0x2f: {  	lr =	sadd.s32 s0, s3;
	s0 =	sld [smem:$0x3FA8]  }
0x30: {  	s3 =	sld [smem:$0x3FAB]  }
0x31: {  	[smem:$0x3FB4] =	sst s10  }
0x32: {  	s10 =	sld [smem:$0x3FB2];
	_ =	sdelay $0x3  }
0x33: {  	p0 =	seq.s32 s10, $0x1;
	s10 =	sld [smem:$0x3FB4];
	_ =	sdelay $0x3  }
0x34: {  	[smem:$0x3FB4] =	sst s10  }
0x35: {  	s10 =	sld [smem:$0x3FB3];
	_ =	sdelay $0x3  }
0x36: {  	p1 =	seq.s32 s10, $0x1;
	s10 =	sld [smem:$0x3FB4];
	_ =	sdelay $0x3  }
0x37: {  	[smem:$0x3FB4] =	sst s10  }
0x38: {  	s10 =	sld [smem:$0x3FB5]  }
0x39: {  	_ = 	snop;
	(pc) =	sbr.ind lr, $3  }
0x3a: {  	_ = 	snop  }
0x3b: {  	_ = 	snop  }
0x3c: {  	p2 =	seq.s32 s10, $0x1;
	s10 =	sld [smem:$0x3FB4]  }
0x3d: {  	_ =	shalt  }
0x3e: {  	_ =	shalt  }
0x3f: {  	_ =	shalt  }
0x40: {  	_ =	shalt  }
0x41: {  	_ =	shalt  }
0x42: {  	_ =	shalt  }
0x43: {  	_ =	shalt  }
0x44: {  	_ =	shalt  }
0x45: {  	_ =	shalt  }
0x46: {  	_ =	shalt  }
0x47: {  	_ =	shalt  }
0x48: {  	_ =	shalt  }
0x49: {  	_ =	shalt  }
0x4a: {  	_ =	shalt  }
0x4b: {  	_ =	shalt  }
0x4c: {  	_ =	shalt  }
0x4d: {  	_ =	shalt  }
0x4e: {  	_ =	shalt  }
0x4f: {  	_ =	shalt  }
0x50: {  	_ =	shalt  }
0x51: {  	_ =	shalt  }
0x52: {  	_ =	shalt  }
0x53: {  	_ =	shalt  }
0x54: {  	_ =	shalt  }
0x55: {  	_ =	shalt  }
0x56: {  	_ =	shalt  }
0x57: {  	_ =	shalt  }
0x58: {  	_ =	shalt  }
0x59: {  	_ =	shalt  }
0x5a: {  	_ =	shalt  }
0x5b: {  	_ =	shalt  }
0x5c: {  	_ =	shalt  }
0x5d: {  	_ =	shalt  }
0x5e: {  	_ =	shalt  }
0x5f: {  	_ =	shalt  }
0x60: {  	_ =	shalt  }
0x61: {  	_ =	shalt  }
0x62: {  	_ =	shalt  }
0x63: {  	_ =	shalt  }
0x64: {  	_ =	shalt  }
0x65: {  	_ =	shalt  }
0x66: {  	_ =	shalt  }
0x67: {  	_ =	shalt  }
0x68: {  	_ =	shalt  }
0x69: {  	_ =	shalt  }
0x6a: {  	_ =	shalt  }
0x6b: {  	_ =	shalt  }
0x6c: {  	_ =	shalt  }
0x6d: {  	_ =	shalt  }
0x6e: {  	_ =	shalt  }
0x6f: {  	_ =	shalt  }
0x70: {  	_ =	shalt  }
0x71: {  	_ =	shalt  }
0x72: {  	_ =	shalt  }
0x73: {  	_ =	shalt  }
0x74: {  	_ =	shalt  }
0x75: {  	_ =	shalt  }
0x76: {  	_ =	shalt  }
0x77: {  	_ =	shalt  }
0x78: {  	_ =	shalt  }
0x79: {  	_ =	shalt  }
0x7a: {  	_ =	shalt  }
0x7b: {  	_ =	shalt  }
0x7c: {  	_ =	shalt  }
0x7d: {  	_ =	shalt  }
0x7e: {  	_ =	shalt  }
0x7f: {  	_ =	shalt  }
0x80: {  	_ =	shalt  }
0x81: {  	_ =	shalt  }
0x82: {  	_ =	shalt  }
0x83: {  	_ =	shalt  }
0x84: {  	_ =	shalt  }
0x85: {  	_ =	shalt  }
0x86: {  	_ =	shalt  }
0x87: {  	_ =	shalt  }
.Lfunc_end0:
.L_simem_size_0:
called_computation_lowered:
.L_overlay_start_0:
0x88: {  	s2 =	sld [smem:$0x3FD9]  }
0x89: {  	s3 =	sld [smem:$0x3FFE];
	_ =	sdelay $0x1  }
0x8a: {  	s1 =	srdreg.scid  }
0x8b: {  	s0 =	sand.u32 $0x1, s1  }
0x8c: {  	s17 =	sshll.u32 s0, $0xA;
	s2 =	sadd.s32 s3, s2  }
0x8d: {  	s2 =	sadd.s32 s2, s17  }
0x8e: {  	[smem:$0x3FC0] =	sst s2  }
0x8f: {  	_ = 	snop  }
0x90: {  	s2 =	sld [smem:$0x3FD0];
	(tm) =	ssettm $0x1  }
0x91: {  	s18 =	sld [smem:$0x3FFB];
	_ =	sdelay $0x3  }
0x92: {  	_ =	strace s18  }
0x93: {  	s3 =	sld [smem:$0x3FFC];
	_ =	sdelay $0x3  }
0x94: {  	_ =	strace s3  }
0x95: {  	s3 =	sld [smem:$0x3FFD];
	_ =	sdelay $0x3  }
0x96: {  	_ =	strace s3  }
0x97: {  	_ =	strace $0x8FFFFFFF  }
0x98: {  	s19 =	sld [smem:$0x3FDB];
	_ =	sdelay $0x1  }
0x99: {  	s4 =	simm.s32 $_scs_section_size  }
0x9a: {  	s5 =	simm.s32 $_size__tile_overlayer_lowered;
	s6 =	simm.s32 $_tile_overlayer_lowered  }
0x9b: {  	s22 =	simm.s32 $0x1BFF;
	s21 =	sshll.u32 s6, $0x1;
	s3 =	sadd.s32 s4, s19  }
0x9c: {  	s7 =	simm.s32 $0x0;
	s20 =	sshll.u32 s5, $0x1;
	s5 =	sadd.s32 s21, s3  }
0x9d: {  	[timem:s7], [sflag:s22] =	dma.local [hbm:s5], s20  }
0x9e: {  	_ =	swait.ge [sflag:s22], s20  }
0x9f: {  	s4 =	ssub.s32 $0x0, s20;
	[sflag:s22] =	ssyncset.done $0x0  }
0xa0: {  	[sflag:s22] =	ssyncadd.s32 s4;
	_ =	sdelay $0x1  }
0xa1: {  	s23 =	simm.s32 $0x1B8B  }
0xa2: {  	_ =	swait.ge [sflag:s23], $0x1  }
0xa3: {  	[sflag:s23] =	ssyncset.done $0x0  }
0xa4: {  	s25 =	simm.s32 $0x1B8E;
	s24 =	sld [smem:$0x3FFE];
	[sflag:s23] =	ssyncadd.s32 $0xFFFFFFFF  }
0xa5: {  	s26 =	simm.s32 $execute0_lowered;
	[smem:$0x3FD2] =	sst s25  }
0xa6: {  	s5 =	sshll.u32 s26, $0x1;
	_ =	strace $0x80000046;
	[dreg:$0x1] =	wrdreg $0xFFFFFFFF  }
0xa7: {  	s28 =	simm.s32 $_size_execute0_lowered;
	s3 =	sadd.s32 s3, s5;
	[dreg:$0x0] =	wrdreg $0x0  }
0xa8: {  	s5 =	sshll.u32 s28, $0x1;
	[dreg:$0x2] =	wrdreg s3  }
0xa9: {  	[dreg:$0x3] =	wrdreg s5  }
0xaa: {  	[dreg:$0x4] =	wrdreg $0xC0  }
0xab: {  	_ =	task [dreg:s7], $0x5FFFF  }
0xac: {  	[dreg:$0x1] =	wrdreg $0xFFFFFFFF  }
0xad: {  	[dreg:$0x0] =	wrdreg $0x60  }
0xae: {  	[dreg:$0x2] =	wrdreg s24  }
0xaf: {  	[dreg:$0x3] =	wrdreg s2  }
0xb0: {  	[dreg:$0x4] =	wrdreg $0x43000  }
0xb1: {  	[dreg:$0x5] =	wrdreg $0x183000  }
0xb2: {  	[dreg:$0x6] =	wrdreg $0x9  }
0xb3: {  	_ =	task.clear_ibuf [dreg:s7], $0x7FFFF;
	_ =	strace $0x90000046  }
0xb4: {  	s29 =	simm.s32 $0x9;
	_ =	strace $0x80000048  }
0xb5: {  	_ =	swait.ge [sflag:s29], $0x1  }
0xb6: {  	[sflag:s29] =	ssyncadd.s32 $0xFFFFFFFF  }
0xb7: {  	_ =	strace $0x90000048  }
0xb8: {  	_ =	sfence  }
0xb9: {  	s30 =	sld [smem:$0x0];
	_ =	sdelay $0x2  }
0xba: {  	s31 =	sshll.u32 s1, $0xD;
	s1 =	sshrl.u32 s1, $0x2  }
0xbb: {  	s3 =	sand.u32 $0x4000, s31;
	s1 =	sadd.s32 s1, s30  }
0xbc: {  	s0 =	sor.u32 s3, s0;
	s1 =	sshll.u32 s1, $0x11  }
0xbd: {  	s0 =	sor.u32 s1, s0  }
0xbe: {  	s0 =	sadd.s32 $0x8F2B, s0  }
0xbf: {  	[sflag:s0] =	ssyncadd.remote.s32 $0x1  }
0xc0: {  	_ =	sfence.sel $0xFFFF  }
0xc1: {  	[dreg:$0x0] =	wrdreg $0xFFFFFFFF;
	(pc) =	sbr.abs _section_cstart, $3  }
0xc2: {  	[dreg:$0x1] =	wrdreg $0xFFFFFFFF  }
0xc3: {  	_ =	task.clear_ibuf [dreg:s7], $0x2FFFF;
	_ =	strace $0x9FFFFFFF  }
0xc4: {  	(tm) =	ssettm $0x7FFFFFFF  }
0xc5: {  	_ =	shalt  }
tec
execute0_lowered:
.L_overlay_start_1:
0x0: {  	(tag) =	ssettag $0x1  }
0x1: {  	s23 =	stileid.u32  }
0x2: {  	s1 =	smul.u32 $0x280, s23  }
0x3: {  	s0 =	srdreg.scid;
	s16 =	smul.u32 $0x14000, s23  }
0x4: {  	s6 =	sand.u32 $0x1, s0;
	s0 =	rddreg [dreg:$0x0];
	s17 =	smul.u32 $0x500, s23  }
0x5: {  	p0 =	sgt.u32 s23, $0x1;
	s2 =	ssub.s32 $0x2, s6;
	s12 =	sadd.s32 $0x34E00, s0  }
0x6: {  	s14 =	sadd.s32 $0x34400, s0;
	s15 =	smul.u32 $0x140000, s6;
	s3 =	sshrl.u32 s2, $0x1  }
0x7: {  	s5 =	sadd.s32 $0x80, s1;
	s4 =	sadd.s32 $0x100, s1;
	s8 =	sadd.s32 $0x180, s1  }
0x8: {  	s7 =	sadd.s32 $0x200, s1;
	s3 =	ssub.s32 s2, s3;
	s2 =	smul.u32 $0x4E2, s6  }
0x9: {  	s10 =	sshll.u32 s5, $0x7;
	s9 =	sshll.u32 s4, $0x7;
	s13 =	sshll.u32 s8, $0x7  }
0xa: {  	s11 =	sshll.u32 s7, $0x7;
	s16 =	sadd.s32 s16, s15;
	s6 =	sshll.u32 s6, $0x7  }
0xb: {  	s21 =	sshll.u32 s5, $0x1;
	s25 =	sshll.u32 s4, $0x1;
	s26 =	sshll.u32 s8, $0x1  }
0xc: {  	s16 =	sshrl.u32 s16, $0x3;
	s17 =	sor.u32 s6, s17;
	s19 =	sadd.s32 s15, s10  }
0xd: {  	s22 =	sadd.s32 s15, s9;
	s3 =	smax.u32 s3, $0x1;
	s18 =	sadd.s32 s23, s2  }
0xe: {  	s16 =	sadd.s32 s12, s16;
	s20 =	sshrl.u32 s19, $0x3;
	s19 =	sshrl.u32 s22, $0x3  }
0xf: {  	s2 =	sadd.s32 $0x4E2, s2;
	[dreg:$0x5] =	wrdreg s16;
	s16 =	sshrl.u32 s17, $0x3  }
0x10: {  	s17 =	sadd.s32 s12, s20;
	s20 =	sadd.s32 s15, s13;
	s19 =	sadd.s32 s12, s19  }
0x11: {  	s15 =	sadd.s32 s15, s11;
	[dreg:$0x6] =	wrdreg s17;
	s17 =	sor.u32 s6, s21  }
0x12: {  	[dreg:$0x7] =	wrdreg s19;
	s24 =	sshrl.u32 s20, $0x3;
	s16 =	sadd.s32 s14, s16  }
0x13: {  	s15 =	sshrl.u32 s15, $0x3;
	s19 =	sadd.s32 s12, s24;
	[dreg:$0xa] =	wrdreg s16  }
0x14: {  	s20 =	sor.u32 s6, s25;
	s12 =	sadd.s32 s12, s15;
	[dreg:$0x8] =	wrdreg s19  }
0x15: {  	s15 =	sshll.u32 s7, $0x1;
	s21 =	sshrl.u32 s17, $0x3;
	[dreg:$0x9] =	wrdreg s12  }
0x16: {  	s19 =	sor.u32 s6, s26;
	s12 =	sor.u32 s6, s15;
	s6 =	sadd.s32 $0x20, s18  }
0x17: {  	s16 =	sadd.s32 s14, s21;
	s15 =	sshrl.u32 s20, $0x3;
	s26 =	sshll.u32 s18, $0x4  }
0x18: {  	s21 =	sadd.s32 $0x1E00, s0;
	[dreg:$0xb] =	wrdreg s16;
	s22 =	sshrl.u32 s19, $0x3  }
0x19: {  	s15 =	sadd.s32 s14, s15;
	s12 =	sshrl.u32 s12, $0x3;
	s19 =	rddreg [dreg:$0x1]  }
0x1a: {  	s25 =	sshll.u32 s6, $0x4;
	[dreg:$0xc] =	wrdreg s15;
	s24 =	sadd.s32 s14, s22  }
0x1b: {  	s18 =	sadd.s32 $0x100, s26;
	s12 =	sadd.s32 s14, s12;
	[dreg:$0xd] =	wrdreg s24  }
0x1c: {  	s14 =	sand.u32 $0x1FF80, s25;
	s16 =	sadd.s32 s19, s26;
	[dreg:$0xe] =	wrdreg s12  }
0x1d: {  	s18 =	sand.u32 $0x1FF80, s18;
	s12 =	simm.s32 $0x0;
	[dreg:$0x10] =	wrdreg s16  }
0x1e: {  	s22 =	sadd.s32 s14, s21;
	s24 =	sadd.s32 s21, s26;
	s16 =	rddreg [dreg:$0x2]  }
0x1f: {  	s25 =	sadd.s32 s18, s21;
	s21 =	sadd.s32 s18, s19;
	s18 =	rddreg [dreg:$0x3]  }
0x20: {  	s15 =	sand.u32 $0x70, s26;
	s14 =	sadd.s32 s14, s19;
	[smem:$0x7FF] =	sst s12  }
0x21: {  	[dreg:$0xf] =	wrdreg s24;
	s17 =	sadd.s32 s15, s22;
	s22 =	smul.u32 $0x50000, s23  }
0x22: {  	s19 =	sadd.s32 s15, s14;
	s20 =	sadd.s32 s15, s25;
	s21 =	sadd.s32 s15, s21  }
0x23: {  	s25 =	sadd.s32 s1, s18;
	s28 =	sadd.s32 s5, s18;
	s29 =	sadd.s32 s9, s16  }
0x24: {  	s30 =	sadd.s32 s4, s18;
	s14 =	sadd.s32 s13, s16;
	s1 =	sadd.s32 s8, s18  }
0x25: {  	s15 =	sadd.s32 s11, s16;
	_ =	strace $0x80000047;
	[dreg:$0x19] =	wrdreg s3  }
0x26: {  	s31 =	sadd.s32 s7, s18;
	s4 =	simm.s32 $0x2;
	[dreg:$0x12] =	wrdreg s29  }
0x27: {  	s5 =	simm.s32 $0x4000;
	s7 =	simm.s32 $0x4100;
	[dreg:$0x13] =	wrdreg s30  }
0x28: {  	s8 =	simm.s32 $0x80;
	s9 =	simm.s32 $0x4200;
	[dreg:$0x15] =	wrdreg s1  }
0x29: {  	s11 =	simm.s32 $0x4180;
	s13 =	simm.s32 $0x4280;
	[dreg:$0x16] =	wrdreg s15  }
0x2a: {  	s23 =	smov.u32 s14;
	[dreg:$0x17] =	wrdreg s31;
	s26 =	sshrl.u32 s22, $0x2  }
0x2b: {  	s22 =	sadd.s32 $0xBC00, s0;
	s0 =	sadd.s32 $0x33C00, s0;
	[dreg:$0x14] =	wrdreg s23  }
0x2c: {  	[dreg:$0x11] =	wrdreg s0;
	s24 =	sadd.s32 s26, s16;
	s26 =	sadd.s32 s10, s16  }
0x2d: {  	v0 =	vimm.f32 $1.000000000e+00;
	s14 =	simm.s32 $0x0;
	s10 =	simm.s32 $0x4080;
	[dreg:$0x18] =	wrdreg s26  }
.LBB2_1:
0x2e: {  	[tilespmem:$0x4200] =	vst v0  }
0x2f: {  	[tilespmem:$0x4210] =	vst v0  }
0x30: {  	[tilespmem:$0x4220] =	vst v0  }
0x31: {  	[tilespmem:$0x4230] =	vst v0  }
0x32: {  	[tilespmem:$0x4240] =	vst v0  }
0x33: {  	[tilespmem:$0x4250] =	vst v0  }
0x34: {  	[tilespmem:$0x4260] =	vst v0  }
0x35: {  	[tilespmem:$0x4270] =	vst v0;
	s3 =	rddreg [dreg:$0x11]  }
0x36: {  	[tilespmem:s12], [sflag:$0x2] =	stream.linear.gather [hbm4b:s3+s12], $0x4000, $0x38;
	[tilespmem:$0x18580] =	vst v63  }
0x37: {  	_ =	swait.ge [sflag:s4], $0x4000  }
0x38: {  	[sflag:s4] =	ssyncset.done $0x0  }
0x39: {  	[sflag:s4] =	ssyncadd.s32 $0xFFFFC000  }
0x3a: {  	[spmem:s24] =	stream.linear.scatter [tilespmem:s12], [sflag:$0x2], $0x4000, $0x38;
	[tilespmem:$0x18580] =	vst v63  }
0x3b: {  	_ =	swait.ge [sflag:s4], $0x4000  }
0x3c: {  	[sflag:s4] =	ssyncset.done $0x0  }
0x3d: {  	[sflag:s4] =	ssyncadd.s32 $0xFFFFC000  }
0x3e: {  	[spmem:s25] =	stream.linear.scatter [tilespmem:s12], [sflag:$0x2], $0x80, $0x38;
	[tilespmem:$0x18580] =	vst v63  }
0x3f: {  	_ =	swait.ge [sflag:s4], $0x80  }
0x40: {  	[sflag:s4] =	ssyncset.done $0x0  }
0x41: {  	[sflag:s4] =	ssyncadd.s32 $0xFFFFFF80  }
0x42: {  	[spmem:s26] =	stream.linear.scatter [tilespmem:s12], [sflag:$0x2], $0x4000, $0x38;
	[tilespmem:$0x18580] =	vst v63  }
0x43: {  	_ =	swait.ge [sflag:s4], $0x4000  }
0x44: {  	[sflag:s4] =	ssyncset.done $0x0  }
0x45: {  	[sflag:s4] =	ssyncadd.s32 $0xFFFFC000  }
0x46: {  	[spmem:s28] =	stream.linear.scatter [tilespmem:s12], [sflag:$0x2], $0x80, $0x38;
	[tilespmem:$0x18580] =	vst v63  }
0x47: {  	_ =	swait.ge [sflag:s4], $0x80  }
0x48: {  	[sflag:s4] =	ssyncset.done $0x0  }
0x49: {  	[sflag:s4] =	ssyncadd.s32 $0xFFFFFF80  }
0x4a: {  	[spmem:s29] =	stream.linear.scatter [tilespmem:s12], [sflag:$0x2], $0x4000, $0x38;
	[tilespmem:$0x18580] =	vst v63  }
0x4b: {  	_ =	swait.ge [sflag:s4], $0x4000  }
0x4c: {  	[sflag:s4] =	ssyncset.done $0x0  }
0x4d: {  	[sflag:s4] =	ssyncadd.s32 $0xFFFFC000  }
0x4e: {  	[spmem:s30] =	stream.linear.scatter [tilespmem:s12], [sflag:$0x2], $0x80, $0x38;
	[tilespmem:$0x18580] =	vst v63  }
0x4f: {  	_ =	swait.ge [sflag:s4], $0x80  }
0x50: {  	[sflag:s4] =	ssyncset.done $0x0  }
0x51: {  	[sflag:s4] =	ssyncadd.s32 $0xFFFFFF80  }
0x52: {  	[spmem:s23] =	stream.linear.scatter [tilespmem:s12], [sflag:$0x2], $0x4000, $0x38;
	[tilespmem:$0x18580] =	vst v63  }
0x53: {  	_ =	swait.ge [sflag:s4], $0x4000  }
0x54: {  	[sflag:s4] =	ssyncset.done $0x0  }
0x55: {  	s26 =	smov.u32 s1;
	[sflag:s4] =	ssyncadd.s32 $0xFFFFC000  }
0x56: {  	[spmem:s26] =	stream.linear.scatter [tilespmem:s12], [sflag:$0x2], $0x80, $0x38;
	[tilespmem:$0x18580] =	vst v63  }
0x57: {  	_ =	swait.ge [sflag:s4], $0x80  }
0x58: {  	[sflag:s4] =	ssyncset.done $0x0  }
0x59: {  	s0 =	smov.u32 s24;
	s24 =	smov.u32 s15;
	[sflag:s4] =	ssyncadd.s32 $0xFFFFFF80  }
0x5a: {  	[spmem:s24] =	stream.linear.scatter [tilespmem:s12], [sflag:$0x2], $0x4000, $0x38;
	[tilespmem:$0x18580] =	vst v63  }
0x5b: {  	_ =	swait.ge [sflag:s4], $0x4000  }
0x5c: {  	[sflag:s4] =	ssyncset.done $0x0  }
0x5d: {  	[sflag:s4] =	ssyncadd.s32 $0xFFFFC000  }
0x5e: {  	[spmem:s31] =	stream.linear.scatter [tilespmem:s12], [sflag:$0x2], $0x80, $0x38;
	[tilespmem:$0x18580] =	vst v63  }
0x5f: {  	_ =	swait.ge [sflag:s4], $0x80  }
0x60: {  	[sflag:s4] =	ssyncset.done $0x0  }
0x61: {  	[sflag:s4] =	ssyncadd.s32 $0xFFFFFF80  }
0x62: {  	[bflag:$0x0] =	sbarrier.arrive $0xFFFF  }
0x63: {  	s1 =	smov.u32 s28;
	s28 =	rddreg [dreg:$0xf]  }
0x64: {  	[tilespmem:s5], [sflag:$0x2] =	stream.linear.gather [hbm4b:s28+s12], $0x80, $0x38;
	[tilespmem:$0x18580] =	vst v63  }
0x65: {  	_ =	swait.ge [sflag:s4], $0x80  }
0x66: {  	[sflag:s4] =	ssyncset.done $0x0  }
0x67: {  	s30 =	sadd.s32 $0xFFFFFFF0, s6;
	s29 =	rddreg [dreg:$0x10];
	[sflag:s4] =	ssyncadd.s32 $0xFFFFFF80  }
0x68: {  	[tilespmem:s7], [sflag:$0x2] =	stream.linear.gather [hbm4b:s29+s12], $0x80, $0x38;
	[tilespmem:$0x18580] =	vst v63  }
0x69: {  	p2 =	sge.u32 s30, s2;
	_ =	swait.ge [sflag:s4], $0x80  }
0x6a: {  	s3 =	sadd.s32 @!p2 $0x0, s20;
	[sflag:s4] =	ssyncset.done $0x0  }
0x6b: {  	s23 =	simm.s32 @!p2 $0x0;
	s24 =	simm.s32 @!p2 $0x4080;
	[sflag:s4] =	ssyncadd.s32 $0xFFFFFF80  }
0x6c: {  	[tilespmem:s24], [sflag:$0x1] =	stream.linear.gather @!p2 [hbm4b:s3+s23], $0x80, $0x38;
	[tilespmem:$0x18580] =	vst v63  }
0x6d: {  	s3 =	sadd.s32 @!p2 $0x0, s21;
	s24 =	simm.s32 @!p2 $0x4180  }
0x6e: {  	[tilespmem:s24], [sflag:$0x1] =	stream.linear.gather @!p2 [hbm4b:s3+s23], $0x80, $0x38;
	[tilespmem:$0x18580] =	vst v63  }
0x6f: {  	_ = 	snop  }
0x70: {  	[tilespmem:s12], [sflag:$0x2] =	stream.indirect.gather [hbm4b:s22+s8], $0x80, s5, s8, $0xb8;
	[tilespmem:$0x18580] =	vst v63  }
0x71: {  	_ =	swait.ge [sflag:s4], $0x4000  }
0x72: {  	[sflag:s4] =	ssyncset.done $0x0  }
0x73: {  	[sflag:s4] =	ssyncadd.s32 $0xFFFFC000  }
0x74: {  	[spmem:s16] =	stream.indirect.scatter.add.f32 [tilespmem:s12], [sflag:$0x2], $0x80, s7, s8, $0xb8;
	[tilespmem:$0x18580] =	vst v63  }
0x75: {  	_ =	swait.ge [sflag:s4], $0x4000  }
0x76: {  	[sflag:s4] =	ssyncset.done $0x0  }
0x77: {  	[sflag:s4] =	ssyncadd.s32 $0xFFFFC000  }
0x78: {  	[spmem:s18] =	stream.indirect.scatter.add.f32 [tilespmem:s9], [sflag:$0x2], $0x1, s7, s8, $0xb8;
	[tilespmem:$0x18580] =	vst v63  }
0x79: {  	_ =	swait.ge [sflag:s4], $0x80  }
0x7a: {  	[sflag:s4] =	ssyncset.done $0x0  }
0x7b: {  	s3 =	simm.s32 @!p2 $0x1;
	[sflag:s4] =	ssyncadd.s32 $0xFFFFFF80  }
0x7c: {  	_ =	swait.ge @!p2 [sflag:s3], $0x80  }
0x7d: {  	[sflag:s3] =	ssyncset.done @!p2 $0x0  }
0x7e: {  	[sflag:s3] =	ssyncadd.s32 @!p2 $0xFFFFFF80  }
0x7f: {  	p1 =	sge.u32 s6, s2;
	_ =	swait.ge @!p2 [sflag:s3], $0x80  }
0x80: {  	s23 =	sadd.s32 @!p1 $0x0, s17;
	[sflag:s3] =	ssyncset.done @!p2 $0x0  }
0x81: {  	s24 =	simm.s32 @!p1 $0x0;
	[sflag:s3] =	ssyncadd.s32 @!p2 $0xFFFFFF80;
	s3 =	simm.s32 @!p1 $0x4000  }
0x82: {  	[tilespmem:s3], [sflag:$0x1] =	stream.linear.gather @!p1 [hbm4b:s23+s24], $0x80, $0x38;
	[tilespmem:$0x18580] =	vst v63  }
0x83: {  	s3 =	sadd.s32 @!p1 $0x0, s19;
	s23 =	simm.s32 @!p1 $0x4100  }
0x84: {  	[tilespmem:s23], [sflag:$0x1] =	stream.linear.gather @!p1 [hbm4b:s3+s24], $0x80, $0x38;
	[tilespmem:$0x18580] =	vst v63  }
0x85: {  	_ = 	snop  }
0x86: {  	[tilespmem:s12], [sflag:$0x2] =	stream.indirect.gather [hbm4b:s22+s8], $0x80, s10, s8, $0xb8;
	[tilespmem:$0x18580] =	vst v63  }
0x87: {  	_ =	swait.ge [sflag:s4], $0x4000  }
0x88: {  	[sflag:s4] =	ssyncset.done $0x0  }
0x89: {  	[sflag:s4] =	ssyncadd.s32 $0xFFFFC000  }
0x8a: {  	[spmem:s16] =	stream.indirect.scatter.add.f32 [tilespmem:s12], [sflag:$0x2], $0x80, s11, s8, $0xb8;
	[tilespmem:$0x18580] =	vst v63  }
0x8b: {  	_ =	swait.ge [sflag:s4], $0x4000  }
0x8c: {  	[sflag:s4] =	ssyncset.done $0x0  }
0x8d: {  	[sflag:s4] =	ssyncadd.s32 $0xFFFFC000  }
0x8e: {  	[spmem:s18] =	stream.indirect.scatter.add.f32 [tilespmem:s9], [sflag:$0x2], $0x1, s11, s8, $0xb8;
	[tilespmem:$0x18580] =	vst v63  }
0x8f: {  	_ =	swait.ge [sflag:s4], $0x80  }
0x90: {  	[sflag:s4] =	ssyncset.done $0x0  }
0x91: {  	s15 =	smov.u32 s25;
	s25 =	simm.s32 @!p1 $0x1;
	[sflag:s4] =	ssyncadd.s32 $0xFFFFFF80  }
0x92: {  	s3 =	sadd.s32 $0x20, s6;
	_ =	swait.ge @!p1 [sflag:s25], $0x80  }
0x93: {  	s23 =	simm.s32 $0x200;
	s31 =	sadd.s32 $0xFFFFFFF0, s3;
	[sflag:s25] =	ssyncset.done @!p1 $0x0  }
0x94: {  	s24 =	simm.s32 $0x400;
	p2 =	sge.u32 s31, s2;
	[sflag:s25] =	ssyncadd.s32 @!p1 $0xFFFFFF80  }
.LBB2_2:
0x95: {  	s26 =	sadd.s32 @!p2 s23, s20  }
0x96: {  	s28 =	simm.s32 @!p2 $0x0;
	_ =	swait.ge @!p1 [sflag:s25], $0x80;
	s29 =	smov.u32 s24  }
0x97: {  	s24 =	sadd.s32 $0x200, s24;
	s30 =	simm.s32 @!p2 $0x4080;
	[sflag:s25] =	ssyncset.done @!p1 $0x0  }
0x98: {  	p3 =	sne.s32 s24, $0x4E00;
	[sflag:s25] =	ssyncadd.s32 @!p1 $0xFFFFFF80  }
0x99: {  	[tilespmem:s30], [sflag:$0x1] =	stream.linear.gather @!p2 [hbm4b:s26+s28], $0x80, $0x38;
	[tilespmem:$0x18580] =	vst v63  }
0x9a: {  	s25 =	sadd.s32 @!p2 s23, s21;
	s26 =	simm.s32 @!p2 $0x4180  }
0x9b: {  	[tilespmem:s26], [sflag:$0x1] =	stream.linear.gather @!p2 [hbm4b:s25+s28], $0x80, $0x38;
	[tilespmem:$0x18580] =	vst v63  }
0x9c: {  	_ = 	snop  }
0x9d: {  	[tilespmem:s12], [sflag:$0x2] =	stream.indirect.gather [hbm4b:s22+s8], $0x80, s5, s8, $0xb8;
	[tilespmem:$0x18580] =	vst v63  }
0x9e: {  	_ =	swait.ge [sflag:s4], $0x4000  }
0x9f: {  	[sflag:s4] =	ssyncset.done $0x0  }
0xa0: {  	[sflag:s4] =	ssyncadd.s32 $0xFFFFC000  }
0xa1: {  	[spmem:s16] =	stream.indirect.scatter.add.f32 [tilespmem:s12], [sflag:$0x2], $0x80, s7, s8, $0xb8;
	[tilespmem:$0x18580] =	vst v63  }
0xa2: {  	_ =	swait.ge [sflag:s4], $0x4000  }
0xa3: {  	[sflag:s4] =	ssyncset.done $0x0  }
0xa4: {  	[sflag:s4] =	ssyncadd.s32 $0xFFFFC000  }
0xa5: {  	[spmem:s18] =	stream.indirect.scatter.add.f32 [tilespmem:s9], [sflag:$0x2], $0x1, s7, s8, $0xb8;
	[tilespmem:$0x18580] =	vst v63  }
0xa6: {  	_ =	swait.ge [sflag:s4], $0x80  }
0xa7: {  	s25 =	simm.s32 @!p2 $0x1;
	[sflag:s4] =	ssyncset.done $0x0  }
0xa8: {  	[sflag:s4] =	ssyncadd.s32 $0xFFFFFF80  }
0xa9: {  	_ =	swait.ge @!p2 [sflag:s25], $0x80  }
0xaa: {  	[sflag:s25] =	ssyncset.done @!p2 $0x0  }
0xab: {  	[sflag:s25] =	ssyncadd.s32 @!p2 $0xFFFFFF80  }
0xac: {  	p1 =	sge.u32 s3, s2;
	_ =	swait.ge @!p2 [sflag:s25], $0x80  }
0xad: {  	s26 =	sadd.s32 @!p1 s23, s17;
	s28 =	simm.s32 @!p1 $0x0;
	[sflag:s25] =	ssyncset.done @!p2 $0x0  }
0xae: {  	s30 =	sadd.s32 @!p1 s23, s19;
	[sflag:s25] =	ssyncadd.s32 @!p2 $0xFFFFFF80;
	s25 =	simm.s32 @!p1 $0x4000  }
0xaf: {  	[tilespmem:s25], [sflag:$0x1] =	stream.linear.gather @!p1 [hbm4b:s26+s28], $0x80, $0x38;
	[tilespmem:$0x18580] =	vst v63  }
0xb0: {  	s23 =	smov.u32 s29;
	s25 =	simm.s32 @!p1 $0x4100  }
0xb1: {  	[tilespmem:s25], [sflag:$0x1] =	stream.linear.gather @!p1 [hbm4b:s30+s28], $0x80, $0x38;
	[tilespmem:$0x18580] =	vst v63  }
0xb2: {  	_ = 	snop  }
0xb3: {  	[tilespmem:s12], [sflag:$0x2] =	stream.indirect.gather [hbm4b:s22+s8], $0x80, s10, s8, $0xb8;
	[tilespmem:$0x18580] =	vst v63  }
0xb4: {  	_ =	swait.ge [sflag:s4], $0x4000  }
0xb5: {  	[sflag:s4] =	ssyncset.done $0x0  }
0xb6: {  	[sflag:s4] =	ssyncadd.s32 $0xFFFFC000  }
0xb7: {  	[spmem:s16] =	stream.indirect.scatter.add.f32 [tilespmem:s12], [sflag:$0x2], $0x80, s11, s8, $0xb8;
	[tilespmem:$0x18580] =	vst v63  }
0xb8: {  	_ =	swait.ge [sflag:s4], $0x4000  }
0xb9: {  	[sflag:s4] =	ssyncset.done $0x0  }
0xba: {  	[sflag:s4] =	ssyncadd.s32 $0xFFFFC000  }
0xbb: {  	[spmem:s18] =	stream.indirect.scatter.add.f32 [tilespmem:s9], [sflag:$0x2], $0x1, s11, s8, $0xb8;
	[tilespmem:$0x18580] =	vst v63  }
0xbc: {  	_ =	swait.ge [sflag:s4], $0x80  }
.Ltmp0:
0xbd: {  	s25 =	simm.s32 @!p1 $0x1;
	[sflag:s4] =	ssyncset.done $0x0;
	(pc) =	sbr.rel @p3 .LBB2_2-.Ltmp0, $4  }
0xbe: {  	[sflag:s4] =	ssyncadd.s32 $0xFFFFFF80  }
0xbf: {  	s3 =	sadd.s32 $0x20, s3;
	_ =	swait.ge @!p1 [sflag:s25], $0x80  }
0xc0: {  	s26 =	sadd.s32 $0xFFFFFFF0, s3;
	[sflag:s25] =	ssyncset.done @!p1 $0x0  }
0xc1: {  	p2 =	sge.u32 s26, s2;
	[sflag:s25] =	ssyncadd.s32 @!p1 $0xFFFFFF80  }
0xc2: {  	_ =	swait.ge @!p1 [sflag:s25], $0x80  }
0xc3: {  	s24 =	sadd.s32 @!p2 s23, s20;
	[sflag:s25] =	ssyncset.done @!p1 $0x0  }
0xc4: {  	s26 =	simm.s32 @!p2 $0x0;
	[sflag:s25] =	ssyncadd.s32 @!p1 $0xFFFFFF80;
	s25 =	simm.s32 @!p2 $0x4080  }
0xc5: {  	[tilespmem:s25], [sflag:$0x1] =	stream.linear.gather @!p2 [hbm4b:s24+s26], $0x80, $0x38;
	[tilespmem:$0x18580] =	vst v63  }
0xc6: {  	s24 =	sadd.s32 @!p2 s23, s21;
	s25 =	simm.s32 @!p2 $0x4180  }
0xc7: {  	[tilespmem:s25], [sflag:$0x1] =	stream.linear.gather @!p2 [hbm4b:s24+s26], $0x80, $0x38;
	[tilespmem:$0x18580] =	vst v63  }
0xc8: {  	_ = 	snop  }
0xc9: {  	[tilespmem:s12], [sflag:$0x2] =	stream.indirect.gather [hbm4b:s22+s8], $0x80, s5, s8, $0xb8;
	[tilespmem:$0x18580] =	vst v63  }
0xca: {  	_ =	swait.ge [sflag:s4], $0x4000  }
0xcb: {  	[sflag:s4] =	ssyncset.done $0x0  }
0xcc: {  	[sflag:s4] =	ssyncadd.s32 $0xFFFFC000  }
0xcd: {  	[spmem:s16] =	stream.indirect.scatter.add.f32 [tilespmem:s12], [sflag:$0x2], $0x80, s7, s8, $0xb8;
	[tilespmem:$0x18580] =	vst v63  }
0xce: {  	_ =	swait.ge [sflag:s4], $0x4000  }
0xcf: {  	[sflag:s4] =	ssyncset.done $0x0  }
0xd0: {  	[sflag:s4] =	ssyncadd.s32 $0xFFFFC000  }
0xd1: {  	[spmem:s18] =	stream.indirect.scatter.add.f32 [tilespmem:s9], [sflag:$0x2], $0x1, s7, s8, $0xb8;
	[tilespmem:$0x18580] =	vst v63  }
0xd2: {  	_ =	swait.ge [sflag:s4], $0x80  }
0xd3: {  	[sflag:s4] =	ssyncset.done $0x0  }
0xd4: {  	s24 =	simm.s32 @!p2 $0x1;
	[sflag:s4] =	ssyncadd.s32 $0xFFFFFF80  }
0xd5: {  	_ =	swait.ge @!p2 [sflag:s24], $0x80  }
0xd6: {  	[sflag:s24] =	ssyncset.done @!p2 $0x0  }
0xd7: {  	[sflag:s24] =	ssyncadd.s32 @!p2 $0xFFFFFF80  }
0xd8: {  	p1 =	sge.u32 s3, s2;
	_ =	swait.ge @!p2 [sflag:s24], $0x80  }
0xd9: {  	s3 =	sadd.s32 @!p1 s23, s17;
	[sflag:s24] =	ssyncset.done @!p2 $0x0  }
0xda: {  	s25 =	simm.s32 @!p1 $0x0;
	[sflag:s24] =	ssyncadd.s32 @!p2 $0xFFFFFF80;
	s24 =	simm.s32 @!p1 $0x4000  }
0xdb: {  	[tilespmem:s24], [sflag:$0x1] =	stream.linear.gather @!p1 [hbm4b:s3+s25], $0x80, $0x38;
	[tilespmem:$0x18580] =	vst v63  }
0xdc: {  	s3 =	sadd.s32 @!p1 s23, s19;
	s23 =	simm.s32 @!p1 $0x4100  }
0xdd: {  	[tilespmem:s23], [sflag:$0x1] =	stream.linear.gather @!p1 [hbm4b:s3+s25], $0x80, $0x38;
	[tilespmem:$0x18580] =	vst v63  }
0xde: {  	_ = 	snop  }
0xdf: {  	[tilespmem:s12], [sflag:$0x2] =	stream.indirect.gather [hbm4b:s22+s8], $0x80, s10, s8, $0xb8;
	[tilespmem:$0x18580] =	vst v63  }
0xe0: {  	_ =	swait.ge [sflag:s4], $0x4000  }
0xe1: {  	[sflag:s4] =	ssyncset.done $0x0  }
0xe2: {  	[sflag:s4] =	ssyncadd.s32 $0xFFFFC000  }
0xe3: {  	[spmem:s16] =	stream.indirect.scatter.add.f32 [tilespmem:s12], [sflag:$0x2], $0x80, s11, s8, $0xb8;
	[tilespmem:$0x18580] =	vst v63  }
0xe4: {  	_ =	swait.ge [sflag:s4], $0x4000  }
0xe5: {  	[sflag:s4] =	ssyncset.done $0x0  }
0xe6: {  	[sflag:s4] =	ssyncadd.s32 $0xFFFFC000  }
0xe7: {  	[spmem:s18] =	stream.indirect.scatter.add.f32 [tilespmem:s9], [sflag:$0x2], $0x1, s11, s8, $0xb8;
	[tilespmem:$0x18580] =	vst v63  }
0xe8: {  	_ =	swait.ge [sflag:s4], $0x80  }
0xe9: {  	[sflag:s4] =	ssyncset.done $0x0  }
0xea: {  	s3 =	simm.s32 @!p1 $0x1;
	[sflag:s4] =	ssyncadd.s32 $0xFFFFFF80  }
0xeb: {  	_ =	swait.ge @!p1 [sflag:s3], $0x80  }
0xec: {  	[sflag:s3] =	ssyncset.done @!p1 $0x0  }
0xed: {  	[sflag:s3] =	ssyncadd.s32 @!p1 $0xFFFFFF80  }
0xee: {  	_ =	swait.ge @!p1 [sflag:s3], $0x80  }
0xef: {  	s24 =	simm.s32 @!p0 $0x0;
	[sflag:s3] =	ssyncset.done @!p1 $0x0  }
0xf0: {  	s23 =	simm.s32 @!p0 $0x4000;
	[sflag:s3] =	ssyncadd.s32 @!p1 $0xFFFFFF80;
	s3 =	simm.s32 @!p0 $0x80  }
0xf1: {  	[tilespmem:s24], [sflag:$0x2] =	stream.indirect.gather @!p0 [hbm4b:s22+s3], $0x80, s23, s3, $0xb8;
	[tilespmem:$0x18580] =	vst v63  }
0xf2: {  	s23 =	simm.s32 @!p0 $0x2  }
0xf3: {  	_ =	swait.ge @!p0 [sflag:s23], $0x4000  }
0xf4: {  	[sflag:s23] =	ssyncset.done @!p0 $0x0  }
0xf5: {  	s25 =	simm.s32 @!p0 $0x4100;
	[sflag:s23] =	ssyncadd.s32 @!p0 $0xFFFFC000  }
0xf6: {  	[spmem:s16] =	stream.indirect.scatter.add.f32 @!p0 [tilespmem:s24], [sflag:$0x2], $0x80, s25, s3, $0xb8;
	[tilespmem:$0x18580] =	vst v63  }
0xf7: {  	_ =	swait.ge @!p0 [sflag:s23], $0x4000  }
0xf8: {  	[sflag:s23] =	ssyncset.done @!p0 $0x0  }
0xf9: {  	s24 =	simm.s32 @!p0 $0x4200;
	[sflag:s23] =	ssyncadd.s32 @!p0 $0xFFFFC000  }
0xfa: {  	[spmem:s18] =	stream.indirect.scatter.add.f32 @!p0 [tilespmem:s24], [sflag:$0x2], $0x1, s25, s3, $0xb8;
	[tilespmem:$0x18580] =	vst v63  }
0xfb: {  	_ =	swait.ge @!p0 [sflag:s23], $0x80  }
0xfc: {  	[sflag:s23] =	ssyncset.done @!p0 $0x0  }
0xfd: {  	[sflag:s23] =	ssyncadd.s32 @!p0 $0xFFFFFF80  }
0xfe: {  	[bflag:$0x0] =	sbarrier.arrive $0xFFFF  }
0xff: {  	[tilespmem:s12], [sflag:$0x2] =	stream.linear.gather [spmem:s0], $0x4000, $0x38;
	[tilespmem:$0x18580] =	vst v63  }
0x100: {  	_ =	swait.ge [sflag:s4], $0x4000  }
0x101: {  	[sflag:s4] =	ssyncset.done $0x0  }
0x102: {  	s25 =	rddreg [dreg:$0x5];
	[sflag:s4] =	ssyncadd.s32 $0xFFFFC000  }
0x103: {  	[hbm4b:s25+s12] =	stream.linear.scatter [tilespmem:s12], [sflag:$0x2], $0x4000, $0x38;
	[tilespmem:$0x18580] =	vst v63  }
0x104: {  	_ =	swait.ge [sflag:s4], $0x4000  }
0x105: {  	[sflag:s4] =	ssyncset.done $0x0  }
0x106: {  	[sflag:s4] =	ssyncadd.s32 $0xFFFFC000  }
0x107: {  	[tilespmem:s13], [sflag:$0x2] =	stream.linear.gather [spmem:s15], $0x80, $0x38;
	[tilespmem:$0x18580] =	vst v63  }
0x108: {  	_ =	swait.ge [sflag:s4], $0x80  }
0x109: {  	[sflag:s4] =	ssyncset.done $0x0  }
0x10a: {  	s26 =	rddreg [dreg:$0xa];
	[sflag:s4] =	ssyncadd.s32 $0xFFFFFF80  }
0x10b: {  	[hbm4b:s26+s12] =	stream.linear.scatter [tilespmem:s13], [sflag:$0x2], $0x80, $0x38;
	[tilespmem:$0x18580] =	vst v63  }
0x10c: {  	_ =	swait.ge [sflag:s4], $0x80  }
0x10d: {  	[sflag:s4] =	ssyncset.done $0x0  }
0x10e: {  	s26 =	rddreg [dreg:$0x18];
	[sflag:s4] =	ssyncadd.s32 $0xFFFFFF80  }
0x10f: {  	[tilespmem:s12], [sflag:$0x2] =	stream.linear.gather [spmem:s26], $0x4000, $0x38;
	[tilespmem:$0x18580] =	vst v63  }
0x110: {  	_ =	swait.ge [sflag:s4], $0x4000  }
0x111: {  	[sflag:s4] =	ssyncset.done $0x0  }
0x112: {  	s24 =	smov.u32 s0;
	s0 =	rddreg [dreg:$0x6];
	[sflag:s4] =	ssyncadd.s32 $0xFFFFC000  }
0x113: {  	[hbm4b:s0+s12] =	stream.linear.scatter [tilespmem:s12], [sflag:$0x2], $0x4000, $0x38;
	[tilespmem:$0x18580] =	vst v63  }
0x114: {  	_ =	swait.ge [sflag:s4], $0x4000  }
0x115: {  	[sflag:s4] =	ssyncset.done $0x0  }
0x116: {  	[sflag:s4] =	ssyncadd.s32 $0xFFFFC000  }
0x117: {  	[tilespmem:s13], [sflag:$0x2] =	stream.linear.gather [spmem:s1], $0x80, $0x38;
	[tilespmem:$0x18580] =	vst v63  }
0x118: {  	_ =	swait.ge [sflag:s4], $0x80  }
0x119: {  	[sflag:s4] =	ssyncset.done $0x0  }
0x11a: {  	s25 =	smov.u32 s15;
	s15 =	rddreg [dreg:$0xb];
	[sflag:s4] =	ssyncadd.s32 $0xFFFFFF80  }
0x11b: {  	[hbm4b:s15+s12] =	stream.linear.scatter [tilespmem:s13], [sflag:$0x2], $0x80, $0x38;
	[tilespmem:$0x18580] =	vst v63  }
0x11c: {  	_ =	swait.ge [sflag:s4], $0x80  }
0x11d: {  	[sflag:s4] =	ssyncset.done $0x0  }
0x11e: {  	s29 =	rddreg [dreg:$0x12];
	[sflag:s4] =	ssyncadd.s32 $0xFFFFFF80  }
0x11f: {  	[tilespmem:s12], [sflag:$0x2] =	stream.linear.gather [spmem:s29], $0x4000, $0x38;
	[tilespmem:$0x18580] =	vst v63  }
0x120: {  	_ =	swait.ge [sflag:s4], $0x4000  }
0x121: {  	[sflag:s4] =	ssyncset.done $0x0  }
0x122: {  	s23 =	rddreg [dreg:$0x7];
	[sflag:s4] =	ssyncadd.s32 $0xFFFFC000  }
0x123: {  	[hbm4b:s23+s12] =	stream.linear.scatter [tilespmem:s12], [sflag:$0x2], $0x4000, $0x38;
	[tilespmem:$0x18580] =	vst v63  }
0x124: {  	_ =	swait.ge [sflag:s4], $0x4000  }
0x125: {  	[sflag:s4] =	ssyncset.done $0x0  }
0x126: {  	s30 =	rddreg [dreg:$0x13];
	[sflag:s4] =	ssyncadd.s32 $0xFFFFC000  }
0x127: {  	[tilespmem:s13], [sflag:$0x2] =	stream.linear.gather [spmem:s30], $0x80, $0x38;
	[tilespmem:$0x18580] =	vst v63  }
0x128: {  	_ =	swait.ge [sflag:s4], $0x80  }
0x129: {  	[sflag:s4] =	ssyncset.done $0x0  }
0x12a: {  	s0 =	rddreg [dreg:$0xc];
	[sflag:s4] =	ssyncadd.s32 $0xFFFFFF80  }
0x12b: {  	[hbm4b:s0+s12] =	stream.linear.scatter [tilespmem:s13], [sflag:$0x2], $0x80, $0x38;
	[tilespmem:$0x18580] =	vst v63  }
0x12c: {  	_ =	swait.ge [sflag:s4], $0x80  }
0x12d: {  	[sflag:s4] =	ssyncset.done $0x0  }
0x12e: {  	s23 =	rddreg [dreg:$0x14];
	[sflag:s4] =	ssyncadd.s32 $0xFFFFFF80  }
0x12f: {  	[tilespmem:s12], [sflag:$0x2] =	stream.linear.gather [spmem:s23], $0x4000, $0x38;
	[tilespmem:$0x18580] =	vst v63  }
0x130: {  	_ =	swait.ge [sflag:s4], $0x4000  }
0x131: {  	[sflag:s4] =	ssyncset.done $0x0  }
0x132: {  	s28 =	smov.u32 s1;
	s1 =	rddreg [dreg:$0x8];
	[sflag:s4] =	ssyncadd.s32 $0xFFFFC000  }
0x133: {  	[hbm4b:s1+s12] =	stream.linear.scatter [tilespmem:s12], [sflag:$0x2], $0x4000, $0x38;
	[tilespmem:$0x18580] =	vst v63  }
0x134: {  	_ =	swait.ge [sflag:s4], $0x4000  }
0x135: {  	[sflag:s4] =	ssyncset.done $0x0  }
0x136: {  	s1 =	rddreg [dreg:$0x15];
	[sflag:s4] =	ssyncadd.s32 $0xFFFFC000  }
0x137: {  	[tilespmem:s13], [sflag:$0x2] =	stream.linear.gather [spmem:s1], $0x80, $0x38;
	[tilespmem:$0x18580] =	vst v63  }
0x138: {  	_ =	swait.ge [sflag:s4], $0x80  }
0x139: {  	[sflag:s4] =	ssyncset.done $0x0  }
0x13a: {  	s15 =	rddreg [dreg:$0xd];
	[sflag:s4] =	ssyncadd.s32 $0xFFFFFF80  }
0x13b: {  	[hbm4b:s15+s12] =	stream.linear.scatter [tilespmem:s13], [sflag:$0x2], $0x80, $0x38;
	[tilespmem:$0x18580] =	vst v63  }
0x13c: {  	_ =	swait.ge [sflag:s4], $0x80  }
0x13d: {  	[sflag:s4] =	ssyncset.done $0x0  }
0x13e: {  	s15 =	rddreg [dreg:$0x16];
	[sflag:s4] =	ssyncadd.s32 $0xFFFFFF80  }
0x13f: {  	[tilespmem:s12], [sflag:$0x2] =	stream.linear.gather [spmem:s15], $0x4000, $0x38;
	[tilespmem:$0x18580] =	vst v63  }
0x140: {  	_ =	swait.ge [sflag:s4], $0x4000  }
0x141: {  	[sflag:s4] =	ssyncset.done $0x0  }
0x142: {  	s0 =	rddreg [dreg:$0x9];
	[sflag:s4] =	ssyncadd.s32 $0xFFFFC000  }
0x143: {  	[hbm4b:s0+s12] =	stream.linear.scatter [tilespmem:s12], [sflag:$0x2], $0x4000, $0x38;
	[tilespmem:$0x18580] =	vst v63  }
0x144: {  	_ =	swait.ge [sflag:s4], $0x4000  }
0x145: {  	[sflag:s4] =	ssyncset.done $0x0  }
0x146: {  	s31 =	rddreg [dreg:$0x17];
	[sflag:s4] =	ssyncadd.s32 $0xFFFFC000  }
0x147: {  	[tilespmem:s13], [sflag:$0x2] =	stream.linear.gather [spmem:s31], $0x80, $0x38;
	[tilespmem:$0x18580] =	vst v63  }
0x148: {  	_ =	swait.ge [sflag:s4], $0x80  }
0x149: {  	[sflag:s4] =	ssyncset.done $0x0  }
0x14a: {  	s0 =	rddreg [dreg:$0xe];
	[sflag:s4] =	ssyncadd.s32 $0xFFFFFF80  }
0x14b: {  	[hbm4b:s0+s12] =	stream.linear.scatter [tilespmem:s13], [sflag:$0x2], $0x80, $0x38;
	[tilespmem:$0x18580] =	vst v63  }
0x14c: {  	_ =	swait.ge [sflag:s4], $0x80  }
0x14d: {  	s14 =	sadd.s32 $0x1, s14;
	s3 =	rddreg [dreg:$0x19]  }
0x14e: {  	p1 =	sne.s32 s14, s3  }
.Ltmp1:
0x14f: {  	_ = 	snop;
	(pc) =	sbr.rel @p1 .LBB2_1-.Ltmp1, $3  }
0x150: {  	_ =	sdelay $0x1  }
0x151: {  	[sflag:s4] =	ssyncset.done $0x0  }
0x152: {  	[sflag:s4] =	ssyncadd.s32 $0xFFFFFF80  }
0x153: {  	_ =	sfence.sel $0x180000  }
0x154: {  	[bflag:$0x0] =	sbarrier.arrive $0xFFFF  }
0x155: {  	_ =	strace $0x90000047  }
0x156: {  	s0 =	stileid.u32;
	[bflag:$0x2] =	sbarrier.arrive $0xFFFF  }
0x157: {  	p0 =	sne.s32 s0, $0x0;
	s0 =	rddreg [dreg:$0x4]  }
0x158: {  	s0 =	sadd.s32 @!p0 $0x100000, s0  }
0x159: {  	[sflag:s0] =	ssyncadd.tile.s32 @!p0 $0x1;
	_ =	shalt  }
.Lfunc_end2:
_tile_overlayer_lowered:
.L_overlay_start_2:
0x15a: {  	(tag) =	ssettag $0x2  }
0x15b: {  	s0 =	rddreg [dreg:$0x0];
	s2 =	stileid.u32  }
0x15c: {  	s1 =	rddreg [dreg:$0x1];
	p0 =	sne.s32 s2, $0x0  }
0x15d: {  	s3 =	rddreg [dreg:$0x2];
	[bflag:$0x3] =	sbarrier.arrive $0xFFFF;
	s2 =	simm.s32 @!p0 $0x1C02  }
0x15e: {  	[timem:s3], [sflag:s2] =	dma.local @!p0 [hbm:s0], s1  }
0x15f: {  	s0 =	simm.s32 @!p0 $0x2  }
0x160: {  	_ =	swait.ge @!p0 [sflag:s0], s1  }
0x161: {  	s1 =	ssub.s32 @!p0 $0x0, s1;
	[sflag:s0] =	ssyncset.done @!p0 $0x0  }
0x162: {  	[sflag:s0] =	ssyncadd.s32 @!p0 s1  }
0x163: {  	[bflag:$0x3] =	sbarrier.arrive $0xFFFF  }
0x164: {  	_ =	shalt  }

</sc_bundles>
